<compile_context>
chip_gen: v7x
topology: tpu7x:2x2x1
jax: 0.10.2.dev20260603
libtpu: 0.0.44.dev20260713+nightly
codegen_flags: <defaults>
</compile_context>

<pallas_src>
import functools

import jax
import jax.numpy as jnp
from jax import lax
from jax.experimental import pallas as pl
from jax.experimental.pallas import tpu as pltpu
from jax.experimental.pallas import tpu_sc as plsc

N_NODES = 10000
N_EDGES = 320000
D_FEAT = 128
D_HID = 16
N_CLASSES = 7

NC = 2
NS = 16
NW = NC * NS
NPAD = 10240
PK = 8
PROWS = NPAD // PK
XROWS = N_NODES // PK
EPW = N_EDGES // NW
CHUNK = 125
NCHUNK = EPW // CHUNK
NB = 4
ROWS_PT = NPAD // NS
PROWS_PT = PROWS // NS


def _mesh():
    return plsc.VectorSubcoreMesh(core_axis_name="c", subcore_axis_name="s")


_SC_PARAMS = pltpu.CompilerParams(use_tc_tiling_on_sc=False,
                                  needs_layout_passes=False)


@functools.partial(
    pl.kernel,
    out_type=jax.ShapeDtypeStruct((NC, PROWS, 128), jnp.float32),
    mesh=_mesh(),
    compiler_params=_SC_PARAMS,
    scratch_types=[
        pltpu.VMEM((NCHUNK, CHUNK), jnp.int32),
        pltpu.VMEM((CHUNK,), jnp.float32),
        pltpu.VMEM((ROWS_PT,), jnp.float32),
        pltpu.VMEM((PROWS_PT, 128), jnp.float32),
        pltpu.VMEM_SHARED((NPAD,), jnp.float32),
        pltpu.SemaphoreType.DMA,
    ],
)
def _sc_degree(ei_hbm, out_hbm, dstb, onesb, degt, repb, degsh, sem):
    c = lax.axis_index("c")
    s = lax.axis_index("s")
    wid = c * NS + s
    row0 = s * ROWS_PT

    @pl.loop(0, ROWS_PT // 16)
    def _(i):
        degt[pl.ds(i * 16, 16)] = jnp.zeros((16,), jnp.float32)

    for o in (0, 16, 32, 48, 64, 80, 96, CHUNK - 16):
        onesb[pl.ds(o, 16)] = jnp.ones((16,), jnp.float32)

    pltpu.sync_copy(degt, degsh.at[pl.ds(row0, ROWS_PT)])
    pltpu.sync_copy(ei_hbm.at[1, wid], dstb)
    plsc.subcore_barrier()

    @pl.loop(0, NCHUNK, step=8)
    def _(j0):
        @pl.loop(0, 8)
        def _(b):
            pltpu.async_copy(onesb, degsh.at[dstb.at[j0 + b]], sem, add=True)

        @pl.loop(0, 8)
        def _(b):
            pltpu.make_async_copy(onesb, degsh.at[dstb.at[0]], sem).wait()

    plsc.subcore_barrier()

    pltpu.sync_copy(degsh.at[pl.ds(row0, ROWS_PT)], degt)

    @pl.loop(0, ROWS_PT // 16)
    def _(ii):
        d16 = degt[pl.ds(ii * 16, 16)]
        for k in range(16):
            repb[ii * 2 + k // PK, pl.ds((k % PK) * 16, 16)] = (
                jnp.zeros((16,), jnp.float32) + d16[k])

    pltpu.sync_copy(repb, out_hbm.at[c, pl.ds(s * PROWS_PT, PROWS_PT)])


@functools.partial(
    pl.kernel,
    out_type=jax.ShapeDtypeStruct((NC, PROWS, 128), jnp.float32),
    mesh=_mesh(),
    compiler_params=_SC_PARAMS,
    scratch_types=[
        pltpu.VMEM((NCHUNK, CHUNK), jnp.int32),
        pltpu.VMEM((NCHUNK, CHUNK), jnp.int32),
        [pltpu.VMEM((CHUNK, D_HID), jnp.float32) for _ in range(NB)],
        pltpu.VMEM((PROWS_PT, 128), jnp.float32),
        pltpu.VMEM((ROWS_PT, D_HID), jnp.float32),
        pltpu.VMEM_SHARED((NPAD, D_HID), jnp.float32),
        pltpu.VMEM_SHARED((NPAD, D_HID), jnp.float32),
        [pltpu.SemaphoreType.DMA for _ in range(NB)],
        [pltpu.SemaphoreType.DMA for _ in range(NB)],
    ],
)
def _sc_agg(g_hbm, ei_hbm, out_hbm, srcb, dstb, rowsb, pbuf, ubuf,
            aggsh, gsh, gsem, ssem):
    c = lax.axis_index("c")
    s = lax.axis_index("s")
    wid = c * NS + s
    row0 = s * ROWS_PT
    prow0 = s * PROWS_PT

    pltpu.sync_copy(g_hbm.at[pl.ds(prow0, PROWS_PT)], pbuf)
    pltpu.sync_copy(ei_hbm.at[0, wid], srcb)
    pltpu.sync_copy(ei_hbm.at[1, wid], dstb)

    @pl.loop(0, PROWS_PT)
    def _(r):
        for k in range(PK):
            ubuf[r * PK + k, :] = pbuf[r, pl.ds(k * 16, 16)]

    pltpu.sync_copy(ubuf, gsh.at[pl.ds(row0, ROWS_PT)])

    @pl.loop(0, ROWS_PT)
    def _(i):
        ubuf[i, :] = jnp.zeros((D_HID,), jnp.float32)

    pltpu.sync_copy(ubuf, aggsh.at[pl.ds(row0, ROWS_PT)])
    plsc.subcore_barrier()

    def start_gather(j, b):
        pltpu.async_copy(gsh.at[srcb.at[j]], rowsb[b], gsem[b])

    def wait_gather(b):
        pltpu.make_async_copy(gsh.at[srcb.at[0]], rowsb[b], gsem[b]).wait()

    def start_scatter(j, b):
        pltpu.async_copy(rowsb[b], aggsh.at[dstb.at[j]], ssem[b], add=True)

    def wait_scatter(b):
        pltpu.make_async_copy(rowsb[b], aggsh.at[dstb.at[0]], ssem[b]).wait()

    for b in range(NB):
        start_gather(b, b)

    @pl.loop(0, (NCHUNK - NB) // NB)
    def _(gg):
        base = gg * NB
        for b in range(NB):
            j = base + b
            wait_gather(b)
            start_scatter(j, b)
            wait_scatter(b)
            start_gather(j + NB, b)

    for b in range(NB):
        j = NCHUNK - NB + b
        wait_gather(b)
        start_scatter(j, b)
        wait_scatter(b)

    plsc.subcore_barrier()

    pltpu.sync_copy(aggsh.at[pl.ds(row0, ROWS_PT)], ubuf)

    @pl.loop(0, PROWS_PT)
    def _(r):
        for k in range(PK):
            pbuf[r, pl.ds(k * 16, 16)] = ubuf[r * PK + k, :]

    pltpu.sync_copy(pbuf, out_hbm.at[c, pl.ds(prow0, PROWS_PT)])


def _tc_matmul_body(x_ref, w_ref, o_ref):
    for k in range(PK):
        o_ref[:XROWS, k * D_HID:(k + 1) * D_HID] = jnp.dot(
            x_ref[:, k, :], w_ref[...], preferred_element_type=jnp.float32)
    o_ref[XROWS:, :] = jnp.zeros((PROWS - XROWS, 128), jnp.float32)


_tc_matmul = pl.pallas_call(
    _tc_matmul_body,
    out_shape=jax.ShapeDtypeStruct((PROWS, 128), jnp.float32),
)


def _tc_scale1_body(h_ref, degp_ref, g_ref, norm_ref):
    deg = degp_ref[0] + degp_ref[1]
    norm = lax.rsqrt(jnp.maximum(deg, 1.0))
    norm_ref[...] = norm
    g_ref[...] = h_ref[...] * norm


_tc_scale1 = pl.pallas_call(
    _tc_scale1_body,
    out_shape=[
        jax.ShapeDtypeStruct((PROWS, 128), jnp.float32),
        jax.ShapeDtypeStruct((PROWS, 128), jnp.float32),
    ],
)


def _tc_scale2_body(p_ref, norm_ref, b1_ref, w2bd_ref, g2_ref):
    norm = norm_ref[...]
    h1 = jnp.maximum(norm * (p_ref[0] + p_ref[1]) + b1_ref[...], 0.0)
    g2_ref[...] = jnp.dot(h1, w2bd_ref[...],
                          preferred_element_type=jnp.float32) * norm


_tc_scale2 = pl.pallas_call(
    _tc_scale2_body,
    out_shape=jax.ShapeDtypeStruct((PROWS, 128), jnp.float32),
)


def _tc_scale3_body(p_ref, norm_ref, b2_ref, o_ref):
    o_ref[...] = norm_ref[...] * (p_ref[0] + p_ref[1]) + b2_ref[...]


_tc_scale3 = pl.pallas_call(
    _tc_scale3_body,
    out_shape=jax.ShapeDtypeStruct((PROWS, 128), jnp.float32),
)


def kernel(x, edge_index, W1, b1, W2, b2):
    ei = edge_index.reshape(2, NW, NCHUNK, CHUNK)
    x3 = x.reshape(XROWS, PK, D_FEAT)
    w2p = jnp.zeros((D_HID, D_HID), jnp.float32).at[:, :N_CLASSES].set(W2)
    w2bd = jnp.kron(jnp.eye(PK, dtype=jnp.float32), w2p)
    b1t = jnp.tile(b1, PK).reshape(1, 128)
    b2p = jnp.zeros((D_HID,), jnp.float32).at[:N_CLASSES].set(b2)
    b2t = jnp.tile(b2p, PK).reshape(1, 128)

    h = _tc_matmul(x3, W1)
    degp = _sc_degree(ei)
    g1, norm = _tc_scale1(h, degp)
    p1 = _sc_agg(g1, ei)
    g2 = _tc_scale2(p1, norm, b1t, w2bd)
    p2 = _sc_agg(g2, ei)
    out = _tc_scale3(p2, norm, b2t)
    return out.reshape(NPAD, D_HID)[:N_NODES, :N_CLASSES]

# --- scband reference (transcript-rebuilt; emitter-appended) ---
"""Pipeline reference for scband-net-88141318849015 (READ-ONLY COPY).

The authoritative reference and input builder live on the scoring server;
editing this copy changes nothing except your own understanding.
"""

import jax, jax.numpy as jnp
import numpy as np

N_NODES = 10000
N_EDGES = 320000
D_FEAT = 128
D_HID = 16
N_CLASSES = 7


def setup_inputs(seed: int = 0) -> dict:
    key = jax.random.key(seed)
    k1, k2, k3, k4 = jax.random.split(key, 4)
    x = jax.random.normal(k1, (N_NODES, D_FEAT), dtype=jnp.float32)
    edge_index = jax.random.randint(k2, (2, N_EDGES), 0, N_NODES, dtype=jnp.int32)
    W1 = jax.random.normal(k3, (D_FEAT, D_HID), dtype=jnp.float32) * (1.0 / np.sqrt(D_FEAT))
    b1 = jnp.zeros((D_HID,), dtype=jnp.float32)
    W2 = jax.random.normal(k4, (D_HID, N_CLASSES), dtype=jnp.float32) * (1.0 / np.sqrt(D_HID))
    b2 = jnp.zeros((N_CLASSES,), dtype=jnp.float32)
    return {"x": x, "edge_index": edge_index, "W1": W1, "b1": b1, "W2": W2, "b2": b2}


def _gcn_layer(x, edge_index, W, b):
    # GCN layer: h = D^{-1/2} A D^{-1/2} (X W) + b, implemented as
    # gather(src) -> edge-wise scale -> scatter-add(dst)
    src = edge_index[0]
    dst = edge_index[1]
    N = x.shape[0]
    deg = jnp.zeros((N,), dtype=jnp.float32).at[dst].add(1.0)
    deg = jnp.maximum(deg, 1.0)
    norm = jax.lax.rsqrt(deg)
    h = x @ W
    msg = jnp.take(h, src, axis=0) * (jnp.take(norm, src) * jnp.take(norm, dst))[:, None]
    agg = jnp.zeros((N, W.shape[1]), dtype=jnp.float32).at[dst].add(msg)
    return agg + b


def reference(x, edge_index, W1, b1, W2, b2):
    h = jax.nn.relu(_gcn_layer(x, edge_index, W1, b1))
    out = _gcn_layer(h, edge_index, W2, b2)
    return out

if __name__ == "__main__":
    import jax
    _d = setup_inputs()
    print(jax.jit(kernel)(*tuple(_d.values())))

</pallas_src>

<mosaic_0001>
#map = affine_map<(d0, d1) -> (0, 0)>
#map1 = affine_map<(d0, d1) -> (0, 0, 0, 0)>
#map2 = affine_map<(d0, d1) -> (0, 0, 0)>
module attributes {stable_mosaic.version = 14 : i64} {
  func.func @_sc_agg(%arg0: i32, %arg1: i32, %arg2: memref<1280x128xf32, #tpu.memory_space<hbm>>, %arg3: memref<2x32x80x125xi32, #tpu.memory_space<hbm>>, %arg4: memref<2x1280x128xf32, #tpu.memory_space<hbm>>, %arg5: memref<80x125xi32, #tpu.memory_space<vmem>>, %arg6: memref<80x125xi32, #tpu.memory_space<vmem>>, %arg7: memref<125x16xf32, #tpu.memory_space<vmem>>, %arg8: memref<125x16xf32, #tpu.memory_space<vmem>>, %arg9: memref<125x16xf32, #tpu.memory_space<vmem>>, %arg10: memref<125x16xf32, #tpu.memory_space<vmem>>, %arg11: memref<80x128xf32, #tpu.memory_space<vmem>>, %arg12: memref<640x16xf32, #tpu.memory_space<vmem>>, %arg13: memref<10240x16xf32, #tpu.memory_space<vmem_shared>>, %arg14: memref<10240x16xf32, #tpu.memory_space<vmem_shared>>, %arg15: memref<!tpu.dma_semaphore, #tpu.memory_space<semaphore_mem>>, %arg16: memref<!tpu.dma_semaphore, #tpu.memory_space<semaphore_mem>>, %arg17: memref<!tpu.dma_semaphore, #tpu.memory_space<semaphore_mem>>, %arg18: memref<!tpu.dma_semaphore, #tpu.memory_space<semaphore_mem>>, %arg19: memref<!tpu.dma_semaphore, #tpu.memory_space<semaphore_mem>>, %arg20: memref<!tpu.dma_semaphore, #tpu.memory_space<semaphore_mem>>, %arg21: memref<!tpu.dma_semaphore, #tpu.memory_space<semaphore_mem>>, %arg22: memref<!tpu.dma_semaphore, #tpu.memory_space<semaphore_mem>>) attributes {dimension_semantics = [#tpu.dimension_semantics<core_parallel>, #tpu.dimension_semantics<subcore_parallel>], iteration_bounds = array<i64: 2, 16>, scalar_prefetch = 0 : i64, scratch_operands = 18 : i64, tpu.core_type = #tpu.core_type<sc_vector_subcore>, window_params = [{transform_indices = #map}, {transform_indices = #map1}, {transform_indices = #map2}]} {
    %mul3A = arith.constant 16 : i32
    %mul3A_0 = arith.muli %arg0, %mul3A : i32
    %add3A = arith.addi %mul3A_0, %arg1 : i32
    %mul3A_1 = arith.constant 640 : i32
    %mul3A_2 = arith.muli %arg1, %mul3A_1 : i32
    %mul3A_3 = arith.constant 80 : i32
    %mul3A_4 = arith.muli %arg1, %mul3A_3 : i32
    "tpu.region"() ({
      %run_scoped3A_136 = tpu.sem_alloc : memref<!tpu.dma_semaphore, #tpu.memory_space<semaphore_mem>>
      %dma_start3A_137 = arith.constant 0 : i32
      %dma_start3A_138 = tpu.memref_slice %arg2[%mul3A_4, %dma_start3A_137] : memref<1280x128xf32, #tpu.memory_space<hbm>> -> memref<80x128xf32, #tpu.memory_space<hbm>>
      %dma_start3A_139 = arith.constant 0 : i32
      %dma_start3A_140 = tpu.memref_slice %arg2[%mul3A_4, %dma_start3A_139] : memref<1280x128xf32, #tpu.memory_space<hbm>> -> memref<80x128xf32, #tpu.memory_space<hbm>>
      tpu.enqueue_dma source(%dma_start3A_140 : memref<80x128xf32, #tpu.memory_space<hbm>>) target(%arg11 : memref<80x128xf32, #tpu.memory_space<vmem>>) target_semaphore(%run_scoped3A_136 : memref<!tpu.dma_semaphore, #tpu.memory_space<semaphore_mem>>)
      %dma_wait3A_141 = arith.constant 0 : i32
      %dma_wait3A_142 = tpu.memref_slice %arg2[%mul3A_4, %dma_wait3A_141] : memref<1280x128xf32, #tpu.memory_space<hbm>> -> memref<80x128xf32, #tpu.memory_space<hbm>>
      %dma_wait3A_143 = arith.constant 0 : i32
      %dma_wait3A_144 = tpu.memref_slice %arg2[%mul3A_4, %dma_wait3A_143] : memref<1280x128xf32, #tpu.memory_space<hbm>> -> memref<80x128xf32, #tpu.memory_space<hbm>>
      tpu.wait_dma2 semaphore(%run_scoped3A_136 : memref<!tpu.dma_semaphore, #tpu.memory_space<semaphore_mem>>) src(%dma_wait3A_144 : memref<80x128xf32, #tpu.memory_space<hbm>>) dst(%arg11 : memref<80x128xf32, #tpu.memory_space<vmem>>)
      tpu.yield
    }) : () -> ()
    %run_scoped3A = arith.constant 0 : i32
    "tpu.region"() ({
      %run_scoped3A_136 = tpu.sem_alloc : memref<!tpu.dma_semaphore, #tpu.memory_space<semaphore_mem>>
      %dma_start3A_137 = arith.constant 0 : i32
      %dma_start3A_138 = arith.constant 0 : i32
      %dma_start3A_139 = tpu.memref_slice %arg3[%run_scoped3A, %add3A, %dma_start3A_137, %dma_start3A_138] : memref<2x32x80x125xi32, #tpu.memory_space<hbm>> -> memref<1x1x80x125xi32, #tpu.memory_space<hbm>>
      %dma_start3A_140 = tpu.memref_squeeze %dma_start3A_139 : memref<1x1x80x125xi32, #tpu.memory_space<hbm>> -> memref<80x125xi32, #tpu.memory_space<hbm>>
      %dma_start3A_141 = arith.constant 0 : i32
      %dma_start3A_142 = arith.constant 0 : i32
      %dma_start3A_143 = tpu.memref_slice %arg3[%run_scoped3A, %add3A, %dma_start3A_141, %dma_start3A_142] : memref<2x32x80x125xi32, #tpu.memory_space<hbm>> -> memref<1x1x80x125xi32, #tpu.memory_space<hbm>>
      %dma_start3A_144 = tpu.memref_squeeze %dma_start3A_143 : memref<1x1x80x125xi32, #tpu.memory_space<hbm>> -> memref<80x125xi32, #tpu.memory_space<hbm>>
      tpu.enqueue_dma source(%dma_start3A_144 : memref<80x125xi32, #tpu.memory_space<hbm>>) target(%arg5 : memref<80x125xi32, #tpu.memory_space<vmem>>) target_semaphore(%run_scoped3A_136 : memref<!tpu.dma_semaphore, #tpu.memory_space<semaphore_mem>>)
      %dma_wait3A_145 = arith.constant 0 : i32
      %dma_wait3A_146 = arith.constant 0 : i32
      %dma_wait3A_147 = tpu.memref_slice %arg3[%run_scoped3A, %add3A, %dma_wait3A_145, %dma_wait3A_146] : memref<2x32x80x125xi32, #tpu.memory_space<hbm>> -> memref<1x1x80x125xi32, #tpu.memory_space<hbm>>
      %dma_wait3A_148 = tpu.memref_squeeze %dma_wait3A_147 : memref<1x1x80x125xi32, #tpu.memory_space<hbm>> -> memref<80x125xi32, #tpu.memory_space<hbm>>
      %dma_wait3A_149 = arith.constant 0 : i32
      %dma_wait3A_150 = arith.constant 0 : i32
      %dma_wait3A_151 = tpu.memref_slice %arg3[%run_scoped3A, %add3A, %dma_wait3A_149, %dma_wait3A_150] : memref<2x32x80x125xi32, #tpu.memory_space<hbm>> -> memref<1x1x80x125xi32, #tpu.memory_space<hbm>>
      %dma_wait3A_152 = tpu.memref_squeeze %dma_wait3A_151 : memref<1x1x80x125xi32, #tpu.memory_space<hbm>> -> memref<80x125xi32, #tpu.memory_space<hbm>>
      tpu.wait_dma2 semaphore(%run_scoped3A_136 : memref<!tpu.dma_semaphore, #tpu.memory_space<semaphore_mem>>) src(%dma_wait3A_152 : memref<80x125xi32, #tpu.memory_space<hbm>>) dst(%arg5 : memref<80x125xi32, #tpu.memory_space<vmem>>)
      tpu.yield
    }) : () -> ()
    %run_scoped3A_5 = arith.constant 1 : i32
    "tpu.region"() ({
      %run_scoped3A_136 = tpu.sem_alloc : memref<!tpu.dma_semaphore, #tpu.memory_space<semaphore_mem>>
      %dma_start3A_137 = arith.constant 0 : i32
      %dma_start3A_138 = arith.constant 0 : i32
      %dma_start3A_139 = tpu.memref_slice %arg3[%run_scoped3A_5, %add3A, %dma_start3A_137, %dma_start3A_138] : memref<2x32x80x125xi32, #tpu.memory_space<hbm>> -> memref<1x1x80x125xi32, #tpu.memory_space<hbm>>
      %dma_start3A_140 = tpu.memref_squeeze %dma_start3A_139 : memref<1x1x80x125xi32, #tpu.memory_space<hbm>> -> memref<80x125xi32, #tpu.memory_space<hbm>>
      %dma_start3A_141 = arith.constant 0 : i32
      %dma_start3A_142 = arith.constant 0 : i32
      %dma_start3A_143 = tpu.memref_slice %arg3[%run_scoped3A_5, %add3A, %dma_start3A_141, %dma_start3A_142] : memref<2x32x80x125xi32, #tpu.memory_space<hbm>> -> memref<1x1x80x125xi32, #tpu.memory_space<hbm>>
      %dma_start3A_144 = tpu.memref_squeeze %dma_start3A_143 : memref<1x1x80x125xi32, #tpu.memory_space<hbm>> -> memref<80x125xi32, #tpu.memory_space<hbm>>
      tpu.enqueue_dma source(%dma_start3A_144 : memref<80x125xi32, #tpu.memory_space<hbm>>) target(%arg6 : memref<80x125xi32, #tpu.memory_space<vmem>>) target_semaphore(%run_scoped3A_136 : memref<!tpu.dma_semaphore, #tpu.memory_space<semaphore_mem>>)
      %dma_wait3A_145 = arith.constant 0 : i32
      %dma_wait3A_146 = arith.constant 0 : i32
      %dma_wait3A_147 = tpu.memref_slice %arg3[%run_scoped3A_5, %add3A, %dma_wait3A_145, %dma_wait3A_146] : memref<2x32x80x125xi32, #tpu.memory_space<hbm>> -> memref<1x1x80x125xi32, #tpu.memory_space<hbm>>
      %dma_wait3A_148 = tpu.memref_squeeze %dma_wait3A_147 : memref<1x1x80x125xi32, #tpu.memory_space<hbm>> -> memref<80x125xi32, #tpu.memory_space<hbm>>
      %dma_wait3A_149 = arith.constant 0 : i32
      %dma_wait3A_150 = arith.constant 0 : i32
      %dma_wait3A_151 = tpu.memref_slice %arg3[%run_scoped3A_5, %add3A, %dma_wait3A_149, %dma_wait3A_150] : memref<2x32x80x125xi32, #tpu.memory_space<hbm>> -> memref<1x1x80x125xi32, #tpu.memory_space<hbm>>
      %dma_wait3A_152 = tpu.memref_squeeze %dma_wait3A_151 : memref<1x1x80x125xi32, #tpu.memory_space<hbm>> -> memref<80x125xi32, #tpu.memory_space<hbm>>
      tpu.wait_dma2 semaphore(%run_scoped3A_136 : memref<!tpu.dma_semaphore, #tpu.memory_space<semaphore_mem>>) src(%dma_wait3A_152 : memref<80x125xi32, #tpu.memory_space<hbm>>) dst(%arg6 : memref<80x125xi32, #tpu.memory_space<vmem>>)
      tpu.yield
    }) : () -> ()
    %scan3A = arith.constant 0 : i32
    %scan3A_6 = arith.constant 80 : i32
    %scan3A_7 = arith.addi %scan3A, %scan3A_6 : i32
    %scan3A_8 = arith.constant 1 : i32
    scf.for %scan3A_136 = %scan3A to %scan3A_7 step %scan3A_8  : i32 {
      %mul3A_137 = arith.constant 1 : i32
      %mul3A_138 = arith.muli %scan3A_136, %mul3A_137 : i32
      %add3A_139 = arith.constant 0 : i32
      %add3A_140 = arith.addi %add3A_139, %mul3A_138 : i32
      %get3A = arith.index_cast %add3A_140 : i32 to index
      %get3A_141 = arith.constant 0 : index
      %get3A_142 = tpu.vector_load %arg11[%get3A, %get3A_141] {strides = array<i32>} : memref<80x128xf32, #tpu.memory_space<vmem>>, vector<16xf32>,
      %mul3A_143 = arith.constant 8 : i32
      %mul3A_144 = arith.muli %add3A_140, %mul3A_143 : i32
      %add3A_145 = arith.constant 0 : i32
      %add3A_146 = arith.addi %mul3A_144, %add3A_145 : i32
      %swap3A = arith.index_cast %add3A_146 : i32 to index
      %swap3A_147 = arith.constant 0 : index
      %swap3A_148 = tpu.vector_load %arg12[%swap3A, %swap3A_147] {strides = array<i32>} : memref<640x16xf32, #tpu.memory_space<vmem>>, vector<16xf32>,
      tpu.vector_store %arg12[%swap3A, %swap3A_147], %get3A_142 {strides = array<i32>} : memref<640x16xf32, #tpu.memory_space<vmem>>, vector<16xf32>,
      %get3A_149 = arith.index_cast %add3A_140 : i32 to index
      %get3A_150 = arith.constant 16 : index
      %get3A_151 = tpu.vector_load %arg11[%get3A_149, %get3A_150] {strides = array<i32>} : memref<80x128xf32, #tpu.memory_space<vmem>>, vector<16xf32>,
      %mul3A_152 = arith.constant 8 : i32
      %mul3A_153 = arith.muli %add3A_140, %mul3A_152 : i32
      %add3A_154 = arith.constant 1 : i32
      %add3A_155 = arith.addi %mul3A_153, %add3A_154 : i32
      %swap3A_156 = arith.index_cast %add3A_155 : i32 to index
      %swap3A_157 = arith.constant 0 : index
      %swap3A_158 = tpu.vector_load %arg12[%swap3A_156, %swap3A_157] {strides = array<i32>} : memref<640x16xf32, #tpu.memory_space<vmem>>, vector<16xf32>,
      tpu.vector_store %arg12[%swap3A_156, %swap3A_157], %get3A_151 {strides = array<i32>} : memref<640x16xf32, #tpu.memory_space<vmem>>, vector<16xf32>,
      %get3A_159 = arith.index_cast %add3A_140 : i32 to index
      %get3A_160 = arith.constant 32 : index
      %get3A_161 = tpu.vector_load %arg11[%get3A_159, %get3A_160] {strides = array<i32>} : memref<80x128xf32, #tpu.memory_space<vmem>>, vector<16xf32>,
      %mul3A_162 = arith.constant 8 : i32
      %mul3A_163 = arith.muli %add3A_140, %mul3A_162 : i32
      %add3A_164 = arith.constant 2 : i32
      %add3A_165 = arith.addi %mul3A_163, %add3A_164 : i32
      %swap3A_166 = arith.index_cast %add3A_165 : i32 to index
      %swap3A_167 = arith.constant 0 : index
      %swap3A_168 = tpu.vector_load %arg12[%swap3A_166, %swap3A_167] {strides = array<i32>} : memref<640x16xf32, #tpu.memory_space<vmem>>, vector<16xf32>,
      tpu.vector_store %arg12[%swap3A_166, %swap3A_167], %get3A_161 {strides = array<i32>} : memref<640x16xf32, #tpu.memory_space<vmem>>, vector<16xf32>,
      %get3A_169 = arith.index_cast %add3A_140 : i32 to index
      %get3A_170 = arith.constant 48 : index
      %get3A_171 = tpu.vector_load %arg11[%get3A_169, %get3A_170] {strides = array<i32>} : memref<80x128xf32, #tpu.memory_space<vmem>>, vector<16xf32>,
      %mul3A_172 = arith.constant 8 : i32
      %mul3A_173 = arith.muli %add3A_140, %mul3A_172 : i32
      %add3A_174 = arith.constant 3 : i32
      %add3A_175 = arith.addi %mul3A_173, %add3A_174 : i32
      %swap3A_176 = arith.index_cast %add3A_175 : i32 to index
      %swap3A_177 = arith.constant 0 : index
      %swap3A_178 = tpu.vector_load %arg12[%swap3A_176, %swap3A_177] {strides = array<i32>} : memref<640x16xf32, #tpu.memory_space<vmem>>, vector<16xf32>,
      tpu.vector_store %arg12[%swap3A_176, %swap3A_177], %get3A_171 {strides = array<i32>} : memref<640x16xf32, #tpu.memory_space<vmem>>, vector<16xf32>,
      %get3A_179 = arith.index_cast %add3A_140 : i32 to index
      %get3A_180 = arith.constant 64 : index
      %get3A_181 = tpu.vector_load %arg11[%get3A_179, %get3A_180] {strides = array<i32>} : memref<80x128xf32, #tpu.memory_space<vmem>>, vector<16xf32>,
      %mul3A_182 = arith.constant 8 : i32
      %mul3A_183 = arith.muli %add3A_140, %mul3A_182 : i32
      %add3A_184 = arith.constant 4 : i32
      %add3A_185 = arith.addi %mul3A_183, %add3A_184 : i32
      %swap3A_186 = arith.index_cast %add3A_185 : i32 to index
      %swap3A_187 = arith.constant 0 : index
      %swap3A_188 = tpu.vector_load %arg12[%swap3A_186, %swap3A_187] {strides = array<i32>} : memref<640x16xf32, #tpu.memory_space<vmem>>, vector<16xf32>,
      tpu.vector_store %arg12[%swap3A_186, %swap3A_187], %get3A_181 {strides = array<i32>} : memref<640x16xf32, #tpu.memory_space<vmem>>, vector<16xf32>,
      %get3A_189 = arith.index_cast %add3A_140 : i32 to index
      %get3A_190 = arith.constant 80 : index
      %get3A_191 = tpu.vector_load %arg11[%get3A_189, %get3A_190] {strides = array<i32>} : memref<80x128xf32, #tpu.memory_space<vmem>>, vector<16xf32>,
      %mul3A_192 = arith.constant 8 : i32
      %mul3A_193 = arith.muli %add3A_140, %mul3A_192 : i32
      %add3A_194 = arith.constant 5 : i32
      %add3A_195 = arith.addi %mul3A_193, %add3A_194 : i32
      %swap3A_196 = arith.index_cast %add3A_195 : i32 to index
      %swap3A_197 = arith.constant 0 : index
      %swap3A_198 = tpu.vector_load %arg12[%swap3A_196, %swap3A_197] {strides = array<i32>} : memref<640x16xf32, #tpu.memory_space<vmem>>, vector<16xf32>,
      tpu.vector_store %arg12[%swap3A_196, %swap3A_197], %get3A_191 {strides = array<i32>} : memref<640x16xf32, #tpu.memory_space<vmem>>, vector<16xf32>,
      %get3A_199 = arith.index_cast %add3A_140 : i32 to index
      %get3A_200 = arith.constant 96 : index
      %get3A_201 = tpu.vector_load %arg11[%get3A_199, %get3A_200] {strides = array<i32>} : memref<80x128xf32, #tpu.memory_space<vmem>>, vector<16xf32>,
      %mul3A_202 = arith.constant 8 : i32
      %mul3A_203 = arith.muli %add3A_140, %mul3A_202 : i32
      %add3A_204 = arith.constant 6 : i32
      %add3A_205 = arith.addi %mul3A_203, %add3A_204 : i32
      %swap3A_206 = arith.index_cast %add3A_205 : i32 to index
      %swap3A_207 = arith.constant 0 : index
      %swap3A_208 = tpu.vector_load %arg12[%swap3A_206, %swap3A_207] {strides = array<i32>} : memref<640x16xf32, #tpu.memory_space<vmem>>, vector<16xf32>,
      tpu.vector_store %arg12[%swap3A_206, %swap3A_207], %get3A_201 {strides = array<i32>} : memref<640x16xf32, #tpu.memory_space<vmem>>, vector<16xf32>,
      %get3A_209 = arith.index_cast %add3A_140 : i32 to index
      %get3A_210 = arith.constant 112 : index
      %get3A_211 = tpu.vector_load %arg11[%get3A_209, %get3A_210] {strides = array<i32>} : memref<80x128xf32, #tpu.memory_space<vmem>>, vector<16xf32>,
      %mul3A_212 = arith.constant 8 : i32
      %mul3A_213 = arith.muli %add3A_140, %mul3A_212 : i32
      %add3A_214 = arith.constant 7 : i32
      %add3A_215 = arith.addi %mul3A_213, %add3A_214 : i32
      %swap3A_216 = arith.index_cast %add3A_215 : i32 to index
      %swap3A_217 = arith.constant 0 : index
      %swap3A_218 = tpu.vector_load %arg12[%swap3A_216, %swap3A_217] {strides = array<i32>} : memref<640x16xf32, #tpu.memory_space<vmem>>, vector<16xf32>,
      tpu.vector_store %arg12[%swap3A_216, %swap3A_217], %get3A_211 {strides = array<i32>} : memref<640x16xf32, #tpu.memory_space<vmem>>, vector<16xf32>,
    }
    %scan3A_9 = arith.constant 80 : i32
    "tpu.region"() ({
      %run_scoped3A_136 = tpu.sem_alloc : memref<!tpu.dma_semaphore, #tpu.memory_space<semaphore_mem>>
      %dma_start3A_137 = arith.constant 0 : i32
      %dma_start3A_138 = tpu.memref_slice %arg14[%mul3A_2, %dma_start3A_137] : memref<10240x16xf32, #tpu.memory_space<vmem_shared>> -> memref<640x16xf32, #tpu.memory_space<vmem_shared>>
      %dma_start3A_139 = arith.constant 0 : i32
      %dma_start3A_140 = tpu.memref_slice %arg14[%mul3A_2, %dma_start3A_139] : memref<10240x16xf32, #tpu.memory_space<vmem_shared>> -> memref<640x16xf32, #tpu.memory_space<vmem_shared>>
      tpu.enqueue_dma source(%arg12 : memref<640x16xf32, #tpu.memory_space<vmem>>) target(%dma_start3A_140 : memref<640x16xf32, #tpu.memory_space<vmem_shared>>) target_semaphore(%run_scoped3A_136 : memref<!tpu.dma_semaphore, #tpu.memory_space<semaphore_mem>>)
      %dma_wait3A_141 = arith.constant 0 : i32
      %dma_wait3A_142 = tpu.memref_slice %arg14[%mul3A_2, %dma_wait3A_141] : memref<10240x16xf32, #tpu.memory_space<vmem_shared>> -> memref<640x16xf32, #tpu.memory_space<vmem_shared>>
      %dma_wait3A_143 = arith.constant 0 : i32
      %dma_wait3A_144 = tpu.memref_slice %arg14[%mul3A_2, %dma_wait3A_143] : memref<10240x16xf32, #tpu.memory_space<vmem_shared>> -> memref<640x16xf32, #tpu.memory_space<vmem_shared>>
      tpu.wait_dma2 semaphore(%run_scoped3A_136 : memref<!tpu.dma_semaphore, #tpu.memory_space<semaphore_mem>>) src(%arg12 : memref<640x16xf32, #tpu.memory_space<vmem>>) dst(%dma_wait3A_144 : memref<640x16xf32, #tpu.memory_space<vmem_shared>>)
      tpu.yield
    }) : () -> ()
    %scan3A_10 = arith.constant 0 : i32
    %scan3A_11 = arith.constant 640 : i32
    %scan3A_12 = arith.addi %scan3A_10, %scan3A_11 : i32
    %scan3A_13 = arith.constant 1 : i32
    scf.for %scan3A_136 = %scan3A_10 to %scan3A_12 step %scan3A_13  : i32 {
      %mul3A_137 = arith.constant 1 : i32
      %mul3A_138 = arith.muli %scan3A_136, %mul3A_137 : i32
      %add3A_139 = arith.constant 0 : i32
      %add3A_140 = arith.addi %add3A_139, %mul3A_138 : i32
      %broadcast_in_dim3A = arith.constant 0.000000e+00 : f32
      %broadcast_in_dim3A_141 = vector.broadcast %broadcast_in_dim3A : f32 to vector<16xf32>
      %swap3A = arith.index_cast %add3A_140 : i32 to index
      %swap3A_142 = arith.constant 0 : index
      %swap3A_143 = tpu.vector_load %arg12[%swap3A, %swap3A_142] {strides = array<i32>} : memref<640x16xf32, #tpu.memory_space<vmem>>, vector<16xf32>,
      tpu.vector_store %arg12[%swap3A, %swap3A_142], %broadcast_in_dim3A_141 {strides = array<i32>} : memref<640x16xf32, #tpu.memory_space<vmem>>, vector<16xf32>,
    }
    %scan3A_14 = arith.constant 640 : i32
    "tpu.region"() ({
      %run_scoped3A_136 = tpu.sem_alloc : memref<!tpu.dma_semaphore, #tpu.memory_space<semaphore_mem>>
      %dma_start3A_137 = arith.constant 0 : i32
      %dma_start3A_138 = tpu.memref_slice %arg13[%mul3A_2, %dma_start3A_137] : memref<10240x16xf32, #tpu.memory_space<vmem_shared>> -> memref<640x16xf32, #tpu.memory_space<vmem_shared>>
      %dma_start3A_139 = arith.constant 0 : i32
      %dma_start3A_140 = tpu.memref_slice %arg13[%mul3A_2, %dma_start3A_139] : memref<10240x16xf32, #tpu.memory_space<vmem_shared>> -> memref<640x16xf32, #tpu.memory_space<vmem_shared>>
      tpu.enqueue_dma source(%arg12 : memref<640x16xf32, #tpu.memory_space<vmem>>) target(%dma_start3A_140 : memref<640x16xf32, #tpu.memory_space<vmem_shared>>) target_semaphore(%run_scoped3A_136 : memref<!tpu.dma_semaphore, #tpu.memory_space<semaphore_mem>>)
      %dma_wait3A_141 = arith.constant 0 : i32
      %dma_wait3A_142 = tpu.memref_slice %arg13[%mul3A_2, %dma_wait3A_141] : memref<10240x16xf32, #tpu.memory_space<vmem_shared>> -> memref<640x16xf32, #tpu.memory_space<vmem_shared>>
      %dma_wait3A_143 = arith.constant 0 : i32
      %dma_wait3A_144 = tpu.memref_slice %arg13[%mul3A_2, %dma_wait3A_143] : memref<10240x16xf32, #tpu.memory_space<vmem_shared>> -> memref<640x16xf32, #tpu.memory_space<vmem_shared>>
      tpu.wait_dma2 semaphore(%run_scoped3A_136 : memref<!tpu.dma_semaphore, #tpu.memory_space<semaphore_mem>>) src(%arg12 : memref<640x16xf32, #tpu.memory_space<vmem>>) dst(%dma_wait3A_144 : memref<640x16xf32, #tpu.memory_space<vmem_shared>>)
      tpu.yield
    }) : () -> ()
    %barrier3A = arith.constant 0 : index
    tpu.barrier barrier_id(%barrier3A)
    %dma_start3A = arith.constant 0 : i32
    %dma_start3A_15 = arith.constant 0 : i32
    %dma_start3A_16 = tpu.memref_slice %arg5[%dma_start3A, %dma_start3A_15] : memref<80x125xi32, #tpu.memory_space<vmem>> -> memref<1x125xi32, #tpu.memory_space<vmem>>
    %dma_start3A_17 = tpu.memref_squeeze %dma_start3A_16 : memref<1x125xi32, #tpu.memory_space<vmem>> -> memref<125xi32, #tpu.memory_space<vmem>>
    %dma_start3A_18 = arith.constant 0 : i32
    %dma_start3A_19 = arith.constant 0 : i32
    %dma_start3A_20 = tpu.memref_slice %arg14[%dma_start3A_18, %dma_start3A_19] : memref<10240x16xf32, #tpu.memory_space<vmem_shared>> -> memref<10240x16xf32, #tpu.memory_space<vmem_shared>>
    tpu.enqueue_indirect_dma source(%dma_start3A_20 : memref<10240x16xf32, #tpu.memory_space<vmem_shared>>) target(%arg7 : memref<125x16xf32, #tpu.memory_space<vmem>>) offsets(%dma_start3A_17 : memref<125xi32, #tpu.memory_space<vmem>>) semaphore(%arg15 : memref<!tpu.dma_semaphore, #tpu.memory_space<semaphore_mem>>)
    %dma_start3A_21 = arith.constant 1 : i32
    %dma_start3A_22 = arith.constant 0 : i32
    %dma_start3A_23 = tpu.memref_slice %arg5[%dma_start3A_21, %dma_start3A_22] : memref<80x125xi32, #tpu.memory_space<vmem>> -> memref<1x125xi32, #tpu.memory_space<vmem>>
    %dma_start3A_24 = tpu.memref_squeeze %dma_start3A_23 : memref<1x125xi32, #tpu.memory_space<vmem>> -> memref<125xi32, #tpu.memory_space<vmem>>
    %dma_start3A_25 = arith.constant 0 : i32
    %dma_start3A_26 = arith.constant 0 : i32
    %dma_start3A_27 = tpu.memref_slice %arg14[%dma_start3A_25, %dma_start3A_26] : memref<10240x16xf32, #tpu.memory_space<vmem_shared>> -> memref<10240x16xf32, #tpu.memory_space<vmem_shared>>
    tpu.enqueue_indirect_dma source(%dma_start3A_27 : memref<10240x16xf32, #tpu.memory_space<vmem_shared>>) target(%arg8 : memref<125x16xf32, #tpu.memory_space<vmem>>) offsets(%dma_start3A_24 : memref<125xi32, #tpu.memory_space<vmem>>) semaphore(%arg16 : memref<!tpu.dma_semaphore, #tpu.memory_space<semaphore_mem>>)
    %dma_start3A_28 = arith.constant 2 : i32
    %dma_start3A_29 = arith.constant 0 : i32
    %dma_start3A_30 = tpu.memref_slice %arg5[%dma_start3A_28, %dma_start3A_29] : memref<80x125xi32, #tpu.memory_space<vmem>> -> memref<1x125xi32, #tpu.memory_space<vmem>>
    %dma_start3A_31 = tpu.memref_squeeze %dma_start3A_30 : memref<1x125xi32, #tpu.memory_space<vmem>> -> memref<125xi32, #tpu.memory_space<vmem>>
    %dma_start3A_32 = arith.constant 0 : i32
    %dma_start3A_33 = arith.constant 0 : i32
    %dma_start3A_34 = tpu.memref_slice %arg14[%dma_start3A_32, %dma_start3A_33] : memref<10240x16xf32, #tpu.memory_space<vmem_shared>> -> memref<10240x16xf32, #tpu.memory_space<vmem_shared>>
    tpu.enqueue_indirect_dma source(%dma_start3A_34 : memref<10240x16xf32, #tpu.memory_space<vmem_shared>>) target(%arg9 : memref<125x16xf32, #tpu.memory_space<vmem>>) offsets(%dma_start3A_31 : memref<125xi32, #tpu.memory_space<vmem>>) semaphore(%arg17 : memref<!tpu.dma_semaphore, #tpu.memory_space<semaphore_mem>>)
    %dma_start3A_35 = arith.constant 3 : i32
    %dma_start3A_36 = arith.constant 0 : i32
    %dma_start3A_37 = tpu.memref_slice %arg5[%dma_start3A_35, %dma_start3A_36] : memref<80x125xi32, #tpu.memory_space<vmem>> -> memref<1x125xi32, #tpu.memory_space<vmem>>
    %dma_start3A_38 = tpu.memref_squeeze %dma_start3A_37 : memref<1x125xi32, #tpu.memory_space<vmem>> -> memref<125xi32, #tpu.memory_space<vmem>>
    %dma_start3A_39 = arith.constant 0 : i32
    %dma_start3A_40 = arith.constant 0 : i32
    %dma_start3A_41 = tpu.memref_slice %arg14[%dma_start3A_39, %dma_start3A_40] : memref<10240x16xf32, #tpu.memory_space<vmem_shared>> -> memref<10240x16xf32, #tpu.memory_space<vmem_shared>>
    tpu.enqueue_indirect_dma source(%dma_start3A_41 : memref<10240x16xf32, #tpu.memory_space<vmem_shared>>) target(%arg10 : memref<125x16xf32, #tpu.memory_space<vmem>>) offsets(%dma_start3A_38 : memref<125xi32, #tpu.memory_space<vmem>>) semaphore(%arg18 : memref<!tpu.dma_semaphore, #tpu.memory_space<semaphore_mem>>)
    %scan3A_42 = arith.constant 0 : i32
    %scan3A_43 = arith.constant 19 : i32
    %scan3A_44 = arith.addi %scan3A_42, %scan3A_43 : i32
    %scan3A_45 = arith.constant 1 : i32
    scf.for %scan3A_136 = %scan3A_42 to %scan3A_44 step %scan3A_45  : i32 {
      %mul3A_137 = arith.constant 1 : i32
      %mul3A_138 = arith.muli %scan3A_136, %mul3A_137 : i32
      %add3A_139 = arith.constant 0 : i32
      %add3A_140 = arith.addi %add3A_139, %mul3A_138 : i32
      %mul3A_141 = arith.constant 4 : i32
      %mul3A_142 = arith.muli %add3A_140, %mul3A_141 : i32
      %add3A_143 = arith.constant 0 : i32
      %add3A_144 = arith.addi %mul3A_142, %add3A_143 : i32
      %dma_wait3A_145 = arith.constant 0 : i32
      %dma_wait3A_146 = arith.constant 0 : i32
      %dma_wait3A_147 = tpu.memref_slice %arg5[%dma_wait3A_145, %dma_wait3A_146] : memref<80x125xi32, #tpu.memory_space<vmem>> -> memref<1x125xi32, #tpu.memory_space<vmem>>
      %dma_wait3A_148 = tpu.memref_squeeze %dma_wait3A_147 : memref<1x125xi32, #tpu.memory_space<vmem>> -> memref<125xi32, #tpu.memory_space<vmem>>
      %dma_wait3A_149 = arith.constant 0 : i32
      %dma_wait3A_150 = arith.constant 0 : i32
      %dma_wait3A_151 = tpu.memref_slice %arg14[%dma_wait3A_149, %dma_wait3A_150] : memref<10240x16xf32, #tpu.memory_space<vmem_shared>> -> memref<10240x16xf32, #tpu.memory_space<vmem_shared>>
      tpu.wait_indirect_dma semaphore(%arg15 : memref<!tpu.dma_semaphore, #tpu.memory_space<semaphore_mem>>) src(%dma_wait3A_151 : memref<10240x16xf32, #tpu.memory_space<vmem_shared>>) dst(%arg7 : memref<125x16xf32, #tpu.memory_space<vmem>>)
      %dma_start3A_152 = arith.constant 0 : i32
      %dma_start3A_153 = tpu.memref_slice %arg6[%add3A_144, %dma_start3A_152] : memref<80x125xi32, #tpu.memory_space<vmem>> -> memref<1x125xi32, #tpu.memory_space<vmem>>
      %dma_start3A_154 = tpu.memref_squeeze %dma_start3A_153 : memref<1x125xi32, #tpu.memory_space<vmem>> -> memref<125xi32, #tpu.memory_space<vmem>>
      %dma_start3A_155 = arith.constant 0 : i32
      %dma_start3A_156 = arith.constant 0 : i32
      %dma_start3A_157 = tpu.memref_slice %arg13[%dma_start3A_155, %dma_start3A_156] : memref<10240x16xf32, #tpu.memory_space<vmem_shared>> -> memref<10240x16xf32, #tpu.memory_space<vmem_shared>>
      tpu.enqueue_indirect_dma source(%arg7 : memref<125x16xf32, #tpu.memory_space<vmem>>) target(%dma_start3A_157 : memref<10240x16xf32, #tpu.memory_space<vmem_shared>>) offsets(%dma_start3A_154 : memref<125xi32, #tpu.memory_space<vmem>>) semaphore(%arg19 : memref<!tpu.dma_semaphore, #tpu.memory_space<semaphore_mem>>) {add = true}
      %dma_wait3A_158 = arith.constant 0 : i32
      %dma_wait3A_159 = arith.constant 0 : i32
      %dma_wait3A_160 = tpu.memref_slice %arg6[%dma_wait3A_158, %dma_wait3A_159] : memref<80x125xi32, #tpu.memory_space<vmem>> -> memref<1x125xi32, #tpu.memory_space<vmem>>
      %dma_wait3A_161 = tpu.memref_squeeze %dma_wait3A_160 : memref<1x125xi32, #tpu.memory_space<vmem>> -> memref<125xi32, #tpu.memory_space<vmem>>
      %dma_wait3A_162 = arith.constant 0 : i32
      %dma_wait3A_163 = arith.constant 0 : i32
      %dma_wait3A_164 = tpu.memref_slice %arg13[%dma_wait3A_162, %dma_wait3A_163] : memref<10240x16xf32, #tpu.memory_space<vmem_shared>> -> memref<10240x16xf32, #tpu.memory_space<vmem_shared>>
      tpu.wait_indirect_dma semaphore(%arg19 : memref<!tpu.dma_semaphore, #tpu.memory_space<semaphore_mem>>) src(%arg7 : memref<125x16xf32, #tpu.memory_space<vmem>>) dst(%dma_wait3A_164 : memref<10240x16xf32, #tpu.memory_space<vmem_shared>>)
      %add3A_165 = arith.constant 4 : i32
      %add3A_166 = arith.addi %add3A_144, %add3A_165 : i32
      %dma_start3A_167 = arith.constant 0 : i32
      %dma_start3A_168 = tpu.memref_slice %arg5[%add3A_166, %dma_start3A_167] : memref<80x125xi32, #tpu.memory_space<vmem>> -> memref<1x125xi32, #tpu.memory_space<vmem>>
      %dma_start3A_169 = tpu.memref_squeeze %dma_start3A_168 : memref<1x125xi32, #tpu.memory_space<vmem>> -> memref<125xi32, #tpu.memory_space<vmem>>
      %dma_start3A_170 = arith.constant 0 : i32
      %dma_start3A_171 = arith.constant 0 : i32
      %dma_start3A_172 = tpu.memref_slice %arg14[%dma_start3A_170, %dma_start3A_171] : memref<10240x16xf32, #tpu.memory_space<vmem_shared>> -> memref<10240x16xf32, #tpu.memory_space<vmem_shared>>
      tpu.enqueue_indirect_dma source(%dma_start3A_172 : memref<10240x16xf32, #tpu.memory_space<vmem_shared>>) target(%arg7 : memref<125x16xf32, #tpu.memory_space<vmem>>) offsets(%dma_start3A_169 : memref<125xi32, #tpu.memory_space<vmem>>) semaphore(%arg15 : memref<!tpu.dma_semaphore, #tpu.memory_space<semaphore_mem>>)
      %add3A_173 = arith.constant 1 : i32
      %add3A_174 = arith.addi %mul3A_142, %add3A_173 : i32
      %dma_wait3A_175 = arith.constant 0 : i32
      %dma_wait3A_176 = arith.constant 0 : i32
      %dma_wait3A_177 = tpu.memref_slice %arg5[%dma_wait3A_175, %dma_wait3A_176] : memref<80x125xi32, #tpu.memory_space<vmem>> -> memref<1x125xi32, #tpu.memory_space<vmem>>
      %dma_wait3A_178 = tpu.memref_squeeze %dma_wait3A_177 : memref<1x125xi32, #tpu.memory_space<vmem>> -> memref<125xi32, #tpu.memory_space<vmem>>
      %dma_wait3A_179 = arith.constant 0 : i32
      %dma_wait3A_180 = arith.constant 0 : i32
      %dma_wait3A_181 = tpu.memref_slice %arg14[%dma_wait3A_179, %dma_wait3A_180] : memref<10240x16xf32, #tpu.memory_space<vmem_shared>> -> memref<10240x16xf32, #tpu.memory_space<vmem_shared>>
      tpu.wait_indirect_dma semaphore(%arg16 : memref<!tpu.dma_semaphore, #tpu.memory_space<semaphore_mem>>) src(%dma_wait3A_181 : memref<10240x16xf32, #tpu.memory_space<vmem_shared>>) dst(%arg8 : memref<125x16xf32, #tpu.memory_space<vmem>>)
      %dma_start3A_182 = arith.constant 0 : i32
      %dma_start3A_183 = tpu.memref_slice %arg6[%add3A_174, %dma_start3A_182] : memref<80x125xi32, #tpu.memory_space<vmem>> -> memref<1x125xi32, #tpu.memory_space<vmem>>
      %dma_start3A_184 = tpu.memref_squeeze %dma_start3A_183 : memref<1x125xi32, #tpu.memory_space<vmem>> -> memref<125xi32, #tpu.memory_space<vmem>>
      %dma_start3A_185 = arith.constant 0 : i32
      %dma_start3A_186 = arith.constant 0 : i32
      %dma_start3A_187 = tpu.memref_slice %arg13[%dma_start3A_185, %dma_start3A_186] : memref<10240x16xf32, #tpu.memory_space<vmem_shared>> -> memref<10240x16xf32, #tpu.memory_space<vmem_shared>>
      tpu.enqueue_indirect_dma source(%arg8 : memref<125x16xf32, #tpu.memory_space<vmem>>) target(%dma_start3A_187 : memref<10240x16xf32, #tpu.memory_space<vmem_shared>>) offsets(%dma_start3A_184 : memref<125xi32, #tpu.memory_space<vmem>>) semaphore(%arg20 : memref<!tpu.dma_semaphore, #tpu.memory_space<semaphore_mem>>) {add = true}
      %dma_wait3A_188 = arith.constant 0 : i32
      %dma_wait3A_189 = arith.constant 0 : i32
      %dma_wait3A_190 = tpu.memref_slice %arg6[%dma_wait3A_188, %dma_wait3A_189] : memref<80x125xi32, #tpu.memory_space<vmem>> -> memref<1x125xi32, #tpu.memory_space<vmem>>
      %dma_wait3A_191 = tpu.memref_squeeze %dma_wait3A_190 : memref<1x125xi32, #tpu.memory_space<vmem>> -> memref<125xi32, #tpu.memory_space<vmem>>
      %dma_wait3A_192 = arith.constant 0 : i32
      %dma_wait3A_193 = arith.constant 0 : i32
      %dma_wait3A_194 = tpu.memref_slice %arg13[%dma_wait3A_192, %dma_wait3A_193] : memref<10240x16xf32, #tpu.memory_space<vmem_shared>> -> memref<10240x16xf32, #tpu.memory_space<vmem_shared>>
      tpu.wait_indirect_dma semaphore(%arg20 : memref<!tpu.dma_semaphore, #tpu.memory_space<semaphore_mem>>) src(%arg8 : memref<125x16xf32, #tpu.memory_space<vmem>>) dst(%dma_wait3A_194 : memref<10240x16xf32, #tpu.memory_space<vmem_shared>>)
      %add3A_195 = arith.constant 4 : i32
      %add3A_196 = arith.addi %add3A_174, %add3A_195 : i32
      %dma_start3A_197 = arith.constant 0 : i32
      %dma_start3A_198 = tpu.memref_slice %arg5[%add3A_196, %dma_start3A_197] : memref<80x125xi32, #tpu.memory_space<vmem>> -> memref<1x125xi32, #tpu.memory_space<vmem>>
      %dma_start3A_199 = tpu.memref_squeeze %dma_start3A_198 : memref<1x125xi32, #tpu.memory_space<vmem>> -> memref<125xi32, #tpu.memory_space<vmem>>
      %dma_start3A_200 = arith.constant 0 : i32
      %dma_start3A_201 = arith.constant 0 : i32
      %dma_start3A_202 = tpu.memref_slice %arg14[%dma_start3A_200, %dma_start3A_201] : memref<10240x16xf32, #tpu.memory_space<vmem_shared>> -> memref<10240x16xf32, #tpu.memory_space<vmem_shared>>
      tpu.enqueue_indirect_dma source(%dma_start3A_202 : memref<10240x16xf32, #tpu.memory_space<vmem_shared>>) target(%arg8 : memref<125x16xf32, #tpu.memory_space<vmem>>) offsets(%dma_start3A_199 : memref<125xi32, #tpu.memory_space<vmem>>) semaphore(%arg16 : memref<!tpu.dma_semaphore, #tpu.memory_space<semaphore_mem>>)
      %add3A_203 = arith.constant 2 : i32
      %add3A_204 = arith.addi %mul3A_142, %add3A_203 : i32
      %dma_wait3A_205 = arith.constant 0 : i32
      %dma_wait3A_206 = arith.constant 0 : i32
      %dma_wait3A_207 = tpu.memref_slice %arg5[%dma_wait3A_205, %dma_wait3A_206] : memref<80x125xi32, #tpu.memory_space<vmem>> -> memref<1x125xi32, #tpu.memory_space<vmem>>
      %dma_wait3A_208 = tpu.memref_squeeze %dma_wait3A_207 : memref<1x125xi32, #tpu.memory_space<vmem>> -> memref<125xi32, #tpu.memory_space<vmem>>
      %dma_wait3A_209 = arith.constant 0 : i32
      %dma_wait3A_210 = arith.constant 0 : i32
      %dma_wait3A_211 = tpu.memref_slice %arg14[%dma_wait3A_209, %dma_wait3A_210] : memref<10240x16xf32, #tpu.memory_space<vmem_shared>> -> memref<10240x16xf32, #tpu.memory_space<vmem_shared>>
      tpu.wait_indirect_dma semaphore(%arg17 : memref<!tpu.dma_semaphore, #tpu.memory_space<semaphore_mem>>) src(%dma_wait3A_211 : memref<10240x16xf32, #tpu.memory_space<vmem_shared>>) dst(%arg9 : memref<125x16xf32, #tpu.memory_space<vmem>>)
      %dma_start3A_212 = arith.constant 0 : i32
      %dma_start3A_213 = tpu.memref_slice %arg6[%add3A_204, %dma_start3A_212] : memref<80x125xi32, #tpu.memory_space<vmem>> -> memref<1x125xi32, #tpu.memory_space<vmem>>
      %dma_start3A_214 = tpu.memref_squeeze %dma_start3A_213 : memref<1x125xi32, #tpu.memory_space<vmem>> -> memref<125xi32, #tpu.memory_space<vmem>>
      %dma_start3A_215 = arith.constant 0 : i32
      %dma_start3A_216 = arith.constant 0 : i32
      %dma_start3A_217 = tpu.memref_slice %arg13[%dma_start3A_215, %dma_start3A_216] : memref<10240x16xf32, #tpu.memory_space<vmem_shared>> -> memref<10240x16xf32, #tpu.memory_space<vmem_shared>>
      tpu.enqueue_indirect_dma source(%arg9 : memref<125x16xf32, #tpu.memory_space<vmem>>) target(%dma_start3A_217 : memref<10240x16xf32, #tpu.memory_space<vmem_shared>>) offsets(%dma_start3A_214 : memref<125xi32, #tpu.memory_space<vmem>>) semaphore(%arg21 : memref<!tpu.dma_semaphore, #tpu.memory_space<semaphore_mem>>) {add = true}
      %dma_wait3A_218 = arith.constant 0 : i32
      %dma_wait3A_219 = arith.constant 0 : i32
      %dma_wait3A_220 = tpu.memref_slice %arg6[%dma_wait3A_218, %dma_wait3A_219] : memref<80x125xi32, #tpu.memory_space<vmem>> -> memref<1x125xi32, #tpu.memory_space<vmem>>
      %dma_wait3A_221 = tpu.memref_squeeze %dma_wait3A_220 : memref<1x125xi32, #tpu.memory_space<vmem>> -> memref<125xi32, #tpu.memory_space<vmem>>
      %dma_wait3A_222 = arith.constant 0 : i32
      %dma_wait3A_223 = arith.constant 0 : i32
      %dma_wait3A_224 = tpu.memref_slice %arg13[%dma_wait3A_222, %dma_wait3A_223] : memref<10240x16xf32, #tpu.memory_space<vmem_shared>> -> memref<10240x16xf32, #tpu.memory_space<vmem_shared>>
      tpu.wait_indirect_dma semaphore(%arg21 : memref<!tpu.dma_semaphore, #tpu.memory_space<semaphore_mem>>) src(%arg9 : memref<125x16xf32, #tpu.memory_space<vmem>>) dst(%dma_wait3A_224 : memref<10240x16xf32, #tpu.memory_space<vmem_shared>>)
      %add3A_225 = arith.constant 4 : i32
      %add3A_226 = arith.addi %add3A_204, %add3A_225 : i32
      %dma_start3A_227 = arith.constant 0 : i32
      %dma_start3A_228 = tpu.memref_slice %arg5[%add3A_226, %dma_start3A_227] : memref<80x125xi32, #tpu.memory_space<vmem>> -> memref<1x125xi32, #tpu.memory_space<vmem>>
      %dma_start3A_229 = tpu.memref_squeeze %dma_start3A_228 : memref<1x125xi32, #tpu.memory_space<vmem>> -> memref<125xi32, #tpu.memory_space<vmem>>
      %dma_start3A_230 = arith.constant 0 : i32
      %dma_start3A_231 = arith.constant 0 : i32
      %dma_start3A_232 = tpu.memref_slice %arg14[%dma_start3A_230, %dma_start3A_231] : memref<10240x16xf32, #tpu.memory_space<vmem_shared>> -> memref<10240x16xf32, #tpu.memory_space<vmem_shared>>
      tpu.enqueue_indirect_dma source(%dma_start3A_232 : memref<10240x16xf32, #tpu.memory_space<vmem_shared>>) target(%arg9 : memref<125x16xf32, #tpu.memory_space<vmem>>) offsets(%dma_start3A_229 : memref<125xi32, #tpu.memory_space<vmem>>) semaphore(%arg17 : memref<!tpu.dma_semaphore, #tpu.memory_space<semaphore_mem>>)
      %add3A_233 = arith.constant 3 : i32
      %add3A_234 = arith.addi %mul3A_142, %add3A_233 : i32
      %dma_wait3A_235 = arith.constant 0 : i32
      %dma_wait3A_236 = arith.constant 0 : i32
      %dma_wait3A_237 = tpu.memref_slice %arg5[%dma_wait3A_235, %dma_wait3A_236] : memref<80x125xi32, #tpu.memory_space<vmem>> -> memref<1x125xi32, #tpu.memory_space<vmem>>
      %dma_wait3A_238 = tpu.memref_squeeze %dma_wait3A_237 : memref<1x125xi32, #tpu.memory_space<vmem>> -> memref<125xi32, #tpu.memory_space<vmem>>
      %dma_wait3A_239 = arith.constant 0 : i32
      %dma_wait3A_240 = arith.constant 0 : i32
      %dma_wait3A_241 = tpu.memref_slice %arg14[%dma_wait3A_239, %dma_wait3A_240] : memref<10240x16xf32, #tpu.memory_space<vmem_shared>> -> memref<10240x16xf32, #tpu.memory_space<vmem_shared>>
      tpu.wait_indirect_dma semaphore(%arg18 : memref<!tpu.dma_semaphore, #tpu.memory_space<semaphore_mem>>) src(%dma_wait3A_241 : memref<10240x16xf32, #tpu.memory_space<vmem_shared>>) dst(%arg10 : memref<125x16xf32, #tpu.memory_space<vmem>>)
      %dma_start3A_242 = arith.constant 0 : i32
      %dma_start3A_243 = tpu.memref_slice %arg6[%add3A_234, %dma_start3A_242] : memref<80x125xi32, #tpu.memory_space<vmem>> -> memref<1x125xi32, #tpu.memory_space<vmem>>
      %dma_start3A_244 = tpu.memref_squeeze %dma_start3A_243 : memref<1x125xi32, #tpu.memory_space<vmem>> -> memref<125xi32, #tpu.memory_space<vmem>>
      %dma_start3A_245 = arith.constant 0 : i32
      %dma_start3A_246 = arith.constant 0 : i32
      %dma_start3A_247 = tpu.memref_slice %arg13[%dma_start3A_245, %dma_start3A_246] : memref<10240x16xf32, #tpu.memory_space<vmem_shared>> -> memref<10240x16xf32, #tpu.memory_space<vmem_shared>>
      tpu.enqueue_indirect_dma source(%arg10 : memref<125x16xf32, #tpu.memory_space<vmem>>) target(%dma_start3A_247 : memref<10240x16xf32, #tpu.memory_space<vmem_shared>>) offsets(%dma_start3A_244 : memref<125xi32, #tpu.memory_space<vmem>>) semaphore(%arg22 : memref<!tpu.dma_semaphore, #tpu.memory_space<semaphore_mem>>) {add = true}
      %dma_wait3A_248 = arith.constant 0 : i32
      %dma_wait3A_249 = arith.constant 0 : i32
      %dma_wait3A_250 = tpu.memref_slice %arg6[%dma_wait3A_248, %dma_wait3A_249] : memref<80x125xi32, #tpu.memory_space<vmem>> -> memref<1x125xi32, #tpu.memory_space<vmem>>
      %dma_wait3A_251 = tpu.memref_squeeze %dma_wait3A_250 : memref<1x125xi32, #tpu.memory_space<vmem>> -> memref<125xi32, #tpu.memory_space<vmem>>
      %dma_wait3A_252 = arith.constant 0 : i32
      %dma_wait3A_253 = arith.constant 0 : i32
      %dma_wait3A_254 = tpu.memref_slice %arg13[%dma_wait3A_252, %dma_wait3A_253] : memref<10240x16xf32, #tpu.memory_space<vmem_shared>> -> memref<10240x16xf32, #tpu.memory_space<vmem_shared>>
      tpu.wait_indirect_dma semaphore(%arg22 : memref<!tpu.dma_semaphore, #tpu.memory_space<semaphore_mem>>) src(%arg10 : memref<125x16xf32, #tpu.memory_space<vmem>>) dst(%dma_wait3A_254 : memref<10240x16xf32, #tpu.memory_space<vmem_shared>>)
      %add3A_255 = arith.constant 4 : i32
      %add3A_256 = arith.addi %add3A_234, %add3A_255 : i32
      %dma_start3A_257 = arith.constant 0 : i32
      %dma_start3A_258 = tpu.memref_slice %arg5[%add3A_256, %dma_start3A_257] : memref<80x125xi32, #tpu.memory_space<vmem>> -> memref<1x125xi32, #tpu.memory_space<vmem>>
      %dma_start3A_259 = tpu.memref_squeeze %dma_start3A_258 : memref<1x125xi32, #tpu.memory_space<vmem>> -> memref<125xi32, #tpu.memory_space<vmem>>
      %dma_start3A_260 = arith.constant 0 : i32
      %dma_start3A_261 = arith.constant 0 : i32
      %dma_start3A_262 = tpu.memref_slice %arg14[%dma_start3A_260, %dma_start3A_261] : memref<10240x16xf32, #tpu.memory_space<vmem_shared>> -> memref<10240x16xf32, #tpu.memory_space<vmem_shared>>
      tpu.enqueue_indirect_dma source(%dma_start3A_262 : memref<10240x16xf32, #tpu.memory_space<vmem_shared>>) target(%arg10 : memref<125x16xf32, #tpu.memory_space<vmem>>) offsets(%dma_start3A_259 : memref<125xi32, #tpu.memory_space<vmem>>) semaphore(%arg18 : memref<!tpu.dma_semaphore, #tpu.memory_space<semaphore_mem>>)
    }
    %scan3A_46 = arith.constant 19 : i32
    %dma_wait3A = arith.constant 0 : i32
    %dma_wait3A_47 = arith.constant 0 : i32
    %dma_wait3A_48 = tpu.memref_slice %arg5[%dma_wait3A, %dma_wait3A_47] : memref<80x125xi32, #tpu.memory_space<vmem>> -> memref<1x125xi32, #tpu.memory_space<vmem>>
    %dma_wait3A_49 = tpu.memref_squeeze %dma_wait3A_48 : memref<1x125xi32, #tpu.memory_space<vmem>> -> memref<125xi32, #tpu.memory_space<vmem>>
    %dma_wait3A_50 = arith.constant 0 : i32
    %dma_wait3A_51 = arith.constant 0 : i32
    %dma_wait3A_52 = tpu.memref_slice %arg14[%dma_wait3A_50, %dma_wait3A_51] : memref<10240x16xf32, #tpu.memory_space<vmem_shared>> -> memref<10240x16xf32, #tpu.memory_space<vmem_shared>>
    tpu.wait_indirect_dma semaphore(%arg15 : memref<!tpu.dma_semaphore, #tpu.memory_space<semaphore_mem>>) src(%dma_wait3A_52 : memref<10240x16xf32, #tpu.memory_space<vmem_shared>>) dst(%arg7 : memref<125x16xf32, #tpu.memory_space<vmem>>)
    %dma_start3A_53 = arith.constant 76 : i32
    %dma_start3A_54 = arith.constant 0 : i32
    %dma_start3A_55 = tpu.memref_slice %arg6[%dma_start3A_53, %dma_start3A_54] : memref<80x125xi32, #tpu.memory_space<vmem>> -> memref<1x125xi32, #tpu.memory_space<vmem>>
    %dma_start3A_56 = tpu.memref_squeeze %dma_start3A_55 : memref<1x125xi32, #tpu.memory_space<vmem>> -> memref<125xi32, #tpu.memory_space<vmem>>
    %dma_start3A_57 = arith.constant 0 : i32
    %dma_start3A_58 = arith.constant 0 : i32
    %dma_start3A_59 = tpu.memref_slice %arg13[%dma_start3A_57, %dma_start3A_58] : memref<10240x16xf32, #tpu.memory_space<vmem_shared>> -> memref<10240x16xf32, #tpu.memory_space<vmem_shared>>
    tpu.enqueue_indirect_dma source(%arg7 : memref<125x16xf32, #tpu.memory_space<vmem>>) target(%dma_start3A_59 : memref<10240x16xf32, #tpu.memory_space<vmem_shared>>) offsets(%dma_start3A_56 : memref<125xi32, #tpu.memory_space<vmem>>) semaphore(%arg19 : memref<!tpu.dma_semaphore, #tpu.memory_space<semaphore_mem>>) {add = true}
    %dma_wait3A_60 = arith.constant 0 : i32
    %dma_wait3A_61 = arith.constant 0 : i32
    %dma_wait3A_62 = tpu.memref_slice %arg6[%dma_wait3A_60, %dma_wait3A_61] : memref<80x125xi32, #tpu.memory_space<vmem>> -> memref<1x125xi32, #tpu.memory_space<vmem>>
    %dma_wait3A_63 = tpu.memref_squeeze %dma_wait3A_62 : memref<1x125xi32, #tpu.memory_space<vmem>> -> memref<125xi32, #tpu.memory_space<vmem>>
    %dma_wait3A_64 = arith.constant 0 : i32
    %dma_wait3A_65 = arith.constant 0 : i32
    %dma_wait3A_66 = tpu.memref_slice %arg13[%dma_wait3A_64, %dma_wait3A_65] : memref<10240x16xf32, #tpu.memory_space<vmem_shared>> -> memref<10240x16xf32, #tpu.memory_space<vmem_shared>>
    tpu.wait_indirect_dma semaphore(%arg19 : memref<!tpu.dma_semaphore, #tpu.memory_space<semaphore_mem>>) src(%arg7 : memref<125x16xf32, #tpu.memory_space<vmem>>) dst(%dma_wait3A_66 : memref<10240x16xf32, #tpu.memory_space<vmem_shared>>)
    %dma_wait3A_67 = arith.constant 0 : i32
    %dma_wait3A_68 = arith.constant 0 : i32
    %dma_wait3A_69 = tpu.memref_slice %arg5[%dma_wait3A_67, %dma_wait3A_68] : memref<80x125xi32, #tpu.memory_space<vmem>> -> memref<1x125xi32, #tpu.memory_space<vmem>>
    %dma_wait3A_70 = tpu.memref_squeeze %dma_wait3A_69 : memref<1x125xi32, #tpu.memory_space<vmem>> -> memref<125xi32, #tpu.memory_space<vmem>>
    %dma_wait3A_71 = arith.constant 0 : i32
    %dma_wait3A_72 = arith.constant 0 : i32
    %dma_wait3A_73 = tpu.memref_slice %arg14[%dma_wait3A_71, %dma_wait3A_72] : memref<10240x16xf32, #tpu.memory_space<vmem_shared>> -> memref<10240x16xf32, #tpu.memory_space<vmem_shared>>
    tpu.wait_indirect_dma semaphore(%arg16 : memref<!tpu.dma_semaphore, #tpu.memory_space<semaphore_mem>>) src(%dma_wait3A_73 : memref<10240x16xf32, #tpu.memory_space<vmem_shared>>) dst(%arg8 : memref<125x16xf32, #tpu.memory_space<vmem>>)
    %dma_start3A_74 = arith.constant 77 : i32
    %dma_start3A_75 = arith.constant 0 : i32
    %dma_start3A_76 = tpu.memref_slice %arg6[%dma_start3A_74, %dma_start3A_75] : memref<80x125xi32, #tpu.memory_space<vmem>> -> memref<1x125xi32, #tpu.memory_space<vmem>>
    %dma_start3A_77 = tpu.memref_squeeze %dma_start3A_76 : memref<1x125xi32, #tpu.memory_space<vmem>> -> memref<125xi32, #tpu.memory_space<vmem>>
    %dma_start3A_78 = arith.constant 0 : i32
    %dma_start3A_79 = arith.constant 0 : i32
    %dma_start3A_80 = tpu.memref_slice %arg13[%dma_start3A_78, %dma_start3A_79] : memref<10240x16xf32, #tpu.memory_space<vmem_shared>> -> memref<10240x16xf32, #tpu.memory_space<vmem_shared>>
    tpu.enqueue_indirect_dma source(%arg8 : memref<125x16xf32, #tpu.memory_space<vmem>>) target(%dma_start3A_80 : memref<10240x16xf32, #tpu.memory_space<vmem_shared>>) offsets(%dma_start3A_77 : memref<125xi32, #tpu.memory_space<vmem>>) semaphore(%arg20 : memref<!tpu.dma_semaphore, #tpu.memory_space<semaphore_mem>>) {add = true}
    %dma_wait3A_81 = arith.constant 0 : i32
    %dma_wait3A_82 = arith.constant 0 : i32
    %dma_wait3A_83 = tpu.memref_slice %arg6[%dma_wait3A_81, %dma_wait3A_82] : memref<80x125xi32, #tpu.memory_space<vmem>> -> memref<1x125xi32, #tpu.memory_space<vmem>>
    %dma_wait3A_84 = tpu.memref_squeeze %dma_wait3A_83 : memref<1x125xi32, #tpu.memory_space<vmem>> -> memref<125xi32, #tpu.memory_space<vmem>>
    %dma_wait3A_85 = arith.constant 0 : i32
    %dma_wait3A_86 = arith.constant 0 : i32
    %dma_wait3A_87 = tpu.memref_slice %arg13[%dma_wait3A_85, %dma_wait3A_86] : memref<10240x16xf32, #tpu.memory_space<vmem_shared>> -> memref<10240x16xf32, #tpu.memory_space<vmem_shared>>
    tpu.wait_indirect_dma semaphore(%arg20 : memref<!tpu.dma_semaphore, #tpu.memory_space<semaphore_mem>>) src(%arg8 : memref<125x16xf32, #tpu.memory_space<vmem>>) dst(%dma_wait3A_87 : memref<10240x16xf32, #tpu.memory_space<vmem_shared>>)
    %dma_wait3A_88 = arith.constant 0 : i32
    %dma_wait3A_89 = arith.constant 0 : i32
    %dma_wait3A_90 = tpu.memref_slice %arg5[%dma_wait3A_88, %dma_wait3A_89] : memref<80x125xi32, #tpu.memory_space<vmem>> -> memref<1x125xi32, #tpu.memory_space<vmem>>
    %dma_wait3A_91 = tpu.memref_squeeze %dma_wait3A_90 : memref<1x125xi32, #tpu.memory_space<vmem>> -> memref<125xi32, #tpu.memory_space<vmem>>
    %dma_wait3A_92 = arith.constant 0 : i32
    %dma_wait3A_93 = arith.constant 0 : i32
    %dma_wait3A_94 = tpu.memref_slice %arg14[%dma_wait3A_92, %dma_wait3A_93] : memref<10240x16xf32, #tpu.memory_space<vmem_shared>> -> memref<10240x16xf32, #tpu.memory_space<vmem_shared>>
    tpu.wait_indirect_dma semaphore(%arg17 : memref<!tpu.dma_semaphore, #tpu.memory_space<semaphore_mem>>) src(%dma_wait3A_94 : memref<10240x16xf32, #tpu.memory_space<vmem_shared>>) dst(%arg9 : memref<125x16xf32, #tpu.memory_space<vmem>>)
    %dma_start3A_95 = arith.constant 78 : i32
    %dma_start3A_96 = arith.constant 0 : i32
    %dma_start3A_97 = tpu.memref_slice %arg6[%dma_start3A_95, %dma_start3A_96] : memref<80x125xi32, #tpu.memory_space<vmem>> -> memref<1x125xi32, #tpu.memory_space<vmem>>
    %dma_start3A_98 = tpu.memref_squeeze %dma_start3A_97 : memref<1x125xi32, #tpu.memory_space<vmem>> -> memref<125xi32, #tpu.memory_space<vmem>>
    %dma_start3A_99 = arith.constant 0 : i32
    %dma_start3A_100 = arith.constant 0 : i32
    %dma_start3A_101 = tpu.memref_slice %arg13[%dma_start3A_99, %dma_start3A_100] : memref<10240x16xf32, #tpu.memory_space<vmem_shared>> -> memref<10240x16xf32, #tpu.memory_space<vmem_shared>>
    tpu.enqueue_indirect_dma source(%arg9 : memref<125x16xf32, #tpu.memory_space<vmem>>) target(%dma_start3A_101 : memref<10240x16xf32, #tpu.memory_space<vmem_shared>>) offsets(%dma_start3A_98 : memref<125xi32, #tpu.memory_space<vmem>>) semaphore(%arg21 : memref<!tpu.dma_semaphore, #tpu.memory_space<semaphore_mem>>) {add = true}
    %dma_wait3A_102 = arith.constant 0 : i32
    %dma_wait3A_103 = arith.constant 0 : i32
    %dma_wait3A_104 = tpu.memref_slice %arg6[%dma_wait3A_102, %dma_wait3A_103] : memref<80x125xi32, #tpu.memory_space<vmem>> -> memref<1x125xi32, #tpu.memory_space<vmem>>
    %dma_wait3A_105 = tpu.memref_squeeze %dma_wait3A_104 : memref<1x125xi32, #tpu.memory_space<vmem>> -> memref<125xi32, #tpu.memory_space<vmem>>
    %dma_wait3A_106 = arith.constant 0 : i32
    %dma_wait3A_107 = arith.constant 0 : i32
    %dma_wait3A_108 = tpu.memref_slice %arg13[%dma_wait3A_106, %dma_wait3A_107] : memref<10240x16xf32, #tpu.memory_space<vmem_shared>> -> memref<10240x16xf32, #tpu.memory_space<vmem_shared>>
    tpu.wait_indirect_dma semaphore(%arg21 : memref<!tpu.dma_semaphore, #tpu.memory_space<semaphore_mem>>) src(%arg9 : memref<125x16xf32, #tpu.memory_space<vmem>>) dst(%dma_wait3A_108 : memref<10240x16xf32, #tpu.memory_space<vmem_shared>>)
    %dma_wait3A_109 = arith.constant 0 : i32
    %dma_wait3A_110 = arith.constant 0 : i32
    %dma_wait3A_111 = tpu.memref_slice %arg5[%dma_wait3A_109, %dma_wait3A_110] : memref<80x125xi32, #tpu.memory_space<vmem>> -> memref<1x125xi32, #tpu.memory_space<vmem>>
    %dma_wait3A_112 = tpu.memref_squeeze %dma_wait3A_111 : memref<1x125xi32, #tpu.memory_space<vmem>> -> memref<125xi32, #tpu.memory_space<vmem>>
    %dma_wait3A_113 = arith.constant 0 : i32
    %dma_wait3A_114 = arith.constant 0 : i32
    %dma_wait3A_115 = tpu.memref_slice %arg14[%dma_wait3A_113, %dma_wait3A_114] : memref<10240x16xf32, #tpu.memory_space<vmem_shared>> -> memref<10240x16xf32, #tpu.memory_space<vmem_shared>>
    tpu.wait_indirect_dma semaphore(%arg18 : memref<!tpu.dma_semaphore, #tpu.memory_space<semaphore_mem>>) src(%dma_wait3A_115 : memref<10240x16xf32, #tpu.memory_space<vmem_shared>>) dst(%arg10 : memref<125x16xf32, #tpu.memory_space<vmem>>)
    %dma_start3A_116 = arith.constant 79 : i32
    %dma_start3A_117 = arith.constant 0 : i32
    %dma_start3A_118 = tpu.memref_slice %arg6[%dma_start3A_116, %dma_start3A_117] : memref<80x125xi32, #tpu.memory_space<vmem>> -> memref<1x125xi32, #tpu.memory_space<vmem>>
    %dma_start3A_119 = tpu.memref_squeeze %dma_start3A_118 : memref<1x125xi32, #tpu.memory_space<vmem>> -> memref<125xi32, #tpu.memory_space<vmem>>
    %dma_start3A_120 = arith.constant 0 : i32
    %dma_start3A_121 = arith.constant 0 : i32
    %dma_start3A_122 = tpu.memref_slice %arg13[%dma_start3A_120, %dma_start3A_121] : memref<10240x16xf32, #tpu.memory_space<vmem_shared>> -> memref<10240x16xf32, #tpu.memory_space<vmem_shared>>
    tpu.enqueue_indirect_dma source(%arg10 : memref<125x16xf32, #tpu.memory_space<vmem>>) target(%dma_start3A_122 : memref<10240x16xf32, #tpu.memory_space<vmem_shared>>) offsets(%dma_start3A_119 : memref<125xi32, #tpu.memory_space<vmem>>) semaphore(%arg22 : memref<!tpu.dma_semaphore, #tpu.memory_space<semaphore_mem>>) {add = true}
    %dma_wait3A_123 = arith.constant 0 : i32
    %dma_wait3A_124 = arith.constant 0 : i32
    %dma_wait3A_125 = tpu.memref_slice %arg6[%dma_wait3A_123, %dma_wait3A_124] : memref<80x125xi32, #tpu.memory_space<vmem>> -> memref<1x125xi32, #tpu.memory_space<vmem>>
    %dma_wait3A_126 = tpu.memref_squeeze %dma_wait3A_125 : memref<1x125xi32, #tpu.memory_space<vmem>> -> memref<125xi32, #tpu.memory_space<vmem>>
    %dma_wait3A_127 = arith.constant 0 : i32
    %dma_wait3A_128 = arith.constant 0 : i32
    %dma_wait3A_129 = tpu.memref_slice %arg13[%dma_wait3A_127, %dma_wait3A_128] : memref<10240x16xf32, #tpu.memory_space<vmem_shared>> -> memref<10240x16xf32, #tpu.memory_space<vmem_shared>>
    tpu.wait_indirect_dma semaphore(%arg22 : memref<!tpu.dma_semaphore, #tpu.memory_space<semaphore_mem>>) src(%arg10 : memref<125x16xf32, #tpu.memory_space<vmem>>) dst(%dma_wait3A_129 : memref<10240x16xf32, #tpu.memory_space<vmem_shared>>)
    %barrier3A_130 = arith.constant 0 : index
    tpu.barrier barrier_id(%barrier3A_130)
    "tpu.region"() ({
      %run_scoped3A_136 = tpu.sem_alloc : memref<!tpu.dma_semaphore, #tpu.memory_space<semaphore_mem>>
      %dma_start3A_137 = arith.constant 0 : i32
      %dma_start3A_138 = tpu.memref_slice %arg13[%mul3A_2, %dma_start3A_137] : memref<10240x16xf32, #tpu.memory_space<vmem_shared>> -> memref<640x16xf32, #tpu.memory_space<vmem_shared>>
      %dma_start3A_139 = arith.constant 0 : i32
      %dma_start3A_140 = tpu.memref_slice %arg13[%mul3A_2, %dma_start3A_139] : memref<10240x16xf32, #tpu.memory_space<vmem_shared>> -> memref<640x16xf32, #tpu.memory_space<vmem_shared>>
      tpu.enqueue_dma source(%dma_start3A_140 : memref<640x16xf32, #tpu.memory_space<vmem_shared>>) target(%arg12 : memref<640x16xf32, #tpu.memory_space<vmem>>) target_semaphore(%run_scoped3A_136 : memref<!tpu.dma_semaphore, #tpu.memory_space<semaphore_mem>>)
      %dma_wait3A_141 = arith.constant 0 : i32
      %dma_wait3A_142 = tpu.memref_slice %arg13[%mul3A_2, %dma_wait3A_141] : memref<10240x16xf32, #tpu.memory_space<vmem_shared>> -> memref<640x16xf32, #tpu.memory_space<vmem_shared>>
      %dma_wait3A_143 = arith.constant 0 : i32
      %dma_wait3A_144 = tpu.memref_slice %arg13[%mul3A_2, %dma_wait3A_143] : memref<10240x16xf32, #tpu.memory_space<vmem_shared>> -> memref<640x16xf32, #tpu.memory_space<vmem_shared>>
      tpu.wait_dma2 semaphore(%run_scoped3A_136 : memref<!tpu.dma_semaphore, #tpu.memory_space<semaphore_mem>>) src(%dma_wait3A_144 : memref<640x16xf32, #tpu.memory_space<vmem_shared>>) dst(%arg12 : memref<640x16xf32, #tpu.memory_space<vmem>>)
      tpu.yield
    }) : () -> ()
    %scan3A_131 = arith.constant 0 : i32
    %scan3A_132 = arith.constant 80 : i32
    %scan3A_133 = arith.addi %scan3A_131, %scan3A_132 : i32
    %scan3A_134 = arith.constant 1 : i32
    scf.for %scan3A_136 = %scan3A_131 to %scan3A_133 step %scan3A_134  : i32 {
      %mul3A_137 = arith.constant 1 : i32
      %mul3A_138 = arith.muli %scan3A_136, %mul3A_137 : i32
      %add3A_139 = arith.constant 0 : i32
      %add3A_140 = arith.addi %add3A_139, %mul3A_138 : i32
      %mul3A_141 = arith.constant 8 : i32
      %mul3A_142 = arith.muli %add3A_140, %mul3A_141 : i32
      %add3A_143 = arith.constant 0 : i32
      %add3A_144 = arith.addi %mul3A_142, %add3A_143 : i32
      %get3A = arith.index_cast %add3A_144 : i32 to index
      %get3A_145 = arith.constant 0 : index
      %get3A_146 = tpu.vector_load %arg12[%get3A, %get3A_145] {strides = array<i32>} : memref<640x16xf32, #tpu.memory_space<vmem>>, vector<16xf32>,
      %swap3A = arith.index_cast %add3A_140 : i32 to index
      %swap3A_147 = arith.constant 0 : index
      %swap3A_148 = tpu.vector_load %arg11[%swap3A, %swap3A_147] {strides = array<i32>} : memref<80x128xf32, #tpu.memory_space<vmem>>, vector<16xf32>,
      tpu.vector_store %arg11[%swap3A, %swap3A_147], %get3A_146 {strides = array<i32>} : memref<80x128xf32, #tpu.memory_space<vmem>>, vector<16xf32>,
      %mul3A_149 = arith.constant 8 : i32
      %mul3A_150 = arith.muli %add3A_140, %mul3A_149 : i32
      %add3A_151 = arith.constant 1 : i32
      %add3A_152 = arith.addi %mul3A_150, %add3A_151 : i32
      %get3A_153 = arith.index_cast %add3A_152 : i32 to index
      %get3A_154 = arith.constant 0 : index
      %get3A_155 = tpu.vector_load %arg12[%get3A_153, %get3A_154] {strides = array<i32>} : memref<640x16xf32, #tpu.memory_space<vmem>>, vector<16xf32>,
      %swap3A_156 = arith.index_cast %add3A_140 : i32 to index
      %swap3A_157 = arith.constant 16 : index
      %swap3A_158 = tpu.vector_load %arg11[%swap3A_156, %swap3A_157] {strides = array<i32>} : memref<80x128xf32, #tpu.memory_space<vmem>>, vector<16xf32>,
      tpu.vector_store %arg11[%swap3A_156, %swap3A_157], %get3A_155 {strides = array<i32>} : memref<80x128xf32, #tpu.memory_space<vmem>>, vector<16xf32>,
      %mul3A_159 = arith.constant 8 : i32
      %mul3A_160 = arith.muli %add3A_140, %mul3A_159 : i32
      %add3A_161 = arith.constant 2 : i32
      %add3A_162 = arith.addi %mul3A_160, %add3A_161 : i32
      %get3A_163 = arith.index_cast %add3A_162 : i32 to index
      %get3A_164 = arith.constant 0 : index
      %get3A_165 = tpu.vector_load %arg12[%get3A_163, %get3A_164] {strides = array<i32>} : memref<640x16xf32, #tpu.memory_space<vmem>>, vector<16xf32>,
      %swap3A_166 = arith.index_cast %add3A_140 : i32 to index
      %swap3A_167 = arith.constant 32 : index
      %swap3A_168 = tpu.vector_load %arg11[%swap3A_166, %swap3A_167] {strides = array<i32>} : memref<80x128xf32, #tpu.memory_space<vmem>>, vector<16xf32>,
      tpu.vector_store %arg11[%swap3A_166, %swap3A_167], %get3A_165 {strides = array<i32>} : memref<80x128xf32, #tpu.memory_space<vmem>>, vector<16xf32>,
      %mul3A_169 = arith.constant 8 : i32
      %mul3A_170 = arith.muli %add3A_140, %mul3A_169 : i32
      %add3A_171 = arith.constant 3 : i32
      %add3A_172 = arith.addi %mul3A_170, %add3A_171 : i32
      %get3A_173 = arith.index_cast %add3A_172 : i32 to index
      %get3A_174 = arith.constant 0 : index
      %get3A_175 = tpu.vector_load %arg12[%get3A_173, %get3A_174] {strides = array<i32>} : memref<640x16xf32, #tpu.memory_space<vmem>>, vector<16xf32>,
      %swap3A_176 = arith.index_cast %add3A_140 : i32 to index
      %swap3A_177 = arith.constant 48 : index
      %swap3A_178 = tpu.vector_load %arg11[%swap3A_176, %swap3A_177] {strides = array<i32>} : memref<80x128xf32, #tpu.memory_space<vmem>>, vector<16xf32>,
      tpu.vector_store %arg11[%swap3A_176, %swap3A_177], %get3A_175 {strides = array<i32>} : memref<80x128xf32, #tpu.memory_space<vmem>>, vector<16xf32>,
      %mul3A_179 = arith.constant 8 : i32
      %mul3A_180 = arith.muli %add3A_140, %mul3A_179 : i32
      %add3A_181 = arith.constant 4 : i32
      %add3A_182 = arith.addi %mul3A_180, %add3A_181 : i32
      %get3A_183 = arith.index_cast %add3A_182 : i32 to index
      %get3A_184 = arith.constant 0 : index
      %get3A_185 = tpu.vector_load %arg12[%get3A_183, %get3A_184] {strides = array<i32>} : memref<640x16xf32, #tpu.memory_space<vmem>>, vector<16xf32>,
      %swap3A_186 = arith.index_cast %add3A_140 : i32 to index
      %swap3A_187 = arith.constant 64 : index
      %swap3A_188 = tpu.vector_load %arg11[%swap3A_186, %swap3A_187] {strides = array<i32>} : memref<80x128xf32, #tpu.memory_space<vmem>>, vector<16xf32>,
      tpu.vector_store %arg11[%swap3A_186, %swap3A_187], %get3A_185 {strides = array<i32>} : memref<80x128xf32, #tpu.memory_space<vmem>>, vector<16xf32>,
      %mul3A_189 = arith.constant 8 : i32
      %mul3A_190 = arith.muli %add3A_140, %mul3A_189 : i32
      %add3A_191 = arith.constant 5 : i32
      %add3A_192 = arith.addi %mul3A_190, %add3A_191 : i32
      %get3A_193 = arith.index_cast %add3A_192 : i32 to index
      %get3A_194 = arith.constant 0 : index
      %get3A_195 = tpu.vector_load %arg12[%get3A_193, %get3A_194] {strides = array<i32>} : memref<640x16xf32, #tpu.memory_space<vmem>>, vector<16xf32>,
      %swap3A_196 = arith.index_cast %add3A_140 : i32 to index
      %swap3A_197 = arith.constant 80 : index
      %swap3A_198 = tpu.vector_load %arg11[%swap3A_196, %swap3A_197] {strides = array<i32>} : memref<80x128xf32, #tpu.memory_space<vmem>>, vector<16xf32>,
      tpu.vector_store %arg11[%swap3A_196, %swap3A_197], %get3A_195 {strides = array<i32>} : memref<80x128xf32, #tpu.memory_space<vmem>>, vector<16xf32>,
      %mul3A_199 = arith.constant 8 : i32
      %mul3A_200 = arith.muli %add3A_140, %mul3A_199 : i32
      %add3A_201 = arith.constant 6 : i32
      %add3A_202 = arith.addi %mul3A_200, %add3A_201 : i32
      %get3A_203 = arith.index_cast %add3A_202 : i32 to index
      %get3A_204 = arith.constant 0 : index
      %get3A_205 = tpu.vector_load %arg12[%get3A_203, %get3A_204] {strides = array<i32>} : memref<640x16xf32, #tpu.memory_space<vmem>>, vector<16xf32>,
      %swap3A_206 = arith.index_cast %add3A_140 : i32 to index
      %swap3A_207 = arith.constant 96 : index
      %swap3A_208 = tpu.vector_load %arg11[%swap3A_206, %swap3A_207] {strides = array<i32>} : memref<80x128xf32, #tpu.memory_space<vmem>>, vector<16xf32>,
      tpu.vector_store %arg11[%swap3A_206, %swap3A_207], %get3A_205 {strides = array<i32>} : memref<80x128xf32, #tpu.memory_space<vmem>>, vector<16xf32>,
      %mul3A_209 = arith.constant 8 : i32
      %mul3A_210 = arith.muli %add3A_140, %mul3A_209 : i32
      %add3A_211 = arith.constant 7 : i32
      %add3A_212 = arith.addi %mul3A_210, %add3A_211 : i32
      %get3A_213 = arith.index_cast %add3A_212 : i32 to index
      %get3A_214 = arith.constant 0 : index
      %get3A_215 = tpu.vector_load %arg12[%get3A_213, %get3A_214] {strides = array<i32>} : memref<640x16xf32, #tpu.memory_space<vmem>>, vector<16xf32>,
      %swap3A_216 = arith.index_cast %add3A_140 : i32 to index
      %swap3A_217 = arith.constant 112 : index
      %swap3A_218 = tpu.vector_load %arg11[%swap3A_216, %swap3A_217] {strides = array<i32>} : memref<80x128xf32, #tpu.memory_space<vmem>>, vector<16xf32>,
      tpu.vector_store %arg11[%swap3A_216, %swap3A_217], %get3A_215 {strides = array<i32>} : memref<80x128xf32, #tpu.memory_space<vmem>>, vector<16xf32>,
    }
    %scan3A_135 = arith.constant 80 : i32
    "tpu.region"() ({
      %run_scoped3A_136 = tpu.sem_alloc : memref<!tpu.dma_semaphore, #tpu.memory_space<semaphore_mem>>
      %dma_start3A_137 = arith.constant 0 : i32
      %dma_start3A_138 = tpu.memref_slice %arg4[%arg0, %mul3A_4, %dma_start3A_137] : memref<2x1280x128xf32, #tpu.memory_space<hbm>> -> memref<1x80x128xf32, #tpu.memory_space<hbm>>
      %dma_start3A_139 = tpu.memref_squeeze %dma_start3A_138 : memref<1x80x128xf32, #tpu.memory_space<hbm>> -> memref<80x128xf32, #tpu.memory_space<hbm>>
      %dma_start3A_140 = arith.constant 0 : i32
      %dma_start3A_141 = tpu.memref_slice %arg4[%arg0, %mul3A_4, %dma_start3A_140] : memref<2x1280x128xf32, #tpu.memory_space<hbm>> -> memref<1x80x128xf32, #tpu.memory_space<hbm>>
      %dma_start3A_142 = tpu.memref_squeeze %dma_start3A_141 : memref<1x80x128xf32, #tpu.memory_space<hbm>> -> memref<80x128xf32, #tpu.memory_space<hbm>>
      tpu.enqueue_dma source(%arg11 : memref<80x128xf32, #tpu.memory_space<vmem>>) target(%dma_start3A_142 : memref<80x128xf32, #tpu.memory_space<hbm>>) target_semaphore(%run_scoped3A_136 : memref<!tpu.dma_semaphore, #tpu.memory_space<semaphore_mem>>)
      %dma_wait3A_143 = arith.constant 0 : i32
      %dma_wait3A_144 = tpu.memref_slice %arg4[%arg0, %mul3A_4, %dma_wait3A_143] : memref<2x1280x128xf32, #tpu.memory_space<hbm>> -> memref<1x80x128xf32, #tpu.memory_space<hbm>>
      %dma_wait3A_145 = tpu.memref_squeeze %dma_wait3A_144 : memref<1x80x128xf32, #tpu.memory_space<hbm>> -> memref<80x128xf32, #tpu.memory_space<hbm>>
      %dma_wait3A_146 = arith.constant 0 : i32
      %dma_wait3A_147 = tpu.memref_slice %arg4[%arg0, %mul3A_4, %dma_wait3A_146] : memref<2x1280x128xf32, #tpu.memory_space<hbm>> -> memref<1x80x128xf32, #tpu.memory_space<hbm>>
      %dma_wait3A_148 = tpu.memref_squeeze %dma_wait3A_147 : memref<1x80x128xf32, #tpu.memory_space<hbm>> -> memref<80x128xf32, #tpu.memory_space<hbm>>
      tpu.wait_dma2 semaphore(%run_scoped3A_136 : memref<!tpu.dma_semaphore, #tpu.memory_space<semaphore_mem>>) src(%arg11 : memref<80x128xf32, #tpu.memory_space<vmem>>) dst(%dma_wait3A_148 : memref<80x128xf32, #tpu.memory_space<hbm>>)
      tpu.yield
    }) : () -> ()
    return
  }
}

#map = affine_map<(d0, d1) -> (0, 0)>
#map1 = affine_map<(d0, d1) -> (0, 0, 0, 0)>
#map2 = affine_map<(d0, d1) -> (0, 0, 0)>
module attributes {stable_mosaic.version = 14 : i64} {
  func.func @_sc_agg(%arg0: i32, %arg1: i32, %arg2: memref<1280x128xf32, #tpu.memory_space<hbm>>, %arg3: memref<2x32x80x125xi32, #tpu.memory_space<hbm>>, %arg4: memref<2x1280x128xf32, #tpu.memory_space<hbm>>, %arg5: memref<80x125xi32, #tpu.memory_space<vmem>>, %arg6: memref<80x125xi32, #tpu.memory_space<vmem>>, %arg7: memref<125x16xf32, #tpu.memory_space<vmem>>, %arg8: memref<125x16xf32, #tpu.memory_space<vmem>>, %arg9: memref<125x16xf32, #tpu.memory_space<vmem>>, %arg10: memref<125x16xf32, #tpu.memory_space<vmem>>, %arg11: memref<80x128xf32, #tpu.memory_space<vmem>>, %arg12: memref<640x16xf32, #tpu.memory_space<vmem>>, %arg13: memref<10240x16xf32, #tpu.memory_space<vmem_shared>>, %arg14: memref<10240x16xf32, #tpu.memory_space<vmem_shared>>, %arg15: memref<!tpu.dma_semaphore, #tpu.memory_space<semaphore_mem>>, %arg16: memref<!tpu.dma_semaphore, #tpu.memory_space<semaphore_mem>>, %arg17: memref<!tpu.dma_semaphore, #tpu.memory_space<semaphore_mem>>, %arg18: memref<!tpu.dma_semaphore, #tpu.memory_space<semaphore_mem>>, %arg19: memref<!tpu.dma_semaphore, #tpu.memory_space<semaphore_mem>>, %arg20: memref<!tpu.dma_semaphore, #tpu.memory_space<semaphore_mem>>, %arg21: memref<!tpu.dma_semaphore, #tpu.memory_space<semaphore_mem>>, %arg22: memref<!tpu.dma_semaphore, #tpu.memory_space<semaphore_mem>>) attributes {dimension_semantics = [#tpu.dimension_semantics<core_parallel>, #tpu.dimension_semantics<subcore_parallel>], iteration_bounds = array<i64: 2, 16>, scalar_prefetch = 0 : i64, scratch_operands = 18 : i64, tpu.core_type = #tpu.core_type<sc_vector_subcore>, window_params = [{transform_indices = #map}, {transform_indices = #map1}, {transform_indices = #map2}]} {
    %mul3A = arith.constant 16 : i32
    %mul3A_0 = arith.muli %arg0, %mul3A : i32
    %add3A = arith.addi %mul3A_0, %arg1 : i32
    %mul3A_1 = arith.constant 640 : i32
    %mul3A_2 = arith.muli %arg1, %mul3A_1 : i32
    %mul3A_3 = arith.constant 80 : i32
    %mul3A_4 = arith.muli %arg1, %mul3A_3 : i32
    "tpu.region"() ({
      %run_scoped3A_136 = tpu.sem_alloc : memref<!tpu.dma_semaphore, #tpu.memory_space<semaphore_mem>>
      %dma_start3A_137 = arith.constant 0 : i32
      %dma_start3A_138 = tpu.memref_slice %arg2[%mul3A_4, %dma_start3A_137] : memref<1280x128xf32, #tpu.memory_space<hbm>> -> memref<80x128xf32, #tpu.memory_space<hbm>>
      %dma_start3A_139 = arith.constant 0 : i32
      %dma_start3A_140 = tpu.memref_slice %arg2[%mul3A_4, %dma_start3A_139] : memref<1280x128xf32, #tpu.memory_space<hbm>> -> memref<80x128xf32, #tpu.memory_space<hbm>>
      tpu.enqueue_dma source(%dma_start3A_140 : memref<80x128xf32, #tpu.memory_space<hbm>>) target(%arg11 : memref<80x128xf32, #tpu.memory_space<vmem>>) target_semaphore(%run_scoped3A_136 : memref<!tpu.dma_semaphore, #tpu.memory_space<semaphore_mem>>)
      %dma_wait3A_141 = arith.constant 0 : i32
      %dma_wait3A_142 = tpu.memref_slice %arg2[%mul3A_4, %dma_wait3A_141] : memref<1280x128xf32, #tpu.memory_space<hbm>> -> memref<80x128xf32, #tpu.memory_space<hbm>>
      %dma_wait3A_143 = arith.constant 0 : i32
      %dma_wait3A_144 = tpu.memref_slice %arg2[%mul3A_4, %dma_wait3A_143] : memref<1280x128xf32, #tpu.memory_space<hbm>> -> memref<80x128xf32, #tpu.memory_space<hbm>>
      tpu.wait_dma2 semaphore(%run_scoped3A_136 : memref<!tpu.dma_semaphore, #tpu.memory_space<semaphore_mem>>) src(%dma_wait3A_144 : memref<80x128xf32, #tpu.memory_space<hbm>>) dst(%arg11 : memref<80x128xf32, #tpu.memory_space<vmem>>)
      tpu.yield
    }) : () -> ()
    %run_scoped3A = arith.constant 0 : i32
    "tpu.region"() ({
      %run_scoped3A_136 = tpu.sem_alloc : memref<!tpu.dma_semaphore, #tpu.memory_space<semaphore_mem>>
      %dma_start3A_137 = arith.constant 0 : i32
      %dma_start3A_138 = arith.constant 0 : i32
      %dma_start3A_139 = tpu.memref_slice %arg3[%run_scoped3A, %add3A, %dma_start3A_137, %dma_start3A_138] : memref<2x32x80x125xi32, #tpu.memory_space<hbm>> -> memref<1x1x80x125xi32, #tpu.memory_space<hbm>>
      %dma_start3A_140 = tpu.memref_squeeze %dma_start3A_139 : memref<1x1x80x125xi32, #tpu.memory_space<hbm>> -> memref<80x125xi32, #tpu.memory_space<hbm>>
      %dma_start3A_141 = arith.constant 0 : i32
      %dma_start3A_142 = arith.constant 0 : i32
      %dma_start3A_143 = tpu.memref_slice %arg3[%run_scoped3A, %add3A, %dma_start3A_141, %dma_start3A_142] : memref<2x32x80x125xi32, #tpu.memory_space<hbm>> -> memref<1x1x80x125xi32, #tpu.memory_space<hbm>>
      %dma_start3A_144 = tpu.memref_squeeze %dma_start3A_143 : memref<1x1x80x125xi32, #tpu.memory_space<hbm>> -> memref<80x125xi32, #tpu.memory_space<hbm>>
      tpu.enqueue_dma source(%dma_start3A_144 : memref<80x125xi32, #tpu.memory_space<hbm>>) target(%arg5 : memref<80x125xi32, #tpu.memory_space<vmem>>) target_semaphore(%run_scoped3A_136 : memref<!tpu.dma_semaphore, #tpu.memory_space<semaphore_mem>>)
      %dma_wait3A_145 = arith.constant 0 : i32
      %dma_wait3A_146 = arith.constant 0 : i32
      %dma_wait3A_147 = tpu.memref_slice %arg3[%run_scoped3A, %add3A, %dma_wait3A_145, %dma_wait3A_146] : memref<2x32x80x125xi32, #tpu.memory_space<hbm>> -> memref<1x1x80x125xi32, #tpu.memory_space<hbm>>
      %dma_wait3A_148 = tpu.memref_squeeze %dma_wait3A_147 : memref<1x1x80x125xi32, #tpu.memory_space<hbm>> -> memref<80x125xi32, #tpu.memory_space<hbm>>
      %dma_wait3A_149 = arith.constant 0 : i32
      %dma_wait3A_150 = arith.constant 0 : i32
      %dma_wait3A_151 = tpu.memref_slice %arg3[%run_scoped3A, %add3A, %dma_wait3A_149, %dma_wait3A_150] : memref<2x32x80x125xi32, #tpu.memory_space<hbm>> -> memref<1x1x80x125xi32, #tpu.memory_space<hbm>>
      %dma_wait3A_152 = tpu.memref_squeeze %dma_wait3A_151 : memref<1x1x80x125xi32, #tpu.memory_space<hbm>> -> memref<80x125xi32, #tpu.memory_space<hbm>>
      tpu.wait_dma2 semaphore(%run_scoped3A_136 : memref<!tpu.dma_semaphore, #tpu.memory_space<semaphore_mem>>) src(%dma_wait3A_152 : memref<80x125xi32, #tpu.memory_space<hbm>>) dst(%arg5 : memref<80x125xi32, #tpu.memory_space<vmem>>)
      tpu.yield
    }) : () -> ()
    %run_scoped3A_5 = arith.constant 1 : i32
    "tpu.region"() ({
      %run_scoped3A_136 = tpu.sem_alloc : memref<!tpu.dma_semaphore, #tpu.memory_space<semaphore_mem>>
      %dma_start3A_137 = arith.constant 0 : i32
      %dma_start3A_138 = arith.constant 0 : i32
      %dma_start3A_139 = tpu.memref_slice %arg3[%run_scoped3A_5, %add3A, %dma_start3A_137, %dma_start3A_138] : memref<2x32x80x125xi32, #tpu.memory_space<hbm>> -> memref<1x1x80x125xi32, #tpu.memory_space<hbm>>
      %dma_start3A_140 = tpu.memref_squeeze %dma_start3A_139 : memref<1x1x80x125xi32, #tpu.memory_space<hbm>> -> memref<80x125xi32, #tpu.memory_space<hbm>>
      %dma_start3A_141 = arith.constant 0 : i32
      %dma_start3A_142 = arith.constant 0 : i32
      %dma_start3A_143 = tpu.memref_slice %arg3[%run_scoped3A_5, %add3A, %dma_start3A_141, %dma_start3A_142] : memref<2x32x80x125xi32, #tpu.memory_space<hbm>> -> memref<1x1x80x125xi32, #tpu.memory_space<hbm>>
      %dma_start3A_144 = tpu.memref_squeeze %dma_start3A_143 : memref<1x1x80x125xi32, #tpu.memory_space<hbm>> -> memref<80x125xi32, #tpu.memory_space<hbm>>
      tpu.enqueue_dma source(%dma_start3A_144 : memref<80x125xi32, #tpu.memory_space<hbm>>) target(%arg6 : memref<80x125xi32, #tpu.memory_space<vmem>>) target_semaphore(%run_scoped3A_136 : memref<!tpu.dma_semaphore, #tpu.memory_space<semaphore_mem>>)
      %dma_wait3A_145 = arith.constant 0 : i32
      %dma_wait3A_146 = arith.constant 0 : i32
      %dma_wait3A_147 = tpu.memref_slice %arg3[%run_scoped3A_5, %add3A, %dma_wait3A_145, %dma_wait3A_146] : memref<2x32x80x125xi32, #tpu.memory_space<hbm>> -> memref<1x1x80x125xi32, #tpu.memory_space<hbm>>
      %dma_wait3A_148 = tpu.memref_squeeze %dma_wait3A_147 : memref<1x1x80x125xi32, #tpu.memory_space<hbm>> -> memref<80x125xi32, #tpu.memory_space<hbm>>
      %dma_wait3A_149 = arith.constant 0 : i32
      %dma_wait3A_150 = arith.constant 0 : i32
      %dma_wait3A_151 = tpu.memref_slice %arg3[%run_scoped3A_5, %add3A, %dma_wait3A_149, %dma_wait3A_150] : memref<2x32x80x125xi32, #tpu.memory_space<hbm>> -> memref<1x1x80x125xi32, #tpu.memory_space<hbm>>
      %dma_wait3A_152 = tpu.memref_squeeze %dma_wait3A_151 : memref<1x1x80x125xi32, #tpu.memory_space<hbm>> -> memref<80x125xi32, #tpu.memory_space<hbm>>
      tpu.wait_dma2 semaphore(%run_scoped3A_136 : memref<!tpu.dma_semaphore, #tpu.memory_space<semaphore_mem>>) src(%dma_wait3A_152 : memref<80x125xi32, #tpu.memory_space<hbm>>) dst(%arg6 : memref<80x125xi32, #tpu.memory_space<vmem>>)
      tpu.yield
    }) : () -> ()
    %scan3A = arith.constant 0 : i32
    %scan3A_6 = arith.constant 80 : i32
    %scan3A_7 = arith.addi %scan3A, %scan3A_6 : i32
    %scan3A_8 = arith.constant 1 : i32
    scf.for %scan3A_136 = %scan3A to %scan3A_7 step %scan3A_8  : i32 {
      %mul3A_137 = arith.constant 1 : i32
      %mul3A_138 = arith.muli %scan3A_136, %mul3A_137 : i32
      %add3A_139 = arith.constant 0 : i32
      %add3A_140 = arith.addi %add3A_139, %mul3A_138 : i32
      %get3A = arith.index_cast %add3A_140 : i32 to index
      %get3A_141 = arith.constant 0 : index
      %get3A_142 = tpu.vector_load %arg11[%get3A, %get3A_141] {strides = array<i32>} : memref<80x128xf32, #tpu.memory_space<vmem>>, vector<16xf32>,
      %mul3A_143 = arith.constant 8 : i32
      %mul3A_144 = arith.muli %add3A_140, %mul3A_143 : i32
      %add3A_145 = arith.constant 0 : i32
      %add3A_146 = arith.addi %mul3A_144, %add3A_145 : i32
      %swap3A = arith.index_cast %add3A_146 : i32 to index
      %swap3A_147 = arith.constant 0 : index
      %swap3A_148 = tpu.vector_load %arg12[%swap3A, %swap3A_147] {strides = array<i32>} : memref<640x16xf32, #tpu.memory_space<vmem>>, vector<16xf32>,
      tpu.vector_store %arg12[%swap3A, %swap3A_147], %get3A_142 {strides = array<i32>} : memref<640x16xf32, #tpu.memory_space<vmem>>, vector<16xf32>,
      %get3A_149 = arith.index_cast %add3A_140 : i32 to index
      %get3A_150 = arith.constant 16 : index
      %get3A_151 = tpu.vector_load %arg11[%get3A_149, %get3A_150] {strides = array<i32>} : memref<80x128xf32, #tpu.memory_space<vmem>>, vector<16xf32>,
      %mul3A_152 = arith.constant 8 : i32
      %mul3A_153 = arith.muli %add3A_140, %mul3A_152 : i32
      %add3A_154 = arith.constant 1 : i32
      %add3A_155 = arith.addi %mul3A_153, %add3A_154 : i32
      %swap3A_156 = arith.index_cast %add3A_155 : i32 to index
      %swap3A_157 = arith.constant 0 : index
      %swap3A_158 = tpu.vector_load %arg12[%swap3A_156, %swap3A_157] {strides = array<i32>} : memref<640x16xf32, #tpu.memory_space<vmem>>, vector<16xf32>,
      tpu.vector_store %arg12[%swap3A_156, %swap3A_157], %get3A_151 {strides = array<i32>} : memref<640x16xf32, #tpu.memory_space<vmem>>, vector<16xf32>,
      %get3A_159 = arith.index_cast %add3A_140 : i32 to index
      %get3A_160 = arith.constant 32 : index
      %get3A_161 = tpu.vector_load %arg11[%get3A_159, %get3A_160] {strides = array<i32>} : memref<80x128xf32, #tpu.memory_space<vmem>>, vector<16xf32>,
      %mul3A_162 = arith.constant 8 : i32
      %mul3A_163 = arith.muli %add3A_140, %mul3A_162 : i32
      %add3A_164 = arith.constant 2 : i32
      %add3A_165 = arith.addi %mul3A_163, %add3A_164 : i32
      %swap3A_166 = arith.index_cast %add3A_165 : i32 to index
      %swap3A_167 = arith.constant 0 : index
      %swap3A_168 = tpu.vector_load %arg12[%swap3A_166, %swap3A_167] {strides = array<i32>} : memref<640x16xf32, #tpu.memory_space<vmem>>, vector<16xf32>,
      tpu.vector_store %arg12[%swap3A_166, %swap3A_167], %get3A_161 {strides = array<i32>} : memref<640x16xf32, #tpu.memory_space<vmem>>, vector<16xf32>,
      %get3A_169 = arith.index_cast %add3A_140 : i32 to index
      %get3A_170 = arith.constant 48 : index
      %get3A_171 = tpu.vector_load %arg11[%get3A_169, %get3A_170] {strides = array<i32>} : memref<80x128xf32, #tpu.memory_space<vmem>>, vector<16xf32>,
      %mul3A_172 = arith.constant 8 : i32
      %mul3A_173 = arith.muli %add3A_140, %mul3A_172 : i32
      %add3A_174 = arith.constant 3 : i32
      %add3A_175 = arith.addi %mul3A_173, %add3A_174 : i32
      %swap3A_176 = arith.index_cast %add3A_175 : i32 to index
      %swap3A_177 = arith.constant 0 : index
      %swap3A_178 = tpu.vector_load %arg12[%swap3A_176, %swap3A_177] {strides = array<i32>} : memref<640x16xf32, #tpu.memory_space<vmem>>, vector<16xf32>,
      tpu.vector_store %arg12[%swap3A_176, %swap3A_177], %get3A_171 {strides = array<i32>} : memref<640x16xf32, #tpu.memory_space<vmem>>, vector<16xf32>,
      %get3A_179 = arith.index_cast %add3A_140 : i32 to index
      %get3A_180 = arith.constant 64 : index
      %get3A_181 = tpu.vector_load %arg11[%get3A_179, %get3A_180] {strides = array<i32>} : memref<80x128xf32, #tpu.memory_space<vmem>>, vector<16xf32>,
      %mul3A_182 = arith.constant 8 : i32
      %mul3A_183 = arith.muli %add3A_140, %mul3A_182 : i32
      %add3A_184 = arith.constant 4 : i32
      %add3A_185 = arith.addi %mul3A_183, %add3A_184 : i32
      %swap3A_186 = arith.index_cast %add3A_185 : i32 to index
      %swap3A_187 = arith.constant 0 : index
      %swap3A_188 = tpu.vector_load %arg12[%swap3A_186, %swap3A_187] {strides = array<i32>} : memref<640x16xf32, #tpu.memory_space<vmem>>, vector<16xf32>,
      tpu.vector_store %arg12[%swap3A_186, %swap3A_187], %get3A_181 {strides = array<i32>} : memref<640x16xf32, #tpu.memory_space<vmem>>, vector<16xf32>,
      %get3A_189 = arith.index_cast %add3A_140 : i32 to index
      %get3A_190 = arith.constant 80 : index
      %get3A_191 = tpu.vector_load %arg11[%get3A_189, %get3A_190] {strides = array<i32>} : memref<80x128xf32, #tpu.memory_space<vmem>>, vector<16xf32>,
      %mul3A_192 = arith.constant 8 : i32
      %mul3A_193 = arith.muli %add3A_140, %mul3A_192 : i32
      %add3A_194 = arith.constant 5 : i32
      %add3A_195 = arith.addi %mul3A_193, %add3A_194 : i32
      %swap3A_196 = arith.index_cast %add3A_195 : i32 to index
      %swap3A_197 = arith.constant 0 : index
      %swap3A_198 = tpu.vector_load %arg12[%swap3A_196, %swap3A_197] {strides = array<i32>} : memref<640x16xf32, #tpu.memory_space<vmem>>, vector<16xf32>,
      tpu.vector_store %arg12[%swap3A_196, %swap3A_197], %get3A_191 {strides = array<i32>} : memref<640x16xf32, #tpu.memory_space<vmem>>, vector<16xf32>,
      %get3A_199 = arith.index_cast %add3A_140 : i32 to index
      %get3A_200 = arith.constant 96 : index
      %get3A_201 = tpu.vector_load %arg11[%get3A_199, %get3A_200] {strides = array<i32>} : memref<80x128xf32, #tpu.memory_space<vmem>>, vector<16xf32>,
      %mul3A_202 = arith.constant 8 : i32
      %mul3A_203 = arith.muli %add3A_140, %mul3A_202 : i32
      %add3A_204 = arith.constant 6 : i32
      %add3A_205 = arith.addi %mul3A_203, %add3A_204 : i32
      %swap3A_206 = arith.index_cast %add3A_205 : i32 to index
      %swap3A_207 = arith.constant 0 : index
      %swap3A_208 = tpu.vector_load %arg12[%swap3A_206, %swap3A_207] {strides = array<i32>} : memref<640x16xf32, #tpu.memory_space<vmem>>, vector<16xf32>,
      tpu.vector_store %arg12[%swap3A_206, %swap3A_207], %get3A_201 {strides = array<i32>} : memref<640x16xf32, #tpu.memory_space<vmem>>, vector<16xf32>,
      %get3A_209 = arith.index_cast %add3A_140 : i32 to index
      %get3A_210 = arith.constant 112 : index
      %get3A_211 = tpu.vector_load %arg11[%get3A_209, %get3A_210] {strides = array<i32>} : memref<80x128xf32, #tpu.memory_space<vmem>>, vector<16xf32>,
      %mul3A_212 = arith.constant 8 : i32
      %mul3A_213 = arith.muli %add3A_140, %mul3A_212 : i32
      %add3A_214 = arith.constant 7 : i32
      %add3A_215 = arith.addi %mul3A_213, %add3A_214 : i32
      %swap3A_216 = arith.index_cast %add3A_215 : i32 to index
      %swap3A_217 = arith.constant 0 : index
      %swap3A_218 = tpu.vector_load %arg12[%swap3A_216, %swap3A_217] {strides = array<i32>} : memref<640x16xf32, #tpu.memory_space<vmem>>, vector<16xf32>,
      tpu.vector_store %arg12[%swap3A_216, %swap3A_217], %get3A_211 {strides = array<i32>} : memref<640x16xf32, #tpu.memory_space<vmem>>, vector<16xf32>,
    }
    %scan3A_9 = arith.constant 80 : i32
    "tpu.region"() ({
      %run_scoped3A_136 = tpu.sem_alloc : memref<!tpu.dma_semaphore, #tpu.memory_space<semaphore_mem>>
      %dma_start3A_137 = arith.constant 0 : i32
      %dma_start3A_138 = tpu.memref_slice %arg14[%mul3A_2, %dma_start3A_137] : memref<10240x16xf32, #tpu.memory_space<vmem_shared>> -> memref<640x16xf32, #tpu.memory_space<vmem_shared>>
      %dma_start3A_139 = arith.constant 0 : i32
      %dma_start3A_140 = tpu.memref_slice %arg14[%mul3A_2, %dma_start3A_139] : memref<10240x16xf32, #tpu.memory_space<vmem_shared>> -> memref<640x16xf32, #tpu.memory_space<vmem_shared>>
      tpu.enqueue_dma source(%arg12 : memref<640x16xf32, #tpu.memory_space<vmem>>) target(%dma_start3A_140 : memref<640x16xf32, #tpu.memory_space<vmem_shared>>) target_semaphore(%run_scoped3A_136 : memref<!tpu.dma_semaphore, #tpu.memory_space<semaphore_mem>>)
      %dma_wait3A_141 = arith.constant 0 : i32
      %dma_wait3A_142 = tpu.memref_slice %arg14[%mul3A_2, %dma_wait3A_141] : memref<10240x16xf32, #tpu.memory_space<vmem_shared>> -> memref<640x16xf32, #tpu.memory_space<vmem_shared>>
      %dma_wait3A_143 = arith.constant 0 : i32
      %dma_wait3A_144 = tpu.memref_slice %arg14[%mul3A_2, %dma_wait3A_143] : memref<10240x16xf32, #tpu.memory_space<vmem_shared>> -> memref<640x16xf32, #tpu.memory_space<vmem_shared>>
      tpu.wait_dma2 semaphore(%run_scoped3A_136 : memref<!tpu.dma_semaphore, #tpu.memory_space<semaphore_mem>>) src(%arg12 : memref<640x16xf32, #tpu.memory_space<vmem>>) dst(%dma_wait3A_144 : memref<640x16xf32, #tpu.memory_space<vmem_shared>>)
      tpu.yield
    }) : () -> ()
    %scan3A_10 = arith.constant 0 : i32
    %scan3A_11 = arith.constant 640 : i32
    %scan3A_12 = arith.addi %scan3A_10, %scan3A_11 : i32
    %scan3A_13 = arith.constant 1 : i32
    scf.for %scan3A_136 = %scan3A_10 to %scan3A_12 step %scan3A_13  : i32 {
      %mul3A_137 = arith.constant 1 : i32
      %mul3A_138 = arith.muli %scan3A_136, %mul3A_137 : i32
      %add3A_139 = arith.constant 0 : i32
      %add3A_140 = arith.addi %add3A_139, %mul3A_138 : i32
      %broadcast_in_dim3A = arith.constant 0.000000e+00 : f32
      %broadcast_in_dim3A_141 = vector.broadcast %broadcast_in_dim3A : f32 to vector<16xf32>
      %swap3A = arith.index_cast %add3A_140 : i32 to index
      %swap3A_142 = arith.constant 0 : index
      %swap3A_143 = tpu.vector_load %arg12[%swap3A, %swap3A_142] {strides = array<i32>} : memref<640x16xf32, #tpu.memory_space<vmem>>, vector<16xf32>,
      tpu.vector_store %arg12[%swap3A, %swap3A_142], %broadcast_in_dim3A_141 {strides = array<i32>} : memref<640x16xf32, #tpu.memory_space<vmem>>, vector<16xf32>,
    }
    %scan3A_14 = arith.constant 640 : i32
    "tpu.region"() ({
      %run_scoped3A_136 = tpu.sem_alloc : memref<!tpu.dma_semaphore, #tpu.memory_space<semaphore_mem>>
      %dma_start3A_137 = arith.constant 0 : i32
      %dma_start3A_138 = tpu.memref_slice %arg13[%mul3A_2, %dma_start3A_137] : memref<10240x16xf32, #tpu.memory_space<vmem_shared>> -> memref<640x16xf32, #tpu.memory_space<vmem_shared>>
      %dma_start3A_139 = arith.constant 0 : i32
      %dma_start3A_140 = tpu.memref_slice %arg13[%mul3A_2, %dma_start3A_139] : memref<10240x16xf32, #tpu.memory_space<vmem_shared>> -> memref<640x16xf32, #tpu.memory_space<vmem_shared>>
      tpu.enqueue_dma source(%arg12 : memref<640x16xf32, #tpu.memory_space<vmem>>) target(%dma_start3A_140 : memref<640x16xf32, #tpu.memory_space<vmem_shared>>) target_semaphore(%run_scoped3A_136 : memref<!tpu.dma_semaphore, #tpu.memory_space<semaphore_mem>>)
      %dma_wait3A_141 = arith.constant 0 : i32
      %dma_wait3A_142 = tpu.memref_slice %arg13[%mul3A_2, %dma_wait3A_141] : memref<10240x16xf32, #tpu.memory_space<vmem_shared>> -> memref<640x16xf32, #tpu.memory_space<vmem_shared>>
      %dma_wait3A_143 = arith.constant 0 : i32
      %dma_wait3A_144 = tpu.memref_slice %arg13[%mul3A_2, %dma_wait3A_143] : memref<10240x16xf32, #tpu.memory_space<vmem_shared>> -> memref<640x16xf32, #tpu.memory_space<vmem_shared>>
      tpu.wait_dma2 semaphore(%run_scoped3A_136 : memref<!tpu.dma_semaphore, #tpu.memory_space<semaphore_mem>>) src(%arg12 : memref<640x16xf32, #tpu.memory_space<vmem>>) dst(%dma_wait3A_144 : memref<640x16xf32, #tpu.memory_space<vmem_shared>>)
      tpu.yield
    }) : () -> ()
    %barrier3A = arith.constant 0 : index
    tpu.barrier barrier_id(%barrier3A)
    %dma_start3A = arith.constant 0 : i32
    %dma_start3A_15 = arith.constant 0 : i32
    %dma_start3A_16 = tpu.memref_slice %arg5[%dma_start3A, %dma_start3A_15] : memref<80x125xi32, #tpu.memory_space<vmem>> -> memref<1x125xi32, #tpu.memory_space<vmem>>
    %dma_start3A_17 = tpu.memref_squeeze %dma_start3A_16 : memref<1x125xi32, #tpu.memory_space<vmem>> -> memref<125xi32, #tpu.memory_space<vmem>>
    %dma_start3A_18 = arith.constant 0 : i32
    %dma_start3A_19 = arith.constant 0 : i32
    %dma_start3A_20 = tpu.memref_slice %arg14[%dma_start3A_18, %dma_start3A_19] : memref<10240x16xf32, #tpu.memory_space<vmem_shared>> -> memref<10240x16xf32, #tpu.memory_space<vmem_shared>>
    tpu.enqueue_indirect_dma source(%dma_start3A_20 : memref<10240x16xf32, #tpu.memory_space<vmem_shared>>) target(%arg7 : memref<125x16xf32, #tpu.memory_space<vmem>>) offsets(%dma_start3A_17 : memref<125xi32, #tpu.memory_space<vmem>>) semaphore(%arg15 : memref<!tpu.dma_semaphore, #tpu.memory_space<semaphore_mem>>)
    %dma_start3A_21 = arith.constant 1 : i32
    %dma_start3A_22 = arith.constant 0 : i32
    %dma_start3A_23 = tpu.memref_slice %arg5[%dma_start3A_21, %dma_start3A_22] : memref<80x125xi32, #tpu.memory_space<vmem>> -> memref<1x125xi32, #tpu.memory_space<vmem>>
    %dma_start3A_24 = tpu.memref_squeeze %dma_start3A_23 : memref<1x125xi32, #tpu.memory_space<vmem>> -> memref<125xi32, #tpu.memory_space<vmem>>
    %dma_start3A_25 = arith.constant 0 : i32
    %dma_start3A_26 = arith.constant 0 : i32
    %dma_start3A_27 = tpu.memref_slice %arg14[%dma_start3A_25, %dma_start3A_26] : memref<10240x16xf32, #tpu.memory_space<vmem_shared>> -> memref<10240x16xf32, #tpu.memory_space<vmem_shared>>
    tpu.enqueue_indirect_dma source(%dma_start3A_27 : memref<10240x16xf32, #tpu.memory_space<vmem_shared>>) target(%arg8 : memref<125x16xf32, #tpu.memory_space<vmem>>) offsets(%dma_start3A_24 : memref<125xi32, #tpu.memory_space<vmem>>) semaphore(%arg16 : memref<!tpu.dma_semaphore, #tpu.memory_space<semaphore_mem>>)
    %dma_start3A_28 = arith.constant 2 : i32
    %dma_start3A_29 = arith.constant 0 : i32
    %dma_start3A_30 = tpu.memref_slice %arg5[%dma_start3A_28, %dma_start3A_29] : memref<80x125xi32, #tpu.memory_space<vmem>> -> memref<1x125xi32, #tpu.memory_space<vmem>>
    %dma_start3A_31 = tpu.memref_squeeze %dma_start3A_30 : memref<1x125xi32, #tpu.memory_space<vmem>> -> memref<125xi32, #tpu.memory_space<vmem>>
    %dma_start3A_32 = arith.constant 0 : i32
    %dma_start3A_33 = arith.constant 0 : i32
    %dma_start3A_34 = tpu.memref_slice %arg14[%dma_start3A_32, %dma_start3A_33] : memref<10240x16xf32, #tpu.memory_space<vmem_shared>> -> memref<10240x16xf32, #tpu.memory_space<vmem_shared>>
    tpu.enqueue_indirect_dma source(%dma_start3A_34 : memref<10240x16xf32, #tpu.memory_space<vmem_shared>>) target(%arg9 : memref<125x16xf32, #tpu.memory_space<vmem>>) offsets(%dma_start3A_31 : memref<125xi32, #tpu.memory_space<vmem>>) semaphore(%arg17 : memref<!tpu.dma_semaphore, #tpu.memory_space<semaphore_mem>>)
    %dma_start3A_35 = arith.constant 3 : i32
    %dma_start3A_36 = arith.constant 0 : i32
    %dma_start3A_37 = tpu.memref_slice %arg5[%dma_start3A_35, %dma_start3A_36] : memref<80x125xi32, #tpu.memory_space<vmem>> -> memref<1x125xi32, #tpu.memory_space<vmem>>
    %dma_start3A_38 = tpu.memref_squeeze %dma_start3A_37 : memref<1x125xi32, #tpu.memory_space<vmem>> -> memref<125xi32, #tpu.memory_space<vmem>>
    %dma_start3A_39 = arith.constant 0 : i32
    %dma_start3A_40 = arith.constant 0 : i32
    %dma_start3A_41 = tpu.memref_slice %arg14[%dma_start3A_39, %dma_start3A_40] : memref<10240x16xf32, #tpu.memory_space<vmem_shared>> -> memref<10240x16xf32, #tpu.memory_space<vmem_shared>>
    tpu.enqueue_indirect_dma source(%dma_start3A_41 : memref<10240x16xf32, #tpu.memory_space<vmem_shared>>) target(%arg10 : memref<125x16xf32, #tpu.memory_space<vmem>>) offsets(%dma_start3A_38 : memref<125xi32, #tpu.memory_space<vmem>>) semaphore(%arg18 : memref<!tpu.dma_semaphore, #tpu.memory_space<semaphore_mem>>)
    %scan3A_42 = arith.constant 0 : i32
    %scan3A_43 = arith.constant 19 : i32
    %scan3A_44 = arith.addi %scan3A_42, %scan3A_43 : i32
    %scan3A_45 = arith.constant 1 : i32
    scf.for %scan3A_136 = %scan3A_42 to %scan3A_44 step %scan3A_45  : i32 {
      %mul3A_137 = arith.constant 1 : i32
      %mul3A_138 = arith.muli %scan3A_136, %mul3A_137 : i32
      %add3A_139 = arith.constant 0 : i32
      %add3A_140 = arith.addi %add3A_139, %mul3A_138 : i32
      %mul3A_141 = arith.constant 4 : i32
      %mul3A_142 = arith.muli %add3A_140, %mul3A_141 : i32
      %add3A_143 = arith.constant 0 : i32
      %add3A_144 = arith.addi %mul3A_142, %add3A_143 : i32
      %dma_wait3A_145 = arith.constant 0 : i32
      %dma_wait3A_146 = arith.constant 0 : i32
      %dma_wait3A_147 = tpu.memref_slice %arg5[%dma_wait3A_145, %dma_wait3A_146] : memref<80x125xi32, #tpu.memory_space<vmem>> -> memref<1x125xi32, #tpu.memory_space<vmem>>
      %dma_wait3A_148 = tpu.memref_squeeze %dma_wait3A_147 : memref<1x125xi32, #tpu.memory_space<vmem>> -> memref<125xi32, #tpu.memory_space<vmem>>
      %dma_wait3A_149 = arith.constant 0 : i32
      %dma_wait3A_150 = arith.constant 0 : i32
      %dma_wait3A_151 = tpu.memref_slice %arg14[%dma_wait3A_149, %dma_wait3A_150] : memref<10240x16xf32, #tpu.memory_space<vmem_shared>> -> memref<10240x16xf32, #tpu.memory_space<vmem_shared>>
      tpu.wait_indirect_dma semaphore(%arg15 : memref<!tpu.dma_semaphore, #tpu.memory_space<semaphore_mem>>) src(%dma_wait3A_151 : memref<10240x16xf32, #tpu.memory_space<vmem_shared>>) dst(%arg7 : memref<125x16xf32, #tpu.memory_space<vmem>>)
      %dma_start3A_152 = arith.constant 0 : i32
      %dma_start3A_153 = tpu.memref_slice %arg6[%add3A_144, %dma_start3A_152] : memref<80x125xi32, #tpu.memory_space<vmem>> -> memref<1x125xi32, #tpu.memory_space<vmem>>
      %dma_start3A_154 = tpu.memref_squeeze %dma_start3A_153 : memref<1x125xi32, #tpu.memory_space<vmem>> -> memref<125xi32, #tpu.memory_space<vmem>>
      %dma_start3A_155 = arith.constant 0 : i32
      %dma_start3A_156 = arith.constant 0 : i32
      %dma_start3A_157 = tpu.memref_slice %arg13[%dma_start3A_155, %dma_start3A_156] : memref<10240x16xf32, #tpu.memory_space<vmem_shared>> -> memref<10240x16xf32, #tpu.memory_space<vmem_shared>>
      tpu.enqueue_indirect_dma source(%arg7 : memref<125x16xf32, #tpu.memory_space<vmem>>) target(%dma_start3A_157 : memref<10240x16xf32, #tpu.memory_space<vmem_shared>>) offsets(%dma_start3A_154 : memref<125xi32, #tpu.memory_space<vmem>>) semaphore(%arg19 : memref<!tpu.dma_semaphore, #tpu.memory_space<semaphore_mem>>) {add = true}
      %dma_wait3A_158 = arith.constant 0 : i32
      %dma_wait3A_159 = arith.constant 0 : i32
      %dma_wait3A_160 = tpu.memref_slice %arg6[%dma_wait3A_158, %dma_wait3A_159] : memref<80x125xi32, #tpu.memory_space<vmem>> -> memref<1x125xi32, #tpu.memory_space<vmem>>
      %dma_wait3A_161 = tpu.memref_squeeze %dma_wait3A_160 : memref<1x125xi32, #tpu.memory_space<vmem>> -> memref<125xi32, #tpu.memory_space<vmem>>
      %dma_wait3A_162 = arith.constant 0 : i32
      %dma_wait3A_163 = arith.constant 0 : i32
      %dma_wait3A_164 = tpu.memref_slice %arg13[%dma_wait3A_162, %dma_wait3A_163] : memref<10240x16xf32, #tpu.memory_space<vmem_shared>> -> memref<10240x16xf32, #tpu.memory_space<vmem_shared>>
      tpu.wait_indirect_dma semaphore(%arg19 : memref<!tpu.dma_semaphore, #tpu.memory_space<semaphore_mem>>) src(%arg7 : memref<125x16xf32, #tpu.memory_space<vmem>>) dst(%dma_wait3A_164 : memref<10240x16xf32, #tpu.memory_space<vmem_shared>>)
      %add3A_165 = arith.constant 4 : i32
      %add3A_166 = arith.addi %add3A_144, %add3A_165 : i32
      %dma_start3A_167 = arith.constant 0 : i32
      %dma_start3A_168 = tpu.memref_slice %arg5[%add3A_166, %dma_start3A_167] : memref<80x125xi32, #tpu.memory_space<vmem>> -> memref<1x125xi32, #tpu.memory_space<vmem>>
      %dma_start3A_169 = tpu.memref_squeeze %dma_start3A_168 : memref<1x125xi32, #tpu.memory_space<vmem>> -> memref<125xi32, #tpu.memory_space<vmem>>
      %dma_start3A_170 = arith.constant 0 : i32
      %dma_start3A_171 = arith.constant 0 : i32
      %dma_start3A_172 = tpu.memref_slice %arg14[%dma_start3A_170, %dma_start3A_171] : memref<10240x16xf32, #tpu.memory_space<vmem_shared>> -> memref<10240x16xf32, #tpu.memory_space<vmem_shared>>
      tpu.enqueue_indirect_dma source(%dma_start3A_172 : memref<10240x16xf32, #tpu.memory_space<vmem_shared>>) target(%arg7 : memref<125x16xf32, #tpu.memory_space<vmem>>) offsets(%dma_start3A_169 : memref<125xi32, #tpu.memory_space<vmem>>) semaphore(%arg15 : memref<!tpu.dma_semaphore, #tpu.memory_space<semaphore_mem>>)
      %add3A_173 = arith.constant 1 : i32
      %add3A_174 = arith.addi %mul3A_142, %add3A_173 : i32
      %dma_wait3A_175 = arith.constant 0 : i32
      %dma_wait3A_176 = arith.constant 0 : i32
      %dma_wait3A_177 = tpu.memref_slice %arg5[%dma_wait3A_175, %dma_wait3A_176] : memref<80x125xi32, #tpu.memory_space<vmem>> -> memref<1x125xi32, #tpu.memory_space<vmem>>
      %dma_wait3A_178 = tpu.memref_squeeze %dma_wait3A_177 : memref<1x125xi32, #tpu.memory_space<vmem>> -> memref<125xi32, #tpu.memory_space<vmem>>
      %dma_wait3A_179 = arith.constant 0 : i32
      %dma_wait3A_180 = arith.constant 0 : i32
      %dma_wait3A_181 = tpu.memref_slice %arg14[%dma_wait3A_179, %dma_wait3A_180] : memref<10240x16xf32, #tpu.memory_space<vmem_shared>> -> memref<10240x16xf32, #tpu.memory_space<vmem_shared>>
      tpu.wait_indirect_dma semaphore(%arg16 : memref<!tpu.dma_semaphore, #tpu.memory_space<semaphore_mem>>) src(%dma_wait3A_181 : memref<10240x16xf32, #tpu.memory_space<vmem_shared>>) dst(%arg8 : memref<125x16xf32, #tpu.memory_space<vmem>>)
      %dma_start3A_182 = arith.constant 0 : i32
      %dma_start3A_183 = tpu.memref_slice %arg6[%add3A_174, %dma_start3A_182] : memref<80x125xi32, #tpu.memory_space<vmem>> -> memref<1x125xi32, #tpu.memory_space<vmem>>
      %dma_start3A_184 = tpu.memref_squeeze %dma_start3A_183 : memref<1x125xi32, #tpu.memory_space<vmem>> -> memref<125xi32, #tpu.memory_space<vmem>>
      %dma_start3A_185 = arith.constant 0 : i32
      %dma_start3A_186 = arith.constant 0 : i32
      %dma_start3A_187 = tpu.memref_slice %arg13[%dma_start3A_185, %dma_start3A_186] : memref<10240x16xf32, #tpu.memory_space<vmem_shared>> -> memref<10240x16xf32, #tpu.memory_space<vmem_shared>>
      tpu.enqueue_indirect_dma source(%arg8 : memref<125x16xf32, #tpu.memory_space<vmem>>) target(%dma_start3A_187 : memref<10240x16xf32, #tpu.memory_space<vmem_shared>>) offsets(%dma_start3A_184 : memref<125xi32, #tpu.memory_space<vmem>>) semaphore(%arg20 : memref<!tpu.dma_semaphore, #tpu.memory_space<semaphore_mem>>) {add = true}
      %dma_wait3A_188 = arith.constant 0 : i32
      %dma_wait3A_189 = arith.constant 0 : i32
      %dma_wait3A_190 = tpu.memref_slice %arg6[%dma_wait3A_188, %dma_wait3A_189] : memref<80x125xi32, #tpu.memory_space<vmem>> -> memref<1x125xi32, #tpu.memory_space<vmem>>
      %dma_wait3A_191 = tpu.memref_squeeze %dma_wait3A_190 : memref<1x125xi32, #tpu.memory_space<vmem>> -> memref<125xi32, #tpu.memory_space<vmem>>
      %dma_wait3A_192 = arith.constant 0 : i32
      %dma_wait3A_193 = arith.constant 0 : i32
      %dma_wait3A_194 = tpu.memref_slice %arg13[%dma_wait3A_192, %dma_wait3A_193] : memref<10240x16xf32, #tpu.memory_space<vmem_shared>> -> memref<10240x16xf32, #tpu.memory_space<vmem_shared>>
      tpu.wait_indirect_dma semaphore(%arg20 : memref<!tpu.dma_semaphore, #tpu.memory_space<semaphore_mem>>) src(%arg8 : memref<125x16xf32, #tpu.memory_space<vmem>>) dst(%dma_wait3A_194 : memref<10240x16xf32, #tpu.memory_space<vmem_shared>>)
      %add3A_195 = arith.constant 4 : i32
      %add3A_196 = arith.addi %add3A_174, %add3A_195 : i32
      %dma_start3A_197 = arith.constant 0 : i32
      %dma_start3A_198 = tpu.memref_slice %arg5[%add3A_196, %dma_start3A_197] : memref<80x125xi32, #tpu.memory_space<vmem>> -> memref<1x125xi32, #tpu.memory_space<vmem>>
      %dma_start3A_199 = tpu.memref_squeeze %dma_start3A_198 : memref<1x125xi32, #tpu.memory_space<vmem>> -> memref<125xi32, #tpu.memory_space<vmem>>
      %dma_start3A_200 = arith.constant 0 : i32
      %dma_start3A_201 = arith.constant 0 : i32
      %dma_start3A_202 = tpu.memref_slice %arg14[%dma_start3A_200, %dma_start3A_201] : memref<10240x16xf32, #tpu.memory_space<vmem_shared>> -> memref<10240x16xf32, #tpu.memory_space<vmem_shared>>
      tpu.enqueue_indirect_dma source(%dma_start3A_202 : memref<10240x16xf32, #tpu.memory_space<vmem_shared>>) target(%arg8 : memref<125x16xf32, #tpu.memory_space<vmem>>) offsets(%dma_start3A_199 : memref<125xi32, #tpu.memory_space<vmem>>) semaphore(%arg16 : memref<!tpu.dma_semaphore, #tpu.memory_space<semaphore_mem>>)
      %add3A_203 = arith.constant 2 : i32
      %add3A_204 = arith.addi %mul3A_142, %add3A_203 : i32
      %dma_wait3A_205 = arith.constant 0 : i32
      %dma_wait3A_206 = arith.constant 0 : i32
      %dma_wait3A_207 = tpu.memref_slice %arg5[%dma_wait3A_205, %dma_wait3A_206] : memref<80x125xi32, #tpu.memory_space<vmem>> -> memref<1x125xi32, #tpu.memory_space<vmem>>
      %dma_wait3A_208 = tpu.memref_squeeze %dma_wait3A_207 : memref<1x125xi32, #tpu.memory_space<vmem>> -> memref<125xi32, #tpu.memory_space<vmem>>
      %dma_wait3A_209 = arith.constant 0 : i32
      %dma_wait3A_210 = arith.constant 0 : i32
      %dma_wait3A_211 = tpu.memref_slice %arg14[%dma_wait3A_209, %dma_wait3A_210] : memref<10240x16xf32, #tpu.memory_space<vmem_shared>> -> memref<10240x16xf32, #tpu.memory_space<vmem_shared>>
      tpu.wait_indirect_dma semaphore(%arg17 : memref<!tpu.dma_semaphore, #tpu.memory_space<semaphore_mem>>) src(%dma_wait3A_211 : memref<10240x16xf32, #tpu.memory_space<vmem_shared>>) dst(%arg9 : memref<125x16xf32, #tpu.memory_space<vmem>>)
      %dma_start3A_212 = arith.constant 0 : i32
      %dma_start3A_213 = tpu.memref_slice %arg6[%add3A_204, %dma_start3A_212] : memref<80x125xi32, #tpu.memory_space<vmem>> -> memref<1x125xi32, #tpu.memory_space<vmem>>
      %dma_start3A_214 = tpu.memref_squeeze %dma_start3A_213 : memref<1x125xi32, #tpu.memory_space<vmem>> -> memref<125xi32, #tpu.memory_space<vmem>>
      %dma_start3A_215 = arith.constant 0 : i32
      %dma_start3A_216 = arith.constant 0 : i32
      %dma_start3A_217 = tpu.memref_slice %arg13[%dma_start3A_215, %dma_start3A_216] : memref<10240x16xf32, #tpu.memory_space<vmem_shared>> -> memref<10240x16xf32, #tpu.memory_space<vmem_shared>>
      tpu.enqueue_indirect_dma source(%arg9 : memref<125x16xf32, #tpu.memory_space<vmem>>) target(%dma_start3A_217 : memref<10240x16xf32, #tpu.memory_space<vmem_shared>>) offsets(%dma_start3A_214 : memref<125xi32, #tpu.memory_space<vmem>>) semaphore(%arg21 : memref<!tpu.dma_semaphore, #tpu.memory_space<semaphore_mem>>) {add = true}
      %dma_wait3A_218 = arith.constant 0 : i32
      %dma_wait3A_219 = arith.constant 0 : i32
      %dma_wait3A_220 = tpu.memref_slice %arg6[%dma_wait3A_218, %dma_wait3A_219] : memref<80x125xi32, #tpu.memory_space<vmem>> -> memref<1x125xi32, #tpu.memory_space<vmem>>
      %dma_wait3A_221 = tpu.memref_squeeze %dma_wait3A_220 : memref<1x125xi32, #tpu.memory_space<vmem>> -> memref<125xi32, #tpu.memory_space<vmem>>
      %dma_wait3A_222 = arith.constant 0 : i32
      %dma_wait3A_223 = arith.constant 0 : i32
      %dma_wait3A_224 = tpu.memref_slice %arg13[%dma_wait3A_222, %dma_wait3A_223] : memref<10240x16xf32, #tpu.memory_space<vmem_shared>> -> memref<10240x16xf32, #tpu.memory_space<vmem_shared>>
      tpu.wait_indirect_dma semaphore(%arg21 : memref<!tpu.dma_semaphore, #tpu.memory_space<semaphore_mem>>) src(%arg9 : memref<125x16xf32, #tpu.memory_space<vmem>>) dst(%dma_wait3A_224 : memref<10240x16xf32, #tpu.memory_space<vmem_shared>>)
      %add3A_225 = arith.constant 4 : i32
      %add3A_226 = arith.addi %add3A_204, %add3A_225 : i32
      %dma_start3A_227 = arith.constant 0 : i32
      %dma_start3A_228 = tpu.memref_slice %arg5[%add3A_226, %dma_start3A_227] : memref<80x125xi32, #tpu.memory_space<vmem>> -> memref<1x125xi32, #tpu.memory_space<vmem>>
      %dma_start3A_229 = tpu.memref_squeeze %dma_start3A_228 : memref<1x125xi32, #tpu.memory_space<vmem>> -> memref<125xi32, #tpu.memory_space<vmem>>
      %dma_start3A_230 = arith.constant 0 : i32
      %dma_start3A_231 = arith.constant 0 : i32
      %dma_start3A_232 = tpu.memref_slice %arg14[%dma_start3A_230, %dma_start3A_231] : memref<10240x16xf32, #tpu.memory_space<vmem_shared>> -> memref<10240x16xf32, #tpu.memory_space<vmem_shared>>
      tpu.enqueue_indirect_dma source(%dma_start3A_232 : memref<10240x16xf32, #tpu.memory_space<vmem_shared>>) target(%arg9 : memref<125x16xf32, #tpu.memory_space<vmem>>) offsets(%dma_start3A_229 : memref<125xi32, #tpu.memory_space<vmem>>) semaphore(%arg17 : memref<!tpu.dma_semaphore, #tpu.memory_space<semaphore_mem>>)
      %add3A_233 = arith.constant 3 : i32
      %add3A_234 = arith.addi %mul3A_142, %add3A_233 : i32
      %dma_wait3A_235 = arith.constant 0 : i32
      %dma_wait3A_236 = arith.constant 0 : i32
      %dma_wait3A_237 = tpu.memref_slice %arg5[%dma_wait3A_235, %dma_wait3A_236] : memref<80x125xi32, #tpu.memory_space<vmem>> -> memref<1x125xi32, #tpu.memory_space<vmem>>
      %dma_wait3A_238 = tpu.memref_squeeze %dma_wait3A_237 : memref<1x125xi32, #tpu.memory_space<vmem>> -> memref<125xi32, #tpu.memory_space<vmem>>
      %dma_wait3A_239 = arith.constant 0 : i32
      %dma_wait3A_240 = arith.constant 0 : i32
      %dma_wait3A_241 = tpu.memref_slice %arg14[%dma_wait3A_239, %dma_wait3A_240] : memref<10240x16xf32, #tpu.memory_space<vmem_shared>> -> memref<10240x16xf32, #tpu.memory_space<vmem_shared>>
      tpu.wait_indirect_dma semaphore(%arg18 : memref<!tpu.dma_semaphore, #tpu.memory_space<semaphore_mem>>) src(%dma_wait3A_241 : memref<10240x16xf32, #tpu.memory_space<vmem_shared>>) dst(%arg10 : memref<125x16xf32, #tpu.memory_space<vmem>>)
      %dma_start3A_242 = arith.constant 0 : i32
      %dma_start3A_243 = tpu.memref_slice %arg6[%add3A_234, %dma_start3A_242] : memref<80x125xi32, #tpu.memory_space<vmem>> -> memref<1x125xi32, #tpu.memory_space<vmem>>
      %dma_start3A_244 = tpu.memref_squeeze %dma_start3A_243 : memref<1x125xi32, #tpu.memory_space<vmem>> -> memref<125xi32, #tpu.memory_space<vmem>>
      %dma_start3A_245 = arith.constant 0 : i32
      %dma_start3A_246 = arith.constant 0 : i32
      %dma_start3A_247 = tpu.memref_slice %arg13[%dma_start3A_245, %dma_start3A_246] : memref<10240x16xf32, #tpu.memory_space<vmem_shared>> -> memref<10240x16xf32, #tpu.memory_space<vmem_shared>>
      tpu.enqueue_indirect_dma source(%arg10 : memref<125x16xf32, #tpu.memory_space<vmem>>) target(%dma_start3A_247 : memref<10240x16xf32, #tpu.memory_space<vmem_shared>>) offsets(%dma_start3A_244 : memref<125xi32, #tpu.memory_space<vmem>>) semaphore(%arg22 : memref<!tpu.dma_semaphore, #tpu.memory_space<semaphore_mem>>) {add = true}
      %dma_wait3A_248 = arith.constant 0 : i32
      %dma_wait3A_249 = arith.constant 0 : i32
      %dma_wait3A_250 = tpu.memref_slice %arg6[%dma_wait3A_248, %dma_wait3A_249] : memref<80x125xi32, #tpu.memory_space<vmem>> -> memref<1x125xi32, #tpu.memory_space<vmem>>
      %dma_wait3A_251 = tpu.memref_squeeze %dma_wait3A_250 : memref<1x125xi32, #tpu.memory_space<vmem>> -> memref<125xi32, #tpu.memory_space<vmem>>
      %dma_wait3A_252 = arith.constant 0 : i32
      %dma_wait3A_253 = arith.constant 0 : i32
      %dma_wait3A_254 = tpu.memref_slice %arg13[%dma_wait3A_252, %dma_wait3A_253] : memref<10240x16xf32, #tpu.memory_space<vmem_shared>> -> memref<10240x16xf32, #tpu.memory_space<vmem_shared>>
      tpu.wait_indirect_dma semaphore(%arg22 : memref<!tpu.dma_semaphore, #tpu.memory_space<semaphore_mem>>) src(%arg10 : memref<125x16xf32, #tpu.memory_space<vmem>>) dst(%dma_wait3A_254 : memref<10240x16xf32, #tpu.memory_space<vmem_shared>>)
      %add3A_255 = arith.constant 4 : i32
      %add3A_256 = arith.addi %add3A_234, %add3A_255 : i32
      %dma_start3A_257 = arith.constant 0 : i32
      %dma_start3A_258 = tpu.memref_slice %arg5[%add3A_256, %dma_start3A_257] : memref<80x125xi32, #tpu.memory_space<vmem>> -> memref<1x125xi32, #tpu.memory_space<vmem>>
      %dma_start3A_259 = tpu.memref_squeeze %dma_start3A_258 : memref<1x125xi32, #tpu.memory_space<vmem>> -> memref<125xi32, #tpu.memory_space<vmem>>
      %dma_start3A_260 = arith.constant 0 : i32
      %dma_start3A_261 = arith.constant 0 : i32
      %dma_start3A_262 = tpu.memref_slice %arg14[%dma_start3A_260, %dma_start3A_261] : memref<10240x16xf32, #tpu.memory_space<vmem_shared>> -> memref<10240x16xf32, #tpu.memory_space<vmem_shared>>
      tpu.enqueue_indirect_dma source(%dma_start3A_262 : memref<10240x16xf32, #tpu.memory_space<vmem_shared>>) target(%arg10 : memref<125x16xf32, #tpu.memory_space<vmem>>) offsets(%dma_start3A_259 : memref<125xi32, #tpu.memory_space<vmem>>) semaphore(%arg18 : memref<!tpu.dma_semaphore, #tpu.memory_space<semaphore_mem>>)
    }
    %scan3A_46 = arith.constant 19 : i32
    %dma_wait3A = arith.constant 0 : i32
    %dma_wait3A_47 = arith.constant 0 : i32
    %dma_wait3A_48 = tpu.memref_slice %arg5[%dma_wait3A, %dma_wait3A_47] : memref<80x125xi32, #tpu.memory_space<vmem>> -> memref<1x125xi32, #tpu.memory_space<vmem>>
    %dma_wait3A_49 = tpu.memref_squeeze %dma_wait3A_48 : memref<1x125xi32, #tpu.memory_space<vmem>> -> memref<125xi32, #tpu.memory_space<vmem>>
    %dma_wait3A_50 = arith.constant 0 : i32
    %dma_wait3A_51 = arith.constant 0 : i32
    %dma_wait3A_52 = tpu.memref_slice %arg14[%dma_wait3A_50, %dma_wait3A_51] : memref<10240x16xf32, #tpu.memory_space<vmem_shared>> -> memref<10240x16xf32, #tpu.memory_space<vmem_shared>>
    tpu.wait_indirect_dma semaphore(%arg15 : memref<!tpu.dma_semaphore, #tpu.memory_space<semaphore_mem>>) src(%dma_wait3A_52 : memref<10240x16xf32, #tpu.memory_space<vmem_shared>>) dst(%arg7 : memref<125x16xf32, #tpu.memory_space<vmem>>)
    %dma_start3A_53 = arith.constant 76 : i32
    %dma_start3A_54 = arith.constant 0 : i32
    %dma_start3A_55 = tpu.memref_slice %arg6[%dma_start3A_53, %dma_start3A_54] : memref<80x125xi32, #tpu.memory_space<vmem>> -> memref<1x125xi32, #tpu.memory_space<vmem>>
    %dma_start3A_56 = tpu.memref_squeeze %dma_start3A_55 : memref<1x125xi32, #tpu.memory_space<vmem>> -> memref<125xi32, #tpu.memory_space<vmem>>
    %dma_start3A_57 = arith.constant 0 : i32
    %dma_start3A_58 = arith.constant 0 : i32
    %dma_start3A_59 = tpu.memref_slice %arg13[%dma_start3A_57, %dma_start3A_58] : memref<10240x16xf32, #tpu.memory_space<vmem_shared>> -> memref<10240x16xf32, #tpu.memory_space<vmem_shared>>
    tpu.enqueue_indirect_dma source(%arg7 : memref<125x16xf32, #tpu.memory_space<vmem>>) target(%dma_start3A_59 : memref<10240x16xf32, #tpu.memory_space<vmem_shared>>) offsets(%dma_start3A_56 : memref<125xi32, #tpu.memory_space<vmem>>) semaphore(%arg19 : memref<!tpu.dma_semaphore, #tpu.memory_space<semaphore_mem>>) {add = true}
    %dma_wait3A_60 = arith.constant 0 : i32
    %dma_wait3A_61 = arith.constant 0 : i32
    %dma_wait3A_62 = tpu.memref_slice %arg6[%dma_wait3A_60, %dma_wait3A_61] : memref<80x125xi32, #tpu.memory_space<vmem>> -> memref<1x125xi32, #tpu.memory_space<vmem>>
    %dma_wait3A_63 = tpu.memref_squeeze %dma_wait3A_62 : memref<1x125xi32, #tpu.memory_space<vmem>> -> memref<125xi32, #tpu.memory_space<vmem>>
    %dma_wait3A_64 = arith.constant 0 : i32
    %dma_wait3A_65 = arith.constant 0 : i32
    %dma_wait3A_66 = tpu.memref_slice %arg13[%dma_wait3A_64, %dma_wait3A_65] : memref<10240x16xf32, #tpu.memory_space<vmem_shared>> -> memref<10240x16xf32, #tpu.memory_space<vmem_shared>>
    tpu.wait_indirect_dma semaphore(%arg19 : memref<!tpu.dma_semaphore, #tpu.memory_space<semaphore_mem>>) src(%arg7 : memref<125x16xf32, #tpu.memory_space<vmem>>) dst(%dma_wait3A_66 : memref<10240x16xf32, #tpu.memory_space<vmem_shared>>)
    %dma_wait3A_67 = arith.constant 0 : i32
    %dma_wait3A_68 = arith.constant 0 : i32
    %dma_wait3A_69 = tpu.memref_slice %arg5[%dma_wait3A_67, %dma_wait3A_68] : memref<80x125xi32, #tpu.memory_space<vmem>> -> memref<1x125xi32, #tpu.memory_space<vmem>>
    %dma_wait3A_70 = tpu.memref_squeeze %dma_wait3A_69 : memref<1x125xi32, #tpu.memory_space<vmem>> -> memref<125xi32, #tpu.memory_space<vmem>>
    %dma_wait3A_71 = arith.constant 0 : i32
    %dma_wait3A_72 = arith.constant 0 : i32
    %dma_wait3A_73 = tpu.memref_slice %arg14[%dma_wait3A_71, %dma_wait3A_72] : memref<10240x16xf32, #tpu.memory_space<vmem_shared>> -> memref<10240x16xf32, #tpu.memory_space<vmem_shared>>
    tpu.wait_indirect_dma semaphore(%arg16 : memref<!tpu.dma_semaphore, #tpu.memory_space<semaphore_mem>>) src(%dma_wait3A_73 : memref<10240x16xf32, #tpu.memory_space<vmem_shared>>) dst(%arg8 : memref<125x16xf32, #tpu.memory_space<vmem>>)
    %dma_start3A_74 = arith.constant 77 : i32
    %dma_start3A_75 = arith.constant 0 : i32
    %dma_start3A_76 = tpu.memref_slice %arg6[%dma_start3A_74, %dma_start3A_75] : memref<80x125xi32, #tpu.memory_space<vmem>> -> memref<1x125xi32, #tpu.memory_space<vmem>>
    %dma_start3A_77 = tpu.memref_squeeze %dma_start3A_76 : memref<1x125xi32, #tpu.memory_space<vmem>> -> memref<125xi32, #tpu.memory_space<vmem>>
    %dma_start3A_78 = arith.constant 0 : i32
    %dma_start3A_79 = arith.constant 0 : i32
    %dma_start3A_80 = tpu.memref_slice %arg13[%dma_start3A_78, %dma_start3A_79] : memref<10240x16xf32, #tpu.memory_space<vmem_shared>> -> memref<10240x16xf32, #tpu.memory_space<vmem_shared>>
    tpu.enqueue_indirect_dma source(%arg8 : memref<125x16xf32, #tpu.memory_space<vmem>>) target(%dma_start3A_80 : memref<10240x16xf32, #tpu.memory_space<vmem_shared>>) offsets(%dma_start3A_77 : memref<125xi32, #tpu.memory_space<vmem>>) semaphore(%arg20 : memref<!tpu.dma_semaphore, #tpu.memory_space<semaphore_mem>>) {add = true}
    %dma_wait3A_81 = arith.constant 0 : i32
    %dma_wait3A_82 = arith.constant 0 : i32
    %dma_wait3A_83 = tpu.memref_slice %arg6[%dma_wait3A_81, %dma_wait3A_82] : memref<80x125xi32, #tpu.memory_space<vmem>> -> memref<1x125xi32, #tpu.memory_space<vmem>>
    %dma_wait3A_84 = tpu.memref_squeeze %dma_wait3A_83 : memref<1x125xi32, #tpu.memory_space<vmem>> -> memref<125xi32, #tpu.memory_space<vmem>>
    %dma_wait3A_85 = arith.constant 0 : i32
    %dma_wait3A_86 = arith.constant 0 : i32
    %dma_wait3A_87 = tpu.memref_slice %arg13[%dma_wait3A_85, %dma_wait3A_86] : memref<10240x16xf32, #tpu.memory_space<vmem_shared>> -> memref<10240x16xf32, #tpu.memory_space<vmem_shared>>
    tpu.wait_indirect_dma semaphore(%arg20 : memref<!tpu.dma_semaphore, #tpu.memory_space<semaphore_mem>>) src(%arg8 : memref<125x16xf32, #tpu.memory_space<vmem>>) dst(%dma_wait3A_87 : memref<10240x16xf32, #tpu.memory_space<vmem_shared>>)
    %dma_wait3A_88 = arith.constant 0 : i32
    %dma_wait3A_89 = arith.constant 0 : i32
    %dma_wait3A_90 = tpu.memref_slice %arg5[%dma_wait3A_88, %dma_wait3A_89] : memref<80x125xi32, #tpu.memory_space<vmem>> -> memref<1x125xi32, #tpu.memory_space<vmem>>
    %dma_wait3A_91 = tpu.memref_squeeze %dma_wait3A_90 : memref<1x125xi32, #tpu.memory_space<vmem>> -> memref<125xi32, #tpu.memory_space<vmem>>
    %dma_wait3A_92 = arith.constant 0 : i32
    %dma_wait3A_93 = arith.constant 0 : i32
    %dma_wait3A_94 = tpu.memref_slice %arg14[%dma_wait3A_92, %dma_wait3A_93] : memref<10240x16xf32, #tpu.memory_space<vmem_shared>> -> memref<10240x16xf32, #tpu.memory_space<vmem_shared>>
    tpu.wait_indirect_dma semaphore(%arg17 : memref<!tpu.dma_semaphore, #tpu.memory_space<semaphore_mem>>) src(%dma_wait3A_94 : memref<10240x16xf32, #tpu.memory_space<vmem_shared>>) dst(%arg9 : memref<125x16xf32, #tpu.memory_space<vmem>>)
    %dma_start3A_95 = arith.constant 78 : i32
    %dma_start3A_96 = arith.constant 0 : i32
    %dma_start3A_97 = tpu.memref_slice %arg6[%dma_start3A_95, %dma_start3A_96] : memref<80x125xi32, #tpu.memory_space<vmem>> -> memref<1x125xi32, #tpu.memory_space<vmem>>
    %dma_start3A_98 = tpu.memref_squeeze %dma_start3A_97 : memref<1x125xi32, #tpu.memory_space<vmem>> -> memref<125xi32, #tpu.memory_space<vmem>>
    %dma_start3A_99 = arith.constant 0 : i32
    %dma_start3A_100 = arith.constant 0 : i32
    %dma_start3A_101 = tpu.memref_slice %arg13[%dma_start3A_99, %dma_start3A_100] : memref<10240x16xf32, #tpu.memory_space<vmem_shared>> -> memref<10240x16xf32, #tpu.memory_space<vmem_shared>>
    tpu.enqueue_indirect_dma source(%arg9 : memref<125x16xf32, #tpu.memory_space<vmem>>) target(%dma_start3A_101 : memref<10240x16xf32, #tpu.memory_space<vmem_shared>>) offsets(%dma_start3A_98 : memref<125xi32, #tpu.memory_space<vmem>>) semaphore(%arg21 : memref<!tpu.dma_semaphore, #tpu.memory_space<semaphore_mem>>) {add = true}
    %dma_wait3A_102 = arith.constant 0 : i32
    %dma_wait3A_103 = arith.constant 0 : i32
    %dma_wait3A_104 = tpu.memref_slice %arg6[%dma_wait3A_102, %dma_wait3A_103] : memref<80x125xi32, #tpu.memory_space<vmem>> -> memref<1x125xi32, #tpu.memory_space<vmem>>
    %dma_wait3A_105 = tpu.memref_squeeze %dma_wait3A_104 : memref<1x125xi32, #tpu.memory_space<vmem>> -> memref<125xi32, #tpu.memory_space<vmem>>
    %dma_wait3A_106 = arith.constant 0 : i32
    %dma_wait3A_107 = arith.constant 0 : i32
    %dma_wait3A_108 = tpu.memref_slice %arg13[%dma_wait3A_106, %dma_wait3A_107] : memref<10240x16xf32, #tpu.memory_space<vmem_shared>> -> memref<10240x16xf32, #tpu.memory_space<vmem_shared>>
    tpu.wait_indirect_dma semaphore(%arg21 : memref<!tpu.dma_semaphore, #tpu.memory_space<semaphore_mem>>) src(%arg9 : memref<125x16xf32, #tpu.memory_space<vmem>>) dst(%dma_wait3A_108 : memref<10240x16xf32, #tpu.memory_space<vmem_shared>>)
    %dma_wait3A_109 = arith.constant 0 : i32
    %dma_wait3A_110 = arith.constant 0 : i32
    %dma_wait3A_111 = tpu.memref_slice %arg5[%dma_wait3A_109, %dma_wait3A_110] : memref<80x125xi32, #tpu.memory_space<vmem>> -> memref<1x125xi32, #tpu.memory_space<vmem>>
    %dma_wait3A_112 = tpu.memref_squeeze %dma_wait3A_111 : memref<1x125xi32, #tpu.memory_space<vmem>> -> memref<125xi32, #tpu.memory_space<vmem>>
    %dma_wait3A_113 = arith.constant 0 : i32
    %dma_wait3A_114 = arith.constant 0 : i32
    %dma_wait3A_115 = tpu.memref_slice %arg14[%dma_wait3A_113, %dma_wait3A_114] : memref<10240x16xf32, #tpu.memory_space<vmem_shared>> -> memref<10240x16xf32, #tpu.memory_space<vmem_shared>>
    tpu.wait_indirect_dma semaphore(%arg18 : memref<!tpu.dma_semaphore, #tpu.memory_space<semaphore_mem>>) src(%dma_wait3A_115 : memref<10240x16xf32, #tpu.memory_space<vmem_shared>>) dst(%arg10 : memref<125x16xf32, #tpu.memory_space<vmem>>)
    %dma_start3A_116 = arith.constant 79 : i32
    %dma_start3A_117 = arith.constant 0 : i32
    %dma_start3A_118 = tpu.memref_slice %arg6[%dma_start3A_116, %dma_start3A_117] : memref<80x125xi32, #tpu.memory_space<vmem>> -> memref<1x125xi32, #tpu.memory_space<vmem>>
    %dma_start3A_119 = tpu.memref_squeeze %dma_start3A_118 : memref<1x125xi32, #tpu.memory_space<vmem>> -> memref<125xi32, #tpu.memory_space<vmem>>
    %dma_start3A_120 = arith.constant 0 : i32
    %dma_start3A_121 = arith.constant 0 : i32
    %dma_start3A_122 = tpu.memref_slice %arg13[%dma_start3A_120, %dma_start3A_121] : memref<10240x16xf32, #tpu.memory_space<vmem_shared>> -> memref<10240x16xf32, #tpu.memory_space<vmem_shared>>
    tpu.enqueue_indirect_dma source(%arg10 : memref<125x16xf32, #tpu.memory_space<vmem>>) target(%dma_start3A_122 : memref<10240x16xf32, #tpu.memory_space<vmem_shared>>) offsets(%dma_start3A_119 : memref<125xi32, #tpu.memory_space<vmem>>) semaphore(%arg22 : memref<!tpu.dma_semaphore, #tpu.memory_space<semaphore_mem>>) {add = true}
    %dma_wait3A_123 = arith.constant 0 : i32
    %dma_wait3A_124 = arith.constant 0 : i32
    %dma_wait3A_125 = tpu.memref_slice %arg6[%dma_wait3A_123, %dma_wait3A_124] : memref<80x125xi32, #tpu.memory_space<vmem>> -> memref<1x125xi32, #tpu.memory_space<vmem>>
    %dma_wait3A_126 = tpu.memref_squeeze %dma_wait3A_125 : memref<1x125xi32, #tpu.memory_space<vmem>> -> memref<125xi32, #tpu.memory_space<vmem>>
    %dma_wait3A_127 = arith.constant 0 : i32
    %dma_wait3A_128 = arith.constant 0 : i32
    %dma_wait3A_129 = tpu.memref_slice %arg13[%dma_wait3A_127, %dma_wait3A_128] : memref<10240x16xf32, #tpu.memory_space<vmem_shared>> -> memref<10240x16xf32, #tpu.memory_space<vmem_shared>>
    tpu.wait_indirect_dma semaphore(%arg22 : memref<!tpu.dma_semaphore, #tpu.memory_space<semaphore_mem>>) src(%arg10 : memref<125x16xf32, #tpu.memory_space<vmem>>) dst(%dma_wait3A_129 : memref<10240x16xf32, #tpu.memory_space<vmem_shared>>)
    %barrier3A_130 = arith.constant 0 : index
    tpu.barrier barrier_id(%barrier3A_130)
    "tpu.region"() ({
      %run_scoped3A_136 = tpu.sem_alloc : memref<!tpu.dma_semaphore, #tpu.memory_space<semaphore_mem>>
      %dma_start3A_137 = arith.constant 0 : i32
      %dma_start3A_138 = tpu.memref_slice %arg13[%mul3A_2, %dma_start3A_137] : memref<10240x16xf32, #tpu.memory_space<vmem_shared>> -> memref<640x16xf32, #tpu.memory_space<vmem_shared>>
      %dma_start3A_139 = arith.constant 0 : i32
      %dma_start3A_140 = tpu.memref_slice %arg13[%mul3A_2, %dma_start3A_139] : memref<10240x16xf32, #tpu.memory_space<vmem_shared>> -> memref<640x16xf32, #tpu.memory_space<vmem_shared>>
      tpu.enqueue_dma source(%dma_start3A_140 : memref<640x16xf32, #tpu.memory_space<vmem_shared>>) target(%arg12 : memref<640x16xf32, #tpu.memory_space<vmem>>) target_semaphore(%run_scoped3A_136 : memref<!tpu.dma_semaphore, #tpu.memory_space<semaphore_mem>>)
      %dma_wait3A_141 = arith.constant 0 : i32
      %dma_wait3A_142 = tpu.memref_slice %arg13[%mul3A_2, %dma_wait3A_141] : memref<10240x16xf32, #tpu.memory_space<vmem_shared>> -> memref<640x16xf32, #tpu.memory_space<vmem_shared>>
      %dma_wait3A_143 = arith.constant 0 : i32
      %dma_wait3A_144 = tpu.memref_slice %arg13[%mul3A_2, %dma_wait3A_143] : memref<10240x16xf32, #tpu.memory_space<vmem_shared>> -> memref<640x16xf32, #tpu.memory_space<vmem_shared>>
      tpu.wait_dma2 semaphore(%run_scoped3A_136 : memref<!tpu.dma_semaphore, #tpu.memory_space<semaphore_mem>>) src(%dma_wait3A_144 : memref<640x16xf32, #tpu.memory_space<vmem_shared>>) dst(%arg12 : memref<640x16xf32, #tpu.memory_space<vmem>>)
      tpu.yield
    }) : () -> ()
    %scan3A_131 = arith.constant 0 : i32
    %scan3A_132 = arith.constant 80 : i32
    %scan3A_133 = arith.addi %scan3A_131, %scan3A_132 : i32
    %scan3A_134 = arith.constant 1 : i32
    scf.for %scan3A_136 = %scan3A_131 to %scan3A_133 step %scan3A_134  : i32 {
      %mul3A_137 = arith.constant 1 : i32
      %mul3A_138 = arith.muli %scan3A_136, %mul3A_137 : i32
      %add3A_139 = arith.constant 0 : i32
      %add3A_140 = arith.addi %add3A_139, %mul3A_138 : i32
      %mul3A_141 = arith.constant 8 : i32
      %mul3A_142 = arith.muli %add3A_140, %mul3A_141 : i32
      %add3A_143 = arith.constant 0 : i32
      %add3A_144 = arith.addi %mul3A_142, %add3A_143 : i32
      %get3A = arith.index_cast %add3A_144 : i32 to index
      %get3A_145 = arith.constant 0 : index
      %get3A_146 = tpu.vector_load %arg12[%get3A, %get3A_145] {strides = array<i32>} : memref<640x16xf32, #tpu.memory_space<vmem>>, vector<16xf32>,
      %swap3A = arith.index_cast %add3A_140 : i32 to index
      %swap3A_147 = arith.constant 0 : index
      %swap3A_148 = tpu.vector_load %arg11[%swap3A, %swap3A_147] {strides = array<i32>} : memref<80x128xf32, #tpu.memory_space<vmem>>, vector<16xf32>,
      tpu.vector_store %arg11[%swap3A, %swap3A_147], %get3A_146 {strides = array<i32>} : memref<80x128xf32, #tpu.memory_space<vmem>>, vector<16xf32>,
      %mul3A_149 = arith.constant 8 : i32
      %mul3A_150 = arith.muli %add3A_140, %mul3A_149 : i32
      %add3A_151 = arith.constant 1 : i32
      %add3A_152 = arith.addi %mul3A_150, %add3A_151 : i32
      %get3A_153 = arith.index_cast %add3A_152 : i32 to index
      %get3A_154 = arith.constant 0 : index
      %get3A_155 = tpu.vector_load %arg12[%get3A_153, %get3A_154] {strides = array<i32>} : memref<640x16xf32, #tpu.memory_space<vmem>>, vector<16xf32>,
      %swap3A_156 = arith.index_cast %add3A_140 : i32 to index
      %swap3A_157 = arith.constant 16 : index
      %swap3A_158 = tpu.vector_load %arg11[%swap3A_156, %swap3A_157] {strides = array<i32>} : memref<80x128xf32, #tpu.memory_space<vmem>>, vector<16xf32>,
      tpu.vector_store %arg11[%swap3A_156, %swap3A_157], %get3A_155 {strides = array<i32>} : memref<80x128xf32, #tpu.memory_space<vmem>>, vector<16xf32>,
      %mul3A_159 = arith.constant 8 : i32
      %mul3A_160 = arith.muli %add3A_140, %mul3A_159 : i32
      %add3A_161 = arith.constant 2 : i32
      %add3A_162 = arith.addi %mul3A_160, %add3A_161 : i32
      %get3A_163 = arith.index_cast %add3A_162 : i32 to index
      %get3A_164 = arith.constant 0 : index
      %get3A_165 = tpu.vector_load %arg12[%get3A_163, %get3A_164] {strides = array<i32>} : memref<640x16xf32, #tpu.memory_space<vmem>>, vector<16xf32>,
      %swap3A_166 = arith.index_cast %add3A_140 : i32 to index
      %swap3A_167 = arith.constant 32 : index
      %swap3A_168 = tpu.vector_load %arg11[%swap3A_166, %swap3A_167] {strides = array<i32>} : memref<80x128xf32, #tpu.memory_space<vmem>>, vector<16xf32>,
      tpu.vector_store %arg11[%swap3A_166, %swap3A_167], %get3A_165 {strides = array<i32>} : memref<80x128xf32, #tpu.memory_space<vmem>>, vector<16xf32>,
      %mul3A_169 = arith.constant 8 : i32
      %mul3A_170 = arith.muli %add3A_140, %mul3A_169 : i32
      %add3A_171 = arith.constant 3 : i32
      %add3A_172 = arith.addi %mul3A_170, %add3A_171 : i32
      %get3A_173 = arith.index_cast %add3A_172 : i32 to index
      %get3A_174 = arith.constant 0 : index
      %get3A_175 = tpu.vector_load %arg12[%get3A_173, %get3A_174] {strides = array<i32>} : memref<640x16xf32, #tpu.memory_space<vmem>>, vector<16xf32>,
      %swap3A_176 = arith.index_cast %add3A_140 : i32 to index
      %swap3A_177 = arith.constant 48 : index
      %swap3A_178 = tpu.vector_load %arg11[%swap3A_176, %swap3A_177] {strides = array<i32>} : memref<80x128xf32, #tpu.memory_space<vmem>>, vector<16xf32>,
      tpu.vector_store %arg11[%swap3A_176, %swap3A_177], %get3A_175 {strides = array<i32>} : memref<80x128xf32, #tpu.memory_space<vmem>>, vector<16xf32>,
      %mul3A_179 = arith.constant 8 : i32
      %mul3A_180 = arith.muli %add3A_140, %mul3A_179 : i32
      %add3A_181 = arith.constant 4 : i32
      %add3A_182 = arith.addi %mul3A_180, %add3A_181 : i32
      %get3A_183 = arith.index_cast %add3A_182 : i32 to index
      %get3A_184 = arith.constant 0 : index
      %get3A_185 = tpu.vector_load %arg12[%get3A_183, %get3A_184] {strides = array<i32>} : memref<640x16xf32, #tpu.memory_space<vmem>>, vector<16xf32>,
      %swap3A_186 = arith.index_cast %add3A_140 : i32 to index
      %swap3A_187 = arith.constant 64 : index
      %swap3A_188 = tpu.vector_load %arg11[%swap3A_186, %swap3A_187] {strides = array<i32>} : memref<80x128xf32, #tpu.memory_space<vmem>>, vector<16xf32>,
      tpu.vector_store %arg11[%swap3A_186, %swap3A_187], %get3A_185 {strides = array<i32>} : memref<80x128xf32, #tpu.memory_space<vmem>>, vector<16xf32>,
      %mul3A_189 = arith.constant 8 : i32
      %mul3A_190 = arith.muli %add3A_140, %mul3A_189 : i32
      %add3A_191 = arith.constant 5 : i32
      %add3A_192 = arith.addi %mul3A_190, %add3A_191 : i32
      %get3A_193 = arith.index_cast %add3A_192 : i32 to index
      %get3A_194 = arith.constant 0 : index
      %get3A_195 = tpu.vector_load %arg12[%get3A_193, %get3A_194] {strides = array<i32>} : memref<640x16xf32, #tpu.memory_space<vmem>>, vector<16xf32>,
      %swap3A_196 = arith.index_cast %add3A_140 : i32 to index
      %swap3A_197 = arith.constant 80 : index
      %swap3A_198 = tpu.vector_load %arg11[%swap3A_196, %swap3A_197] {strides = array<i32>} : memref<80x128xf32, #tpu.memory_space<vmem>>, vector<16xf32>,
      tpu.vector_store %arg11[%swap3A_196, %swap3A_197], %get3A_195 {strides = array<i32>} : memref<80x128xf32, #tpu.memory_space<vmem>>, vector<16xf32>,
      %mul3A_199 = arith.constant 8 : i32
      %mul3A_200 = arith.muli %add3A_140, %mul3A_199 : i32
      %add3A_201 = arith.constant 6 : i32
      %add3A_202 = arith.addi %mul3A_200, %add3A_201 : i32
      %get3A_203 = arith.index_cast %add3A_202 : i32 to index
      %get3A_204 = arith.constant 0 : index
      %get3A_205 = tpu.vector_load %arg12[%get3A_203, %get3A_204] {strides = array<i32>} : memref<640x16xf32, #tpu.memory_space<vmem>>, vector<16xf32>,
      %swap3A_206 = arith.index_cast %add3A_140 : i32 to index
      %swap3A_207 = arith.constant 96 : index
      %swap3A_208 = tpu.vector_load %arg11[%swap3A_206, %swap3A_207] {strides = array<i32>} : memref<80x128xf32, #tpu.memory_space<vmem>>, vector<16xf32>,
      tpu.vector_store %arg11[%swap3A_206, %swap3A_207], %get3A_205 {strides = array<i32>} : memref<80x128xf32, #tpu.memory_space<vmem>>, vector<16xf32>,
      %mul3A_209 = arith.constant 8 : i32
      %mul3A_210 = arith.muli %add3A_140, %mul3A_209 : i32
      %add3A_211 = arith.constant 7 : i32
      %add3A_212 = arith.addi %mul3A_210, %add3A_211 : i32
      %get3A_213 = arith.index_cast %add3A_212 : i32 to index
      %get3A_214 = arith.constant 0 : index
      %get3A_215 = tpu.vector_load %arg12[%get3A_213, %get3A_214] {strides = array<i32>} : memref<640x16xf32, #tpu.memory_space<vmem>>, vector<16xf32>,
      %swap3A_216 = arith.index_cast %add3A_140 : i32 to index
      %swap3A_217 = arith.constant 112 : index
      %swap3A_218 = tpu.vector_load %arg11[%swap3A_216, %swap3A_217] {strides = array<i32>} : memref<80x128xf32, #tpu.memory_space<vmem>>, vector<16xf32>,
      tpu.vector_store %arg11[%swap3A_216, %swap3A_217], %get3A_215 {strides = array<i32>} : memref<80x128xf32, #tpu.memory_space<vmem>>, vector<16xf32>,
    }
    %scan3A_135 = arith.constant 80 : i32
    "tpu.region"() ({
      %run_scoped3A_136 = tpu.sem_alloc : memref<!tpu.dma_semaphore, #tpu.memory_space<semaphore_mem>>
      %dma_start3A_137 = arith.constant 0 : i32
      %dma_start3A_138 = tpu.memref_slice %arg4[%arg0, %mul3A_4, %dma_start3A_137] : memref<2x1280x128xf32, #tpu.memory_space<hbm>> -> memref<1x80x128xf32, #tpu.memory_space<hbm>>
      %dma_start3A_139 = tpu.memref_squeeze %dma_start3A_138 : memref<1x80x128xf32, #tpu.memory_space<hbm>> -> memref<80x128xf32, #tpu.memory_space<hbm>>
      %dma_start3A_140 = arith.constant 0 : i32
      %dma_start3A_141 = tpu.memref_slice %arg4[%arg0, %mul3A_4, %dma_start3A_140] : memref<2x1280x128xf32, #tpu.memory_space<hbm>> -> memref<1x80x128xf32, #tpu.memory_space<hbm>>
      %dma_start3A_142 = tpu.memref_squeeze %dma_start3A_141 : memref<1x80x128xf32, #tpu.memory_space<hbm>> -> memref<80x128xf32, #tpu.memory_space<hbm>>
      tpu.enqueue_dma source(%arg11 : memref<80x128xf32, #tpu.memory_space<vmem>>) target(%dma_start3A_142 : memref<80x128xf32, #tpu.memory_space<hbm>>) target_semaphore(%run_scoped3A_136 : memref<!tpu.dma_semaphore, #tpu.memory_space<semaphore_mem>>)
      %dma_wait3A_143 = arith.constant 0 : i32
      %dma_wait3A_144 = tpu.memref_slice %arg4[%arg0, %mul3A_4, %dma_wait3A_143] : memref<2x1280x128xf32, #tpu.memory_space<hbm>> -> memref<1x80x128xf32, #tpu.memory_space<hbm>>
      %dma_wait3A_145 = tpu.memref_squeeze %dma_wait3A_144 : memref<1x80x128xf32, #tpu.memory_space<hbm>> -> memref<80x128xf32, #tpu.memory_space<hbm>>
      %dma_wait3A_146 = arith.constant 0 : i32
      %dma_wait3A_147 = tpu.memref_slice %arg4[%arg0, %mul3A_4, %dma_wait3A_146] : memref<2x1280x128xf32, #tpu.memory_space<hbm>> -> memref<1x80x128xf32, #tpu.memory_space<hbm>>
      %dma_wait3A_148 = tpu.memref_squeeze %dma_wait3A_147 : memref<1x80x128xf32, #tpu.memory_space<hbm>> -> memref<80x128xf32, #tpu.memory_space<hbm>>
      tpu.wait_dma2 semaphore(%run_scoped3A_136 : memref<!tpu.dma_semaphore, #tpu.memory_space<semaphore_mem>>) src(%arg11 : memref<80x128xf32, #tpu.memory_space<vmem>>) dst(%dma_wait3A_148 : memref<80x128xf32, #tpu.memory_space<hbm>>)
      tpu.yield
    }) : () -> ()
    return
  }
}

#map = affine_map<(d0, d1) -> (0, 0, 0, 0)>
#map1 = affine_map<(d0, d1) -> (0, 0, 0)>
module attributes {stable_mosaic.version = 14 : i64} {
  func.func @_sc_degree(%arg0: i32, %arg1: i32, %arg2: memref<2x32x80x125xi32, #tpu.memory_space<hbm>>, %arg3: memref<2x1280x128xf32, #tpu.memory_space<hbm>>, %arg4: memref<80x125xi32, #tpu.memory_space<vmem>>, %arg5: memref<125xf32, #tpu.memory_space<vmem>>, %arg6: memref<640xf32, #tpu.memory_space<vmem>>, %arg7: memref<80x128xf32, #tpu.memory_space<vmem>>, %arg8: memref<10240xf32, #tpu.memory_space<vmem_shared>>, %arg9: memref<!tpu.dma_semaphore, #tpu.memory_space<semaphore_mem>>) attributes {dimension_semantics = [#tpu.dimension_semantics<core_parallel>, #tpu.dimension_semantics<subcore_parallel>], iteration_bounds = array<i64: 2, 16>, scalar_prefetch = 0 : i64, scratch_operands = 6 : i64, tpu.core_type = #tpu.core_type<sc_vector_subcore>, window_params = [{transform_indices = #map}, {transform_indices = #map1}]} {
    %mul3A = arith.constant 16 : i32
    %mul3A_0 = arith.muli %arg0, %mul3A : i32
    %add3A = arith.addi %mul3A_0, %arg1 : i32
    %mul3A_1 = arith.constant 640 : i32
    %mul3A_2 = arith.muli %arg1, %mul3A_1 : i32
    %scan3A = arith.constant 0 : i32
    %scan3A_3 = arith.constant 40 : i32
    %scan3A_4 = arith.addi %scan3A, %scan3A_3 : i32
    %scan3A_5 = arith.constant 1 : i32
    scf.for %scan3A_50 = %scan3A to %scan3A_4 step %scan3A_5  : i32 {
      %mul3A_51 = arith.constant 1 : i32
      %mul3A_52 = arith.muli %scan3A_50, %mul3A_51 : i32
      %add3A_53 = arith.constant 0 : i32
      %add3A_54 = arith.addi %add3A_53, %mul3A_52 : i32
      %broadcast_in_dim3A_55 = arith.constant 0.000000e+00 : f32
      %broadcast_in_dim3A_56 = vector.broadcast %broadcast_in_dim3A_55 : f32 to vector<16xf32>
      %mul3A_57 = arith.constant 16 : i32
      %mul3A_58 = arith.muli %add3A_54, %mul3A_57 : i32
      %swap3A_59 = arith.index_cast %mul3A_58 : i32 to index
      %swap3A_60 = tpu.vector_load %arg6[%swap3A_59] {strides = array<i32>} : memref<640xf32, #tpu.memory_space<vmem>>, vector<16xf32>,
      tpu.vector_store %arg6[%swap3A_59], %broadcast_in_dim3A_56 {strides = array<i32>} : memref<640xf32, #tpu.memory_space<vmem>>, vector<16xf32>,
    }
    %scan3A_6 = arith.constant 40 : i32
    %broadcast_in_dim3A = arith.constant 1.000000e+00 : f32
    %broadcast_in_dim3A_7 = vector.broadcast %broadcast_in_dim3A : f32 to vector<16xf32>
    %swap3A = arith.constant 0 : index
    %swap3A_8 = tpu.vector_load %arg5[%swap3A] {strides = array<i32>} : memref<125xf32, #tpu.memory_space<vmem>>, vector<16xf32>,
    tpu.vector_store %arg5[%swap3A], %broadcast_in_dim3A_7 {strides = array<i32>} : memref<125xf32, #tpu.memory_space<vmem>>, vector<16xf32>,
    %broadcast_in_dim3A_9 = arith.constant 1.000000e+00 : f32
    %broadcast_in_dim3A_10 = vector.broadcast %broadcast_in_dim3A_9 : f32 to vector<16xf32>
    %swap3A_11 = arith.constant 16 : index
    %swap3A_12 = tpu.vector_load %arg5[%swap3A_11] {strides = array<i32>} : memref<125xf32, #tpu.memory_space<vmem>>, vector<16xf32>,
    tpu.vector_store %arg5[%swap3A_11], %broadcast_in_dim3A_10 {strides = array<i32>} : memref<125xf32, #tpu.memory_space<vmem>>, vector<16xf32>,
    %broadcast_in_dim3A_13 = arith.constant 1.000000e+00 : f32
    %broadcast_in_dim3A_14 = vector.broadcast %broadcast_in_dim3A_13 : f32 to vector<16xf32>
    %swap3A_15 = arith.constant 32 : index
    %swap3A_16 = tpu.vector_load %arg5[%swap3A_15] {strides = array<i32>} : memref<125xf32, #tpu.memory_space<vmem>>, vector<16xf32>,
    tpu.vector_store %arg5[%swap3A_15], %broadcast_in_dim3A_14 {strides = array<i32>} : memref<125xf32, #tpu.memory_space<vmem>>, vector<16xf32>,
    %broadcast_in_dim3A_17 = arith.constant 1.000000e+00 : f32
    %broadcast_in_dim3A_18 = vector.broadcast %broadcast_in_dim3A_17 : f32 to vector<16xf32>
    %swap3A_19 = arith.constant 48 : index
    %swap3A_20 = tpu.vector_load %arg5[%swap3A_19] {strides = array<i32>} : memref<125xf32, #tpu.memory_space<vmem>>, vector<16xf32>,
    tpu.vector_store %arg5[%swap3A_19], %broadcast_in_dim3A_18 {strides = array<i32>} : memref<125xf32, #tpu.memory_space<vmem>>, vector<16xf32>,
    %broadcast_in_dim3A_21 = arith.constant 1.000000e+00 : f32
    %broadcast_in_dim3A_22 = vector.broadcast %broadcast_in_dim3A_21 : f32 to vector<16xf32>
    %swap3A_23 = arith.constant 64 : index
    %swap3A_24 = tpu.vector_load %arg5[%swap3A_23] {strides = array<i32>} : memref<125xf32, #tpu.memory_space<vmem>>, vector<16xf32>,
    tpu.vector_store %arg5[%swap3A_23], %broadcast_in_dim3A_22 {strides = array<i32>} : memref<125xf32, #tpu.memory_space<vmem>>, vector<16xf32>,
    %broadcast_in_dim3A_25 = arith.constant 1.000000e+00 : f32
    %broadcast_in_dim3A_26 = vector.broadcast %broadcast_in_dim3A_25 : f32 to vector<16xf32>
    %swap3A_27 = arith.constant 80 : index
    %swap3A_28 = tpu.vector_load %arg5[%swap3A_27] {strides = array<i32>} : memref<125xf32, #tpu.memory_space<vmem>>, vector<16xf32>,
    tpu.vector_store %arg5[%swap3A_27], %broadcast_in_dim3A_26 {strides = array<i32>} : memref<125xf32, #tpu.memory_space<vmem>>, vector<16xf32>,
    %broadcast_in_dim3A_29 = arith.constant 1.000000e+00 : f32
    %broadcast_in_dim3A_30 = vector.broadcast %broadcast_in_dim3A_29 : f32 to vector<16xf32>
    %swap3A_31 = arith.constant 96 : index
    %swap3A_32 = tpu.vector_load %arg5[%swap3A_31] {strides = array<i32>} : memref<125xf32, #tpu.memory_space<vmem>>, vector<16xf32>,
    tpu.vector_store %arg5[%swap3A_31], %broadcast_in_dim3A_30 {strides = array<i32>} : memref<125xf32, #tpu.memory_space<vmem>>, vector<16xf32>,
    %broadcast_in_dim3A_33 = arith.constant 1.000000e+00 : f32
    %broadcast_in_dim3A_34 = vector.broadcast %broadcast_in_dim3A_33 : f32 to vector<16xf32>
    %swap3A_35 = arith.constant 109 : index
    %swap3A_36 = tpu.vector_load %arg5[%swap3A_35] {strides = array<i32>} : memref<125xf32, #tpu.memory_space<vmem>>, vector<16xf32>,
    tpu.vector_store %arg5[%swap3A_35], %broadcast_in_dim3A_34 {strides = array<i32>} : memref<125xf32, #tpu.memory_space<vmem>>, vector<16xf32>,
    "tpu.region"() ({
      %run_scoped3A_50 = tpu.sem_alloc : memref<!tpu.dma_semaphore, #tpu.memory_space<semaphore_mem>>
      %dma_start3A = tpu.memref_slice %arg8[%mul3A_2] : memref<10240xf32, #tpu.memory_space<vmem_shared>> -> memref<640xf32, #tpu.memory_space<vmem_shared>>
      %dma_start3A_51 = tpu.memref_slice %arg8[%mul3A_2] : memref<10240xf32, #tpu.memory_space<vmem_shared>> -> memref<640xf32, #tpu.memory_space<vmem_shared>>
      tpu.enqueue_dma source(%arg6 : memref<640xf32, #tpu.memory_space<vmem>>) target(%dma_start3A_51 : memref<640xf32, #tpu.memory_space<vmem_shared>>) target_semaphore(%run_scoped3A_50 : memref<!tpu.dma_semaphore, #tpu.memory_space<semaphore_mem>>)
      %dma_wait3A = tpu.memref_slice %arg8[%mul3A_2] : memref<10240xf32, #tpu.memory_space<vmem_shared>> -> memref<640xf32, #tpu.memory_space<vmem_shared>>
      %dma_wait3A_52 = tpu.memref_slice %arg8[%mul3A_2] : memref<10240xf32, #tpu.memory_space<vmem_shared>> -> memref<640xf32, #tpu.memory_space<vmem_shared>>
      tpu.wait_dma2 semaphore(%run_scoped3A_50 : memref<!tpu.dma_semaphore, #tpu.memory_space<semaphore_mem>>) src(%arg6 : memref<640xf32, #tpu.memory_space<vmem>>) dst(%dma_wait3A_52 : memref<640xf32, #tpu.memory_space<vmem_shared>>)
      tpu.yield
    }) : () -> ()
    %run_scoped3A = arith.constant 1 : i32
    "tpu.region"() ({
      %run_scoped3A_50 = tpu.sem_alloc : memref<!tpu.dma_semaphore, #tpu.memory_space<semaphore_mem>>
      %dma_start3A = arith.constant 0 : i32
      %dma_start3A_51 = arith.constant 0 : i32
      %dma_start3A_52 = tpu.memref_slice %arg2[%run_scoped3A, %add3A, %dma_start3A, %dma_start3A_51] : memref<2x32x80x125xi32, #tpu.memory_space<hbm>> -> memref<1x1x80x125xi32, #tpu.memory_space<hbm>>
      %dma_start3A_53 = tpu.memref_squeeze %dma_start3A_52 : memref<1x1x80x125xi32, #tpu.memory_space<hbm>> -> memref<80x125xi32, #tpu.memory_space<hbm>>
      %dma_start3A_54 = arith.constant 0 : i32
      %dma_start3A_55 = arith.constant 0 : i32
      %dma_start3A_56 = tpu.memref_slice %arg2[%run_scoped3A, %add3A, %dma_start3A_54, %dma_start3A_55] : memref<2x32x80x125xi32, #tpu.memory_space<hbm>> -> memref<1x1x80x125xi32, #tpu.memory_space<hbm>>
      %dma_start3A_57 = tpu.memref_squeeze %dma_start3A_56 : memref<1x1x80x125xi32, #tpu.memory_space<hbm>> -> memref<80x125xi32, #tpu.memory_space<hbm>>
      tpu.enqueue_dma source(%dma_start3A_57 : memref<80x125xi32, #tpu.memory_space<hbm>>) target(%arg4 : memref<80x125xi32, #tpu.memory_space<vmem>>) target_semaphore(%run_scoped3A_50 : memref<!tpu.dma_semaphore, #tpu.memory_space<semaphore_mem>>)
      %dma_wait3A = arith.constant 0 : i32
      %dma_wait3A_58 = arith.constant 0 : i32
      %dma_wait3A_59 = tpu.memref_slice %arg2[%run_scoped3A, %add3A, %dma_wait3A, %dma_wait3A_58] : memref<2x32x80x125xi32, #tpu.memory_space<hbm>> -> memref<1x1x80x125xi32, #tpu.memory_space<hbm>>
      %dma_wait3A_60 = tpu.memref_squeeze %dma_wait3A_59 : memref<1x1x80x125xi32, #tpu.memory_space<hbm>> -> memref<80x125xi32, #tpu.memory_space<hbm>>
      %dma_wait3A_61 = arith.constant 0 : i32
      %dma_wait3A_62 = arith.constant 0 : i32
      %dma_wait3A_63 = tpu.memref_slice %arg2[%run_scoped3A, %add3A, %dma_wait3A_61, %dma_wait3A_62] : memref<2x32x80x125xi32, #tpu.memory_space<hbm>> -> memref<1x1x80x125xi32, #tpu.memory_space<hbm>>
      %dma_wait3A_64 = tpu.memref_squeeze %dma_wait3A_63 : memref<1x1x80x125xi32, #tpu.memory_space<hbm>> -> memref<80x125xi32, #tpu.memory_space<hbm>>
      tpu.wait_dma2 semaphore(%run_scoped3A_50 : memref<!tpu.dma_semaphore, #tpu.memory_space<semaphore_mem>>) src(%dma_wait3A_64 : memref<80x125xi32, #tpu.memory_space<hbm>>) dst(%arg4 : memref<80x125xi32, #tpu.memory_space<vmem>>)
      tpu.yield
    }) : () -> ()
    %barrier3A = arith.constant 0 : index
    tpu.barrier barrier_id(%barrier3A)
    %scan3A_37 = arith.constant 0 : i32
    %scan3A_38 = arith.constant 10 : i32
    %scan3A_39 = arith.addi %scan3A_37, %scan3A_38 : i32
    %scan3A_40 = arith.constant 1 : i32
    scf.for %scan3A_50 = %scan3A_37 to %scan3A_39 step %scan3A_40  : i32 {
      %mul3A_51 = arith.constant 8 : i32
      %mul3A_52 = arith.muli %scan3A_50, %mul3A_51 : i32
      %add3A_53 = arith.constant 0 : i32
      %add3A_54 = arith.addi %add3A_53, %mul3A_52 : i32
      %scan3A_55 = arith.constant 0 : i32
      %scan3A_56 = arith.constant 8 : i32
      %scan3A_57 = arith.addi %scan3A_55, %scan3A_56 : i32
      %scan3A_58 = arith.constant 1 : i32
      scf.for %scan3A_65 = %scan3A_55 to %scan3A_57 step %scan3A_58  : i32 {
        %mul3A_66 = arith.constant 1 : i32
        %mul3A_67 = arith.muli %scan3A_65, %mul3A_66 : i32
        %add3A_68 = arith.constant 0 : i32
        %add3A_69 = arith.addi %add3A_68, %mul3A_67 : i32
        %add3A_70 = arith.addi %add3A_54, %add3A_69 : i32
        %dma_start3A = arith.constant 0 : i32
        %dma_start3A_71 = tpu.memref_slice %arg4[%add3A_70, %dma_start3A] : memref<80x125xi32, #tpu.memory_space<vmem>> -> memref<1x125xi32, #tpu.memory_space<vmem>>
        %dma_start3A_72 = tpu.memref_squeeze %dma_start3A_71 : memref<1x125xi32, #tpu.memory_space<vmem>> -> memref<125xi32, #tpu.memory_space<vmem>>
        %dma_start3A_73 = arith.constant 0 : i32
        %dma_start3A_74 = tpu.memref_slice %arg8[%dma_start3A_73] : memref<10240xf32, #tpu.memory_space<vmem_shared>> -> memref<10240xf32, #tpu.memory_space<vmem_shared>>
        tpu.enqueue_indirect_dma source(%arg5 : memref<125xf32, #tpu.memory_space<vmem>>) target(%dma_start3A_74 : memref<10240xf32, #tpu.memory_space<vmem_shared>>) offsets(%dma_start3A_72 : memref<125xi32, #tpu.memory_space<vmem>>) semaphore(%arg9 : memref<!tpu.dma_semaphore, #tpu.memory_space<semaphore_mem>>) {add = true}
      }
      %scan3A_59 = arith.constant 8 : i32
      %scan3A_60 = arith.constant 0 : i32
      %scan3A_61 = arith.constant 8 : i32
      %scan3A_62 = arith.addi %scan3A_60, %scan3A_61 : i32
      %scan3A_63 = arith.constant 1 : i32
      scf.for %scan3A_65 = %scan3A_60 to %scan3A_62 step %scan3A_63  : i32 {
        %mul3A_66 = arith.constant 1 : i32
        %mul3A_67 = arith.muli %scan3A_65, %mul3A_66 : i32
        %add3A_68 = arith.constant 0 : i32
        %add3A_69 = arith.addi %add3A_68, %mul3A_67 : i32
        %dma_wait3A = arith.constant 0 : i32
        %dma_wait3A_70 = arith.constant 0 : i32
        %dma_wait3A_71 = tpu.memref_slice %arg4[%dma_wait3A, %dma_wait3A_70] : memref<80x125xi32, #tpu.memory_space<vmem>> -> memref<1x125xi32, #tpu.memory_space<vmem>>
        %dma_wait3A_72 = tpu.memref_squeeze %dma_wait3A_71 : memref<1x125xi32, #tpu.memory_space<vmem>> -> memref<125xi32, #tpu.memory_space<vmem>>
        %dma_wait3A_73 = arith.constant 0 : i32
        %dma_wait3A_74 = tpu.memref_slice %arg8[%dma_wait3A_73] : memref<10240xf32, #tpu.memory_space<vmem_shared>> -> memref<10240xf32, #tpu.memory_space<vmem_shared>>
        tpu.wait_indirect_dma semaphore(%arg9 : memref<!tpu.dma_semaphore, #tpu.memory_space<semaphore_mem>>) src(%arg5 : memref<125xf32, #tpu.memory_space<vmem>>) dst(%dma_wait3A_74 : memref<10240xf32, #tpu.memory_space<vmem_shared>>)
      }
      %scan3A_64 = arith.constant 8 : i32
    }
    %scan3A_41 = arith.constant 10 : i32
    %barrier3A_42 = arith.constant 0 : index
    tpu.barrier barrier_id(%barrier3A_42)
    "tpu.region"() ({
      %run_scoped3A_50 = tpu.sem_alloc : memref<!tpu.dma_semaphore, #tpu.memory_space<semaphore_mem>>
      %dma_start3A = tpu.memref_slice %arg8[%mul3A_2] : memref<10240xf32, #tpu.memory_space<vmem_shared>> -> memref<640xf32, #tpu.memory_space<vmem_shared>>
      %dma_start3A_51 = tpu.memref_slice %arg8[%mul3A_2] : memref<10240xf32, #tpu.memory_space<vmem_shared>> -> memref<640xf32, #tpu.memory_space<vmem_shared>>
      tpu.enqueue_dma source(%dma_start3A_51 : memref<640xf32, #tpu.memory_space<vmem_shared>>) target(%arg6 : memref<640xf32, #tpu.memory_space<vmem>>) target_semaphore(%run_scoped3A_50 : memref<!tpu.dma_semaphore, #tpu.memory_space<semaphore_mem>>)
      %dma_wait3A = tpu.memref_slice %arg8[%mul3A_2] : memref<10240xf32, #tpu.memory_space<vmem_shared>> -> memref<640xf32, #tpu.memory_space<vmem_shared>>
      %dma_wait3A_52 = tpu.memref_slice %arg8[%mul3A_2] : memref<10240xf32, #tpu.memory_space<vmem_shared>> -> memref<640xf32, #tpu.memory_space<vmem_shared>>
      tpu.wait_dma2 semaphore(%run_scoped3A_50 : memref<!tpu.dma_semaphore, #tpu.memory_space<semaphore_mem>>) src(%dma_wait3A_52 : memref<640xf32, #tpu.memory_space<vmem_shared>>) dst(%arg6 : memref<640xf32, #tpu.memory_space<vmem>>)
      tpu.yield
    }) : () -> ()
    %scan3A_43 = arith.constant 0 : i32
    %scan3A_44 = arith.constant 40 : i32
    %scan3A_45 = arith.addi %scan3A_43, %scan3A_44 : i32
    %scan3A_46 = arith.constant 1 : i32
    scf.for %scan3A_50 = %scan3A_43 to %scan3A_45 step %scan3A_46  : i32 {
      %mul3A_51 = arith.constant 1 : i32
      %mul3A_52 = arith.muli %scan3A_50, %mul3A_51 : i32
      %add3A_53 = arith.constant 0 : i32
      %add3A_54 = arith.addi %add3A_53, %mul3A_52 : i32
      %mul3A_55 = arith.constant 16 : i32
      %mul3A_56 = arith.muli %add3A_54, %mul3A_55 : i32
      %get3A = arith.index_cast %mul3A_56 : i32 to index
      %get3A_57 = tpu.vector_load %arg6[%get3A] {strides = array<i32>} : memref<640xf32, #tpu.memory_space<vmem>>, vector<16xf32>,
      %broadcast_in_dim3A_58 = arith.constant 0.000000e+00 : f32
      %broadcast_in_dim3A_59 = vector.broadcast %broadcast_in_dim3A_58 : f32 to vector<16xf32>
      %slice3A = vector.extract_strided_slice %get3A_57 {offsets = [0], sizes = [1], strides = [1]} : vector<16xf32> to vector<1xf32>
      %squeeze3A = vector.extract %slice3A[0] : f32 from vector<1xf32>
      %add3A_60 = vector.broadcast %squeeze3A : f32 to vector<16xf32>
      %add3A_61 = arith.addf %broadcast_in_dim3A_59, %add3A_60 : vector<16xf32>
      %mul3A_62 = arith.constant 2 : i32
      %mul3A_63 = arith.muli %add3A_54, %mul3A_62 : i32
      %add3A_64 = arith.constant 0 : i32
      %add3A_65 = arith.addi %mul3A_63, %add3A_64 : i32
      %swap3A_66 = arith.index_cast %add3A_65 : i32 to index
      %swap3A_67 = arith.constant 0 : index
      %swap3A_68 = tpu.vector_load %arg7[%swap3A_66, %swap3A_67] {strides = array<i32>} : memref<80x128xf32, #tpu.memory_space<vmem>>, vector<16xf32>,
      tpu.vector_store %arg7[%swap3A_66, %swap3A_67], %add3A_61 {strides = array<i32>} : memref<80x128xf32, #tpu.memory_space<vmem>>, vector<16xf32>,
      %broadcast_in_dim3A_69 = arith.constant 0.000000e+00 : f32
      %broadcast_in_dim3A_70 = vector.broadcast %broadcast_in_dim3A_69 : f32 to vector<16xf32>
      %slice3A_71 = vector.extract_strided_slice %get3A_57 {offsets = [1], sizes = [1], strides = [1]} : vector<16xf32> to vector<1xf32>
      %squeeze3A_72 = vector.extract %slice3A_71[0] : f32 from vector<1xf32>
      %add3A_73 = vector.broadcast %squeeze3A_72 : f32 to vector<16xf32>
      %add3A_74 = arith.addf %broadcast_in_dim3A_70, %add3A_73 : vector<16xf32>
      %mul3A_75 = arith.constant 2 : i32
      %mul3A_76 = arith.muli %add3A_54, %mul3A_75 : i32
      %add3A_77 = arith.constant 0 : i32
      %add3A_78 = arith.addi %mul3A_76, %add3A_77 : i32
      %swap3A_79 = arith.index_cast %add3A_78 : i32 to index
      %swap3A_80 = arith.constant 16 : index
      %swap3A_81 = tpu.vector_load %arg7[%swap3A_79, %swap3A_80] {strides = array<i32>} : memref<80x128xf32, #tpu.memory_space<vmem>>, vector<16xf32>,
      tpu.vector_store %arg7[%swap3A_79, %swap3A_80], %add3A_74 {strides = array<i32>} : memref<80x128xf32, #tpu.memory_space<vmem>>, vector<16xf32>,
      %broadcast_in_dim3A_82 = arith.constant 0.000000e+00 : f32
      %broadcast_in_dim3A_83 = vector.broadcast %broadcast_in_dim3A_82 : f32 to vector<16xf32>
      %slice3A_84 = vector.extract_strided_slice %get3A_57 {offsets = [2], sizes = [1], strides = [1]} : vector<16xf32> to vector<1xf32>
      %squeeze3A_85 = vector.extract %slice3A_84[0] : f32 from vector<1xf32>
      %add3A_86 = vector.broadcast %squeeze3A_85 : f32 to vector<16xf32>
      %add3A_87 = arith.addf %broadcast_in_dim3A_83, %add3A_86 : vector<16xf32>
      %mul3A_88 = arith.constant 2 : i32
      %mul3A_89 = arith.muli %add3A_54, %mul3A_88 : i32
      %add3A_90 = arith.constant 0 : i32
      %add3A_91 = arith.addi %mul3A_89, %add3A_90 : i32
      %swap3A_92 = arith.index_cast %add3A_91 : i32 to index
      %swap3A_93 = arith.constant 32 : index
      %swap3A_94 = tpu.vector_load %arg7[%swap3A_92, %swap3A_93] {strides = array<i32>} : memref<80x128xf32, #tpu.memory_space<vmem>>, vector<16xf32>,
      tpu.vector_store %arg7[%swap3A_92, %swap3A_93], %add3A_87 {strides = array<i32>} : memref<80x128xf32, #tpu.memory_space<vmem>>, vector<16xf32>,
      %broadcast_in_dim3A_95 = arith.constant 0.000000e+00 : f32
      %broadcast_in_dim3A_96 = vector.broadcast %broadcast_in_dim3A_95 : f32 to vector<16xf32>
      %slice3A_97 = vector.extract_strided_slice %get3A_57 {offsets = [3], sizes = [1], strides = [1]} : vector<16xf32> to vector<1xf32>
      %squeeze3A_98 = vector.extract %slice3A_97[0] : f32 from vector<1xf32>
      %add3A_99 = vector.broadcast %squeeze3A_98 : f32 to vector<16xf32>
      %add3A_100 = arith.addf %broadcast_in_dim3A_96, %add3A_99 : vector<16xf32>
      %mul3A_101 = arith.constant 2 : i32
      %mul3A_102 = arith.muli %add3A_54, %mul3A_101 : i32
      %add3A_103 = arith.constant 0 : i32
      %add3A_104 = arith.addi %mul3A_102, %add3A_103 : i32
      %swap3A_105 = arith.index_cast %add3A_104 : i32 to index
      %swap3A_106 = arith.constant 48 : index
      %swap3A_107 = tpu.vector_load %arg7[%swap3A_105, %swap3A_106] {strides = array<i32>} : memref<80x128xf32, #tpu.memory_space<vmem>>, vector<16xf32>,
      tpu.vector_store %arg7[%swap3A_105, %swap3A_106], %add3A_100 {strides = array<i32>} : memref<80x128xf32, #tpu.memory_space<vmem>>, vector<16xf32>,
      %broadcast_in_dim3A_108 = arith.constant 0.000000e+00 : f32
      %broadcast_in_dim3A_109 = vector.broadcast %broadcast_in_dim3A_108 : f32 to vector<16xf32>
      %slice3A_110 = vector.extract_strided_slice %get3A_57 {offsets = [4], sizes = [1], strides = [1]} : vector<16xf32> to vector<1xf32>
      %squeeze3A_111 = vector.extract %slice3A_110[0] : f32 from vector<1xf32>
      %add3A_112 = vector.broadcast %squeeze3A_111 : f32 to vector<16xf32>
      %add3A_113 = arith.addf %broadcast_in_dim3A_109, %add3A_112 : vector<16xf32>
      %mul3A_114 = arith.constant 2 : i32
      %mul3A_115 = arith.muli %add3A_54, %mul3A_114 : i32
      %add3A_116 = arith.constant 0 : i32
      %add3A_117 = arith.addi %mul3A_115, %add3A_116 : i32
      %swap3A_118 = arith.index_cast %add3A_117 : i32 to index
      %swap3A_119 = arith.constant 64 : index
      %swap3A_120 = tpu.vector_load %arg7[%swap3A_118, %swap3A_119] {strides = array<i32>} : memref<80x128xf32, #tpu.memory_space<vmem>>, vector<16xf32>,
      tpu.vector_store %arg7[%swap3A_118, %swap3A_119], %add3A_113 {strides = array<i32>} : memref<80x128xf32, #tpu.memory_space<vmem>>, vector<16xf32>,
      %broadcast_in_dim3A_121 = arith.constant 0.000000e+00 : f32
      %broadcast_in_dim3A_122 = vector.broadcast %broadcast_in_dim3A_121 : f32 to vector<16xf32>
      %slice3A_123 = vector.extract_strided_slice %get3A_57 {offsets = [5], sizes = [1], strides = [1]} : vector<16xf32> to vector<1xf32>
      %squeeze3A_124 = vector.extract %slice3A_123[0] : f32 from vector<1xf32>
      %add3A_125 = vector.broadcast %squeeze3A_124 : f32 to vector<16xf32>
      %add3A_126 = arith.addf %broadcast_in_dim3A_122, %add3A_125 : vector<16xf32>
      %mul3A_127 = arith.constant 2 : i32
      %mul3A_128 = arith.muli %add3A_54, %mul3A_127 : i32
      %add3A_129 = arith.constant 0 : i32
      %add3A_130 = arith.addi %mul3A_128, %add3A_129 : i32
      %swap3A_131 = arith.index_cast %add3A_130 : i32 to index
      %swap3A_132 = arith.constant 80 : index
      %swap3A_133 = tpu.vector_load %arg7[%swap3A_131, %swap3A_132] {strides = array<i32>} : memref<80x128xf32, #tpu.memory_space<vmem>>, vector<16xf32>,
      tpu.vector_store %arg7[%swap3A_131, %swap3A_132], %add3A_126 {strides = array<i32>} : memref<80x128xf32, #tpu.memory_space<vmem>>, vector<16xf32>,
      %broadcast_in_dim3A_134 = arith.constant 0.000000e+00 : f32
      %broadcast_in_dim3A_135 = vector.broadcast %broadcast_in_dim3A_134 : f32 to vector<16xf32>
      %slice3A_136 = vector.extract_strided_slice %get3A_57 {offsets = [6], sizes = [1], strides = [1]} : vector<16xf32> to vector<1xf32>
      %squeeze3A_137 = vector.extract %slice3A_136[0] : f32 from vector<1xf32>
      %add3A_138 = vector.broadcast %squeeze3A_137 : f32 to vector<16xf32>
      %add3A_139 = arith.addf %broadcast_in_dim3A_135, %add3A_138 : vector<16xf32>
      %mul3A_140 = arith.constant 2 : i32
      %mul3A_141 = arith.muli %add3A_54, %mul3A_140 : i32
      %add3A_142 = arith.constant 0 : i32
      %add3A_143 = arith.addi %mul3A_141, %add3A_142 : i32
      %swap3A_144 = arith.index_cast %add3A_143 : i32 to index
      %swap3A_145 = arith.constant 96 : index
      %swap3A_146 = tpu.vector_load %arg7[%swap3A_144, %swap3A_145] {strides = array<i32>} : memref<80x128xf32, #tpu.memory_space<vmem>>, vector<16xf32>,
      tpu.vector_store %arg7[%swap3A_144, %swap3A_145], %add3A_139 {strides = array<i32>} : memref<80x128xf32, #tpu.memory_space<vmem>>, vector<16xf32>,
      %broadcast_in_dim3A_147 = arith.constant 0.000000e+00 : f32
      %broadcast_in_dim3A_148 = vector.broadcast %broadcast_in_dim3A_147 : f32 to vector<16xf32>
      %slice3A_149 = vector.extract_strided_slice %get3A_57 {offsets = [7], sizes = [1], strides = [1]} : vector<16xf32> to vector<1xf32>
      %squeeze3A_150 = vector.extract %slice3A_149[0] : f32 from vector<1xf32>
      %add3A_151 = vector.broadcast %squeeze3A_150 : f32 to vector<16xf32>
      %add3A_152 = arith.addf %broadcast_in_dim3A_148, %add3A_151 : vector<16xf32>
      %mul3A_153 = arith.constant 2 : i32
      %mul3A_154 = arith.muli %add3A_54, %mul3A_153 : i32
      %add3A_155 = arith.constant 0 : i32
      %add3A_156 = arith.addi %mul3A_154, %add3A_155 : i32
      %swap3A_157 = arith.index_cast %add3A_156 : i32 to index
      %swap3A_158 = arith.constant 112 : index
      %swap3A_159 = tpu.vector_load %arg7[%swap3A_157, %swap3A_158] {strides = array<i32>} : memref<80x128xf32, #tpu.memory_space<vmem>>, vector<16xf32>,
      tpu.vector_store %arg7[%swap3A_157, %swap3A_158], %add3A_152 {strides = array<i32>} : memref<80x128xf32, #tpu.memory_space<vmem>>, vector<16xf32>,
      %broadcast_in_dim3A_160 = arith.constant 0.000000e+00 : f32
      %broadcast_in_dim3A_161 = vector.broadcast %broadcast_in_dim3A_160 : f32 to vector<16xf32>
      %slice3A_162 = vector.extract_strided_slice %get3A_57 {offsets = [8], sizes = [1], strides = [1]} : vector<16xf32> to vector<1xf32>
      %squeeze3A_163 = vector.extract %slice3A_162[0] : f32 from vector<1xf32>
      %add3A_164 = vector.broadcast %squeeze3A_163 : f32 to vector<16xf32>
      %add3A_165 = arith.addf %broadcast_in_dim3A_161, %add3A_164 : vector<16xf32>
      %mul3A_166 = arith.constant 2 : i32
      %mul3A_167 = arith.muli %add3A_54, %mul3A_166 : i32
      %add3A_168 = arith.constant 1 : i32
      %add3A_169 = arith.addi %mul3A_167, %add3A_168 : i32
      %swap3A_170 = arith.index_cast %add3A_169 : i32 to index
      %swap3A_171 = arith.constant 0 : index
      %swap3A_172 = tpu.vector_load %arg7[%swap3A_170, %swap3A_171] {strides = array<i32>} : memref<80x128xf32, #tpu.memory_space<vmem>>, vector<16xf32>,
      tpu.vector_store %arg7[%swap3A_170, %swap3A_171], %add3A_165 {strides = array<i32>} : memref<80x128xf32, #tpu.memory_space<vmem>>, vector<16xf32>,
      %broadcast_in_dim3A_173 = arith.constant 0.000000e+00 : f32
      %broadcast_in_dim3A_174 = vector.broadcast %broadcast_in_dim3A_173 : f32 to vector<16xf32>
      %slice3A_175 = vector.extract_strided_slice %get3A_57 {offsets = [9], sizes = [1], strides = [1]} : vector<16xf32> to vector<1xf32>
      %squeeze3A_176 = vector.extract %slice3A_175[0] : f32 from vector<1xf32>
      %add3A_177 = vector.broadcast %squeeze3A_176 : f32 to vector<16xf32>
      %add3A_178 = arith.addf %broadcast_in_dim3A_174, %add3A_177 : vector<16xf32>
      %mul3A_179 = arith.constant 2 : i32
      %mul3A_180 = arith.muli %add3A_54, %mul3A_179 : i32
      %add3A_181 = arith.constant 1 : i32
      %add3A_182 = arith.addi %mul3A_180, %add3A_181 : i32
      %swap3A_183 = arith.index_cast %add3A_182 : i32 to index
      %swap3A_184 = arith.constant 16 : index
      %swap3A_185 = tpu.vector_load %arg7[%swap3A_183, %swap3A_184] {strides = array<i32>} : memref<80x128xf32, #tpu.memory_space<vmem>>, vector<16xf32>,
      tpu.vector_store %arg7[%swap3A_183, %swap3A_184], %add3A_178 {strides = array<i32>} : memref<80x128xf32, #tpu.memory_space<vmem>>, vector<16xf32>,
      %broadcast_in_dim3A_186 = arith.constant 0.000000e+00 : f32
      %broadcast_in_dim3A_187 = vector.broadcast %broadcast_in_dim3A_186 : f32 to vector<16xf32>
      %slice3A_188 = vector.extract_strided_slice %get3A_57 {offsets = [10], sizes = [1], strides = [1]} : vector<16xf32> to vector<1xf32>
      %squeeze3A_189 = vector.extract %slice3A_188[0] : f32 from vector<1xf32>
      %add3A_190 = vector.broadcast %squeeze3A_189 : f32 to vector<16xf32>
      %add3A_191 = arith.addf %broadcast_in_dim3A_187, %add3A_190 : vector<16xf32>
      %mul3A_192 = arith.constant 2 : i32
      %mul3A_193 = arith.muli %add3A_54, %mul3A_192 : i32
      %add3A_194 = arith.constant 1 : i32
      %add3A_195 = arith.addi %mul3A_193, %add3A_194 : i32
      %swap3A_196 = arith.index_cast %add3A_195 : i32 to index
      %swap3A_197 = arith.constant 32 : index
      %swap3A_198 = tpu.vector_load %arg7[%swap3A_196, %swap3A_197] {strides = array<i32>} : memref<80x128xf32, #tpu.memory_space<vmem>>, vector<16xf32>,
      tpu.vector_store %arg7[%swap3A_196, %swap3A_197], %add3A_191 {strides = array<i32>} : memref<80x128xf32, #tpu.memory_space<vmem>>, vector<16xf32>,
      %broadcast_in_dim3A_199 = arith.constant 0.000000e+00 : f32
      %broadcast_in_dim3A_200 = vector.broadcast %broadcast_in_dim3A_199 : f32 to vector<16xf32>
      %slice3A_201 = vector.extract_strided_slice %get3A_57 {offsets = [11], sizes = [1], strides = [1]} : vector<16xf32> to vector<1xf32>
      %squeeze3A_202 = vector.extract %slice3A_201[0] : f32 from vector<1xf32>
      %add3A_203 = vector.broadcast %squeeze3A_202 : f32 to vector<16xf32>
      %add3A_204 = arith.addf %broadcast_in_dim3A_200, %add3A_203 : vector<16xf32>
      %mul3A_205 = arith.constant 2 : i32
      %mul3A_206 = arith.muli %add3A_54, %mul3A_205 : i32
      %add3A_207 = arith.constant 1 : i32
      %add3A_208 = arith.addi %mul3A_206, %add3A_207 : i32
      %swap3A_209 = arith.index_cast %add3A_208 : i32 to index
      %swap3A_210 = arith.constant 48 : index
      %swap3A_211 = tpu.vector_load %arg7[%swap3A_209, %swap3A_210] {strides = array<i32>} : memref<80x128xf32, #tpu.memory_space<vmem>>, vector<16xf32>,
      tpu.vector_store %arg7[%swap3A_209, %swap3A_210], %add3A_204 {strides = array<i32>} : memref<80x128xf32, #tpu.memory_space<vmem>>, vector<16xf32>,
      %broadcast_in_dim3A_212 = arith.constant 0.000000e+00 : f32
      %broadcast_in_dim3A_213 = vector.broadcast %broadcast_in_dim3A_212 : f32 to vector<16xf32>
      %slice3A_214 = vector.extract_strided_slice %get3A_57 {offsets = [12], sizes = [1], strides = [1]} : vector<16xf32> to vector<1xf32>
      %squeeze3A_215 = vector.extract %slice3A_214[0] : f32 from vector<1xf32>
      %add3A_216 = vector.broadcast %squeeze3A_215 : f32 to vector<16xf32>
      %add3A_217 = arith.addf %broadcast_in_dim3A_213, %add3A_216 : vector<16xf32>
      %mul3A_218 = arith.constant 2 : i32
      %mul3A_219 = arith.muli %add3A_54, %mul3A_218 : i32
      %add3A_220 = arith.constant 1 : i32
      %add3A_221 = arith.addi %mul3A_219, %add3A_220 : i32
      %swap3A_222 = arith.index_cast %add3A_221 : i32 to index
      %swap3A_223 = arith.constant 64 : index
      %swap3A_224 = tpu.vector_load %arg7[%swap3A_222, %swap3A_223] {strides = array<i32>} : memref<80x128xf32, #tpu.memory_space<vmem>>, vector<16xf32>,
      tpu.vector_store %arg7[%swap3A_222, %swap3A_223], %add3A_217 {strides = array<i32>} : memref<80x128xf32, #tpu.memory_space<vmem>>, vector<16xf32>,
      %broadcast_in_dim3A_225 = arith.constant 0.000000e+00 : f32
      %broadcast_in_dim3A_226 = vector.broadcast %broadcast_in_dim3A_225 : f32 to vector<16xf32>
      %slice3A_227 = vector.extract_strided_slice %get3A_57 {offsets = [13], sizes = [1], strides = [1]} : vector<16xf32> to vector<1xf32>
      %squeeze3A_228 = vector.extract %slice3A_227[0] : f32 from vector<1xf32>
      %add3A_229 = vector.broadcast %squeeze3A_228 : f32 to vector<16xf32>
      %add3A_230 = arith.addf %broadcast_in_dim3A_226, %add3A_229 : vector<16xf32>
      %mul3A_231 = arith.constant 2 : i32
      %mul3A_232 = arith.muli %add3A_54, %mul3A_231 : i32
      %add3A_233 = arith.constant 1 : i32
      %add3A_234 = arith.addi %mul3A_232, %add3A_233 : i32
      %swap3A_235 = arith.index_cast %add3A_234 : i32 to index
      %swap3A_236 = arith.constant 80 : index
      %swap3A_237 = tpu.vector_load %arg7[%swap3A_235, %swap3A_236] {strides = array<i32>} : memref<80x128xf32, #tpu.memory_space<vmem>>, vector<16xf32>,
      tpu.vector_store %arg7[%swap3A_235, %swap3A_236], %add3A_230 {strides = array<i32>} : memref<80x128xf32, #tpu.memory_space<vmem>>, vector<16xf32>,
      %broadcast_in_dim3A_238 = arith.constant 0.000000e+00 : f32
      %broadcast_in_dim3A_239 = vector.broadcast %broadcast_in_dim3A_238 : f32 to vector<16xf32>
      %slice3A_240 = vector.extract_strided_slice %get3A_57 {offsets = [14], sizes = [1], strides = [1]} : vector<16xf32> to vector<1xf32>
      %squeeze3A_241 = vector.extract %slice3A_240[0] : f32 from vector<1xf32>
      %add3A_242 = vector.broadcast %squeeze3A_241 : f32 to vector<16xf32>
      %add3A_243 = arith.addf %broadcast_in_dim3A_239, %add3A_242 : vector<16xf32>
      %mul3A_244 = arith.constant 2 : i32
      %mul3A_245 = arith.muli %add3A_54, %mul3A_244 : i32
      %add3A_246 = arith.constant 1 : i32
      %add3A_247 = arith.addi %mul3A_245, %add3A_246 : i32
      %swap3A_248 = arith.index_cast %add3A_247 : i32 to index
      %swap3A_249 = arith.constant 96 : index
      %swap3A_250 = tpu.vector_load %arg7[%swap3A_248, %swap3A_249] {strides = array<i32>} : memref<80x128xf32, #tpu.memory_space<vmem>>, vector<16xf32>,
      tpu.vector_store %arg7[%swap3A_248, %swap3A_249], %add3A_243 {strides = array<i32>} : memref<80x128xf32, #tpu.memory_space<vmem>>, vector<16xf32>,
      %broadcast_in_dim3A_251 = arith.constant 0.000000e+00 : f32
      %broadcast_in_dim3A_252 = vector.broadcast %broadcast_in_dim3A_251 : f32 to vector<16xf32>
      %slice3A_253 = vector.extract_strided_slice %get3A_57 {offsets = [15], sizes = [1], strides = [1]} : vector<16xf32> to vector<1xf32>
      %squeeze3A_254 = vector.extract %slice3A_253[0] : f32 from vector<1xf32>
      %add3A_255 = vector.broadcast %squeeze3A_254 : f32 to vector<16xf32>
      %add3A_256 = arith.addf %broadcast_in_dim3A_252, %add3A_255 : vector<16xf32>
      %mul3A_257 = arith.constant 2 : i32
      %mul3A_258 = arith.muli %add3A_54, %mul3A_257 : i32
      %add3A_259 = arith.constant 1 : i32
      %add3A_260 = arith.addi %mul3A_258, %add3A_259 : i32
      %swap3A_261 = arith.index_cast %add3A_260 : i32 to index
      %swap3A_262 = arith.constant 112 : index
      %swap3A_263 = tpu.vector_load %arg7[%swap3A_261, %swap3A_262] {strides = array<i32>} : memref<80x128xf32, #tpu.memory_space<vmem>>, vector<16xf32>,
      tpu.vector_store %arg7[%swap3A_261, %swap3A_262], %add3A_256 {strides = array<i32>} : memref<80x128xf32, #tpu.memory_space<vmem>>, vector<16xf32>,
    }
    %scan3A_47 = arith.constant 40 : i32
    %mul3A_48 = arith.constant 80 : i32
    %mul3A_49 = arith.muli %arg1, %mul3A_48 : i32
    "tpu.region"() ({
      %run_scoped3A_50 = tpu.sem_alloc : memref<!tpu.dma_semaphore, #tpu.memory_space<semaphore_mem>>
      %dma_start3A = arith.constant 0 : i32
      %dma_start3A_51 = tpu.memref_slice %arg3[%arg0, %mul3A_49, %dma_start3A] : memref<2x1280x128xf32, #tpu.memory_space<hbm>> -> memref<1x80x128xf32, #tpu.memory_space<hbm>>
      %dma_start3A_52 = tpu.memref_squeeze %dma_start3A_51 : memref<1x80x128xf32, #tpu.memory_space<hbm>> -> memref<80x128xf32, #tpu.memory_space<hbm>>
      %dma_start3A_53 = arith.constant 0 : i32
      %dma_start3A_54 = tpu.memref_slice %arg3[%arg0, %mul3A_49, %dma_start3A_53] : memref<2x1280x128xf32, #tpu.memory_space<hbm>> -> memref<1x80x128xf32, #tpu.memory_space<hbm>>
      %dma_start3A_55 = tpu.memref_squeeze %dma_start3A_54 : memref<1x80x128xf32, #tpu.memory_space<hbm>> -> memref<80x128xf32, #tpu.memory_space<hbm>>
      tpu.enqueue_dma source(%arg7 : memref<80x128xf32, #tpu.memory_space<vmem>>) target(%dma_start3A_55 : memref<80x128xf32, #tpu.memory_space<hbm>>) target_semaphore(%run_scoped3A_50 : memref<!tpu.dma_semaphore, #tpu.memory_space<semaphore_mem>>)
      %dma_wait3A = arith.constant 0 : i32
      %dma_wait3A_56 = tpu.memref_slice %arg3[%arg0, %mul3A_49, %dma_wait3A] : memref<2x1280x128xf32, #tpu.memory_space<hbm>> -> memref<1x80x128xf32, #tpu.memory_space<hbm>>
      %dma_wait3A_57 = tpu.memref_squeeze %dma_wait3A_56 : memref<1x80x128xf32, #tpu.memory_space<hbm>> -> memref<80x128xf32, #tpu.memory_space<hbm>>
      %dma_wait3A_58 = arith.constant 0 : i32
      %dma_wait3A_59 = tpu.memref_slice %arg3[%arg0, %mul3A_49, %dma_wait3A_58] : memref<2x1280x128xf32, #tpu.memory_space<hbm>> -> memref<1x80x128xf32, #tpu.memory_space<hbm>>
      %dma_wait3A_60 = tpu.memref_squeeze %dma_wait3A_59 : memref<1x80x128xf32, #tpu.memory_space<hbm>> -> memref<80x128xf32, #tpu.memory_space<hbm>>
      tpu.wait_dma2 semaphore(%run_scoped3A_50 : memref<!tpu.dma_semaphore, #tpu.memory_space<semaphore_mem>>) src(%arg7 : memref<80x128xf32, #tpu.memory_space<vmem>>) dst(%dma_wait3A_60 : memref<80x128xf32, #tpu.memory_space<hbm>>)
      tpu.yield
    }) : () -> ()
    return
  }
}

module attributes {stable_mosaic.version = 14 : i64} {
  func.func @_tc_matmul_body(%arg0: memref<1250x8x128xf32, #tpu.memory_space<vmem>>, %arg1: memref<128x16xf32, #tpu.memory_space<vmem>>, %arg2: memref<1280x128xf32, #tpu.memory_space<vmem>>) attributes {dimension_semantics = [], scalar_prefetch = 0 : i64, scratch_operands = 0 : i64, tpu.core_type = #tpu.core_type<tc>} {
    %get3A = arith.constant 0 : index
    %get3A_0 = arith.constant 0 : index
    %get3A_1 = arith.constant 0 : index
    %get3A_2 = vector.load %arg0[%get3A, %get3A_0, %get3A_1] : memref<1250x8x128xf32, #tpu.memory_space<vmem>>, vector<1250x1x128xf32>
    %get3A_3 = vector.shape_cast %get3A_2 : vector<1250x1x128xf32> to vector<1250x128xf32>
    %get3A_4 = arith.constant 0 : index
    %get3A_5 = arith.constant 0 : index
    %get3A_6 = vector.load %arg1[%get3A_4, %get3A_5] : memref<128x16xf32, #tpu.memory_space<vmem>>, vector<128x16xf32>
    %dot_general3A = arith.constant dense<0.000000e+00> : vector<1250x16xf32>
    %dot_general3A_7 = tpu.matmul %get3A_3, %get3A_6, %dot_general3A {dimension_numbers = #tpu.dot_dimension_numbers<[1], [0], [0], [1], [0, 0, 1, 1], [], []>, transpose_lhs_hint = false} : vector<1250x128xf32>, vector<128x16xf32>, vector<1250x16xf32> -> vector<1250x16xf32>
    %swap3A = arith.constant 0 : index
    %swap3A_8 = arith.constant 0 : index
    %swap3A_9 = vector.load %arg2[%swap3A, %swap3A_8] : memref<1280x128xf32, #tpu.memory_space<vmem>>, vector<1250x16xf32>
    tpu.vector_store %arg2[%swap3A, %swap3A_8], %dot_general3A_7 {strides = array<i32>} : memref<1280x128xf32, #tpu.memory_space<vmem>>, vector<1250x16xf32>,
    %get3A_10 = arith.constant 0 : index
    %get3A_11 = arith.constant 1 : index
    %get3A_12 = arith.constant 0 : index
    %get3A_13 = vector.load %arg0[%get3A_10, %get3A_11, %get3A_12] : memref<1250x8x128xf32, #tpu.memory_space<vmem>>, vector<1250x1x128xf32>
    %get3A_14 = vector.shape_cast %get3A_13 : vector<1250x1x128xf32> to vector<1250x128xf32>
    %get3A_15 = arith.constant 0 : index
    %get3A_16 = arith.constant 0 : index
    %get3A_17 = vector.load %arg1[%get3A_15, %get3A_16] : memref<128x16xf32, #tpu.memory_space<vmem>>, vector<128x16xf32>
    %dot_general3A_18 = arith.constant dense<0.000000e+00> : vector<1250x16xf32>
    %dot_general3A_19 = tpu.matmul %get3A_14, %get3A_17, %dot_general3A_18 {dimension_numbers = #tpu.dot_dimension_numbers<[1], [0], [0], [1], [0, 0, 1, 1], [], []>, transpose_lhs_hint = false} : vector<1250x128xf32>, vector<128x16xf32>, vector<1250x16xf32> -> vector<1250x16xf32>
    %swap3A_20 = arith.constant 0 : index
    %swap3A_21 = arith.constant 16 : index
    %swap3A_22 = vector.load %arg2[%swap3A_20, %swap3A_21] : memref<1280x128xf32, #tpu.memory_space<vmem>>, vector<1250x16xf32>
    tpu.vector_store %arg2[%swap3A_20, %swap3A_21], %dot_general3A_19 {strides = array<i32>} : memref<1280x128xf32, #tpu.memory_space<vmem>>, vector<1250x16xf32>,
    %get3A_23 = arith.constant 0 : index
    %get3A_24 = arith.constant 2 : index
    %get3A_25 = arith.constant 0 : index
    %get3A_26 = vector.load %arg0[%get3A_23, %get3A_24, %get3A_25] : memref<1250x8x128xf32, #tpu.memory_space<vmem>>, vector<1250x1x128xf32>
    %get3A_27 = vector.shape_cast %get3A_26 : vector<1250x1x128xf32> to vector<1250x128xf32>
    %get3A_28 = arith.constant 0 : index
    %get3A_29 = arith.constant 0 : index
    %get3A_30 = vector.load %arg1[%get3A_28, %get3A_29] : memref<128x16xf32, #tpu.memory_space<vmem>>, vector<128x16xf32>
    %dot_general3A_31 = arith.constant dense<0.000000e+00> : vector<1250x16xf32>
    %dot_general3A_32 = tpu.matmul %get3A_27, %get3A_30, %dot_general3A_31 {dimension_numbers = #tpu.dot_dimension_numbers<[1], [0], [0], [1], [0, 0, 1, 1], [], []>, transpose_lhs_hint = false} : vector<1250x128xf32>, vector<128x16xf32>, vector<1250x16xf32> -> vector<1250x16xf32>
    %swap3A_33 = arith.constant 0 : index
    %swap3A_34 = arith.constant 32 : index
    %swap3A_35 = vector.load %arg2[%swap3A_33, %swap3A_34] : memref<1280x128xf32, #tpu.memory_space<vmem>>, vector<1250x16xf32>
    tpu.vector_store %arg2[%swap3A_33, %swap3A_34], %dot_general3A_32 {strides = array<i32>} : memref<1280x128xf32, #tpu.memory_space<vmem>>, vector<1250x16xf32>,
    %get3A_36 = arith.constant 0 : index
    %get3A_37 = arith.constant 3 : index
    %get3A_38 = arith.constant 0 : index
    %get3A_39 = vector.load %arg0[%get3A_36, %get3A_37, %get3A_38] : memref<1250x8x128xf32, #tpu.memory_space<vmem>>, vector<1250x1x128xf32>
    %get3A_40 = vector.shape_cast %get3A_39 : vector<1250x1x128xf32> to vector<1250x128xf32>
    %get3A_41 = arith.constant 0 : index
    %get3A_42 = arith.constant 0 : index
    %get3A_43 = vector.load %arg1[%get3A_41, %get3A_42] : memref<128x16xf32, #tpu.memory_space<vmem>>, vector<128x16xf32>
    %dot_general3A_44 = arith.constant dense<0.000000e+00> : vector<1250x16xf32>
    %dot_general3A_45 = tpu.matmul %get3A_40, %get3A_43, %dot_general3A_44 {dimension_numbers = #tpu.dot_dimension_numbers<[1], [0], [0], [1], [0, 0, 1, 1], [], []>, transpose_lhs_hint = false} : vector<1250x128xf32>, vector<128x16xf32>, vector<1250x16xf32> -> vector<1250x16xf32>
    %swap3A_46 = arith.constant 0 : index
    %swap3A_47 = arith.constant 48 : index
    %swap3A_48 = vector.load %arg2[%swap3A_46, %swap3A_47] : memref<1280x128xf32, #tpu.memory_space<vmem>>, vector<1250x16xf32>
    tpu.vector_store %arg2[%swap3A_46, %swap3A_47], %dot_general3A_45 {strides = array<i32>} : memref<1280x128xf32, #tpu.memory_space<vmem>>, vector<1250x16xf32>,
    %get3A_49 = arith.constant 0 : index
    %get3A_50 = arith.constant 4 : index
    %get3A_51 = arith.constant 0 : index
    %get3A_52 = vector.load %arg0[%get3A_49, %get3A_50, %get3A_51] : memref<1250x8x128xf32, #tpu.memory_space<vmem>>, vector<1250x1x128xf32>
    %get3A_53 = vector.shape_cast %get3A_52 : vector<1250x1x128xf32> to vector<1250x128xf32>
    %get3A_54 = arith.constant 0 : index
    %get3A_55 = arith.constant 0 : index
    %get3A_56 = vector.load %arg1[%get3A_54, %get3A_55] : memref<128x16xf32, #tpu.memory_space<vmem>>, vector<128x16xf32>
    %dot_general3A_57 = arith.constant dense<0.000000e+00> : vector<1250x16xf32>
    %dot_general3A_58 = tpu.matmul %get3A_53, %get3A_56, %dot_general3A_57 {dimension_numbers = #tpu.dot_dimension_numbers<[1], [0], [0], [1], [0, 0, 1, 1], [], []>, transpose_lhs_hint = false} : vector<1250x128xf32>, vector<128x16xf32>, vector<1250x16xf32> -> vector<1250x16xf32>
    %swap3A_59 = arith.constant 0 : index
    %swap3A_60 = arith.constant 64 : index
    %swap3A_61 = vector.load %arg2[%swap3A_59, %swap3A_60] : memref<1280x128xf32, #tpu.memory_space<vmem>>, vector<1250x16xf32>
    tpu.vector_store %arg2[%swap3A_59, %swap3A_60], %dot_general3A_58 {strides = array<i32>} : memref<1280x128xf32, #tpu.memory_space<vmem>>, vector<1250x16xf32>,
    %get3A_62 = arith.constant 0 : index
    %get3A_63 = arith.constant 5 : index
    %get3A_64 = arith.constant 0 : index
    %get3A_65 = vector.load %arg0[%get3A_62, %get3A_63, %get3A_64] : memref<1250x8x128xf32, #tpu.memory_space<vmem>>, vector<1250x1x128xf32>
    %get3A_66 = vector.shape_cast %get3A_65 : vector<1250x1x128xf32> to vector<1250x128xf32>
    %get3A_67 = arith.constant 0 : index
    %get3A_68 = arith.constant 0 : index
    %get3A_69 = vector.load %arg1[%get3A_67, %get3A_68] : memref<128x16xf32, #tpu.memory_space<vmem>>, vector<128x16xf32>
    %dot_general3A_70 = arith.constant dense<0.000000e+00> : vector<1250x16xf32>
    %dot_general3A_71 = tpu.matmul %get3A_66, %get3A_69, %dot_general3A_70 {dimension_numbers = #tpu.dot_dimension_numbers<[1], [0], [0], [1], [0, 0, 1, 1], [], []>, transpose_lhs_hint = false} : vector<1250x128xf32>, vector<128x16xf32>, vector<1250x16xf32> -> vector<1250x16xf32>
    %swap3A_72 = arith.constant 0 : index
    %swap3A_73 = arith.constant 80 : index
    %swap3A_74 = vector.load %arg2[%swap3A_72, %swap3A_73] : memref<1280x128xf32, #tpu.memory_space<vmem>>, vector<1250x16xf32>
    tpu.vector_store %arg2[%swap3A_72, %swap3A_73], %dot_general3A_71 {strides = array<i32>} : memref<1280x128xf32, #tpu.memory_space<vmem>>, vector<1250x16xf32>,
    %get3A_75 = arith.constant 0 : index
    %get3A_76 = arith.constant 6 : index
    %get3A_77 = arith.constant 0 : index
    %get3A_78 = vector.load %arg0[%get3A_75, %get3A_76, %get3A_77] : memref<1250x8x128xf32, #tpu.memory_space<vmem>>, vector<1250x1x128xf32>
    %get3A_79 = vector.shape_cast %get3A_78 : vector<1250x1x128xf32> to vector<1250x128xf32>
    %get3A_80 = arith.constant 0 : index
    %get3A_81 = arith.constant 0 : index
    %get3A_82 = vector.load %arg1[%get3A_80, %get3A_81] : memref<128x16xf32, #tpu.memory_space<vmem>>, vector<128x16xf32>
    %dot_general3A_83 = arith.constant dense<0.000000e+00> : vector<1250x16xf32>
    %dot_general3A_84 = tpu.matmul %get3A_79, %get3A_82, %dot_general3A_83 {dimension_numbers = #tpu.dot_dimension_numbers<[1], [0], [0], [1], [0, 0, 1, 1], [], []>, transpose_lhs_hint = false} : vector<1250x128xf32>, vector<128x16xf32>, vector<1250x16xf32> -> vector<1250x16xf32>
    %swap3A_85 = arith.constant 0 : index
    %swap3A_86 = arith.constant 96 : index
    %swap3A_87 = vector.load %arg2[%swap3A_85, %swap3A_86] : memref<1280x128xf32, #tpu.memory_space<vmem>>, vector<1250x16xf32>
    tpu.vector_store %arg2[%swap3A_85, %swap3A_86], %dot_general3A_84 {strides = array<i32>} : memref<1280x128xf32, #tpu.memory_space<vmem>>, vector<1250x16xf32>,
    %get3A_88 = arith.constant 0 : index
    %get3A_89 = arith.constant 7 : index
    %get3A_90 = arith.constant 0 : index
    %get3A_91 = vector.load %arg0[%get3A_88, %get3A_89, %get3A_90] : memref<1250x8x128xf32, #tpu.memory_space<vmem>>, vector<1250x1x128xf32>
    %get3A_92 = vector.shape_cast %get3A_91 : vector<1250x1x128xf32> to vector<1250x128xf32>
    %get3A_93 = arith.constant 0 : index
    %get3A_94 = arith.constant 0 : index
    %get3A_95 = vector.load %arg1[%get3A_93, %get3A_94] : memref<128x16xf32, #tpu.memory_space<vmem>>, vector<128x16xf32>
    %dot_general3A_96 = arith.constant dense<0.000000e+00> : vector<1250x16xf32>
    %dot_general3A_97 = tpu.matmul %get3A_92, %get3A_95, %dot_general3A_96 {dimension_numbers = #tpu.dot_dimension_numbers<[1], [0], [0], [1], [0, 0, 1, 1], [], []>, transpose_lhs_hint = false} : vector<1250x128xf32>, vector<128x16xf32>, vector<1250x16xf32> -> vector<1250x16xf32>
    %swap3A_98 = arith.constant 0 : index
    %swap3A_99 = arith.constant 112 : index
    %swap3A_100 = vector.load %arg2[%swap3A_98, %swap3A_99] : memref<1280x128xf32, #tpu.memory_space<vmem>>, vector<1250x16xf32>
    tpu.vector_store %arg2[%swap3A_98, %swap3A_99], %dot_general3A_97 {strides = array<i32>} : memref<1280x128xf32, #tpu.memory_space<vmem>>, vector<1250x16xf32>,
    %broadcast_in_dim3A = arith.constant 0.000000e+00 : f32
    %broadcast_in_dim3A_101 = vector.broadcast %broadcast_in_dim3A : f32 to vector<30x128xf32>
    %swap3A_102 = arith.constant 1250 : index
    %swap3A_103 = arith.constant 0 : index
    %swap3A_104 = vector.load %arg2[%swap3A_102, %swap3A_103] : memref<1280x128xf32, #tpu.memory_space<vmem>>, vector<30x128xf32>
    tpu.vector_store %arg2[%swap3A_102, %swap3A_103], %broadcast_in_dim3A_101 {strides = array<i32>} : memref<1280x128xf32, #tpu.memory_space<vmem>>, vector<30x128xf32>,
    return
  }
}

module attributes {stable_mosaic.version = 14 : i64} {
  func.func @_tc_scale1_body(%arg0: memref<1280x128xf32, #tpu.memory_space<vmem>>, %arg1: memref<2x1280x128xf32, #tpu.memory_space<vmem>>, %arg2: memref<1280x128xf32, #tpu.memory_space<vmem>>, %arg3: memref<1280x128xf32, #tpu.memory_space<vmem>>) attributes {dimension_semantics = [], scalar_prefetch = 0 : i64, scratch_operands = 0 : i64, tpu.core_type = #tpu.core_type<tc>} {
    %get3A = arith.constant 0 : index
    %get3A_0 = arith.constant 0 : index
    %get3A_1 = arith.constant 0 : index
    %get3A_2 = vector.load %arg1[%get3A, %get3A_0, %get3A_1] : memref<2x1280x128xf32, #tpu.memory_space<vmem>>, vector<1x1280x128xf32>
    %get3A_3 = vector.shape_cast %get3A_2 : vector<1x1280x128xf32> to vector<1280x128xf32>
    %get3A_4 = arith.constant 1 : index
    %get3A_5 = arith.constant 0 : index
    %get3A_6 = arith.constant 0 : index
    %get3A_7 = vector.load %arg1[%get3A_4, %get3A_5, %get3A_6] : memref<2x1280x128xf32, #tpu.memory_space<vmem>>, vector<1x1280x128xf32>
    %get3A_8 = vector.shape_cast %get3A_7 : vector<1x1280x128xf32> to vector<1280x128xf32>
    %add3A = arith.addf %get3A_3, %get3A_8 : vector<1280x128xf32>
    %max3A = arith.constant 1.000000e+00 : f32
    %max3A_9 = vector.broadcast %max3A : f32 to vector<1280x128xf32>
    %max3A_10 = arith.maximumf %add3A, %max3A_9 : vector<1280x128xf32>
    %rsqrt3A = math.rsqrt %max3A_10 : vector<1280x128xf32>
    %swap3A = arith.constant 0 : index
    %swap3A_11 = arith.constant 0 : index
    %swap3A_12 = vector.load %arg3[%swap3A, %swap3A_11] : memref<1280x128xf32, #tpu.memory_space<vmem>>, vector<1280x128xf32>
    tpu.vector_store %arg3[%swap3A, %swap3A_11], %rsqrt3A {strides = array<i32>} : memref<1280x128xf32, #tpu.memory_space<vmem>>, vector<1280x128xf32>,
    %get3A_13 = arith.constant 0 : index
    %get3A_14 = arith.constant 0 : index
    %get3A_15 = vector.load %arg0[%get3A_13, %get3A_14] : memref<1280x128xf32, #tpu.memory_space<vmem>>, vector<1280x128xf32>
    %mul3A = arith.mulf %get3A_15, %rsqrt3A : vector<1280x128xf32>
    %swap3A_16 = arith.constant 0 : index
    %swap3A_17 = arith.constant 0 : index
    %swap3A_18 = vector.load %arg2[%swap3A_16, %swap3A_17] : memref<1280x128xf32, #tpu.memory_space<vmem>>, vector<1280x128xf32>
    tpu.vector_store %arg2[%swap3A_16, %swap3A_17], %mul3A {strides = array<i32>} : memref<1280x128xf32, #tpu.memory_space<vmem>>, vector<1280x128xf32>,
    return
  }
}

module attributes {stable_mosaic.version = 14 : i64} {
  func.func @_tc_scale3_body(%arg0: memref<2x1280x128xf32, #tpu.memory_space<vmem>>, %arg1: memref<1280x128xf32, #tpu.memory_space<vmem>>, %arg2: memref<1x128xf32, #tpu.memory_space<vmem>>, %arg3: memref<1280x128xf32, #tpu.memory_space<vmem>>) attributes {dimension_semantics = [], scalar_prefetch = 0 : i64, scratch_operands = 0 : i64, tpu.core_type = #tpu.core_type<tc>} {
    %get3A = arith.constant 0 : index
    %get3A_0 = arith.constant 0 : index
    %get3A_1 = vector.load %arg1[%get3A, %get3A_0] : memref<1280x128xf32, #tpu.memory_space<vmem>>, vector<1280x128xf32>
    %get3A_2 = arith.constant 0 : index
    %get3A_3 = arith.constant 0 : index
    %get3A_4 = arith.constant 0 : index
    %get3A_5 = vector.load %arg0[%get3A_2, %get3A_3, %get3A_4] : memref<2x1280x128xf32, #tpu.memory_space<vmem>>, vector<1x1280x128xf32>
    %get3A_6 = vector.shape_cast %get3A_5 : vector<1x1280x128xf32> to vector<1280x128xf32>
    %get3A_7 = arith.constant 1 : index
    %get3A_8 = arith.constant 0 : index
    %get3A_9 = arith.constant 0 : index
    %get3A_10 = vector.load %arg0[%get3A_7, %get3A_8, %get3A_9] : memref<2x1280x128xf32, #tpu.memory_space<vmem>>, vector<1x1280x128xf32>
    %get3A_11 = vector.shape_cast %get3A_10 : vector<1x1280x128xf32> to vector<1280x128xf32>
    %add3A = arith.addf %get3A_6, %get3A_11 : vector<1280x128xf32>
    %mul3A = arith.mulf %get3A_1, %add3A : vector<1280x128xf32>
    %get3A_12 = arith.constant 0 : index
    %get3A_13 = arith.constant 0 : index
    %get3A_14 = vector.load %arg2[%get3A_12, %get3A_13] : memref<1x128xf32, #tpu.memory_space<vmem>>, vector<1x128xf32>
    %add3A_15 = vector.broadcast %get3A_14 : vector<1x128xf32> to vector<1280x128xf32>
    %add3A_16 = arith.addf %mul3A, %add3A_15 : vector<1280x128xf32>
    %swap3A = arith.constant 0 : index
    %swap3A_17 = arith.constant 0 : index
    %swap3A_18 = vector.load %arg3[%swap3A, %swap3A_17] : memref<1280x128xf32, #tpu.memory_space<vmem>>, vector<1280x128xf32>
    tpu.vector_store %arg3[%swap3A, %swap3A_17], %add3A_16 {strides = array<i32>} : memref<1280x128xf32, #tpu.memory_space<vmem>>, vector<1280x128xf32>,
    return
  }
}

module attributes {stable_mosaic.version = 14 : i64} {
  func.func @_tc_scale2_body(%arg0: memref<2x1280x128xf32, #tpu.memory_space<vmem>>, %arg1: memref<1280x128xf32, #tpu.memory_space<vmem>>, %arg2: memref<1x128xf32, #tpu.memory_space<vmem>>, %arg3: memref<128x128xf32, #tpu.memory_space<vmem>>, %arg4: memref<1280x128xf32, #tpu.memory_space<vmem>>) attributes {dimension_semantics = [], scalar_prefetch = 0 : i64, scratch_operands = 0 : i64, tpu.core_type = #tpu.core_type<tc>} {
    %get3A = arith.constant 0 : index
    %get3A_0 = arith.constant 0 : index
    %get3A_1 = vector.load %arg1[%get3A, %get3A_0] : memref<1280x128xf32, #tpu.memory_space<vmem>>, vector<1280x128xf32>
    %get3A_2 = arith.constant 0 : index
    %get3A_3 = arith.constant 0 : index
    %get3A_4 = arith.constant 0 : index
    %get3A_5 = vector.load %arg0[%get3A_2, %get3A_3, %get3A_4] : memref<2x1280x128xf32, #tpu.memory_space<vmem>>, vector<1x1280x128xf32>
    %get3A_6 = vector.shape_cast %get3A_5 : vector<1x1280x128xf32> to vector<1280x128xf32>
    %get3A_7 = arith.constant 1 : index
    %get3A_8 = arith.constant 0 : index
    %get3A_9 = arith.constant 0 : index
    %get3A_10 = vector.load %arg0[%get3A_7, %get3A_8, %get3A_9] : memref<2x1280x128xf32, #tpu.memory_space<vmem>>, vector<1x1280x128xf32>
    %get3A_11 = vector.shape_cast %get3A_10 : vector<1x1280x128xf32> to vector<1280x128xf32>
    %add3A = arith.addf %get3A_6, %get3A_11 : vector<1280x128xf32>
    %mul3A = arith.mulf %get3A_1, %add3A : vector<1280x128xf32>
    %get3A_12 = arith.constant 0 : index
    %get3A_13 = arith.constant 0 : index
    %get3A_14 = vector.load %arg2[%get3A_12, %get3A_13] : memref<1x128xf32, #tpu.memory_space<vmem>>, vector<1x128xf32>
    %add3A_15 = vector.broadcast %get3A_14 : vector<1x128xf32> to vector<1280x128xf32>
    %add3A_16 = arith.addf %mul3A, %add3A_15 : vector<1280x128xf32>
    %max3A = arith.constant 0.000000e+00 : f32
    %max3A_17 = vector.broadcast %max3A : f32 to vector<1280x128xf32>
    %max3A_18 = arith.maximumf %add3A_16, %max3A_17 : vector<1280x128xf32>
    %get3A_19 = arith.constant 0 : index
    %get3A_20 = arith.constant 0 : index
    %get3A_21 = vector.load %arg3[%get3A_19, %get3A_20] : memref<128x128xf32, #tpu.memory_space<vmem>>, vector<128x128xf32>
    %dot_general3A = arith.constant dense<0.000000e+00> : vector<1280x128xf32>
    %dot_general3A_22 = tpu.matmul %max3A_18, %get3A_21, %dot_general3A {dimension_numbers = #tpu.dot_dimension_numbers<[1], [0], [0], [1], [0, 0, 1, 1], [], []>, transpose_lhs_hint = false} : vector<1280x128xf32>, vector<128x128xf32>, vector<1280x128xf32> -> vector<1280x128xf32>
    %mul3A_23 = arith.mulf %dot_general3A_22, %get3A_1 : vector<1280x128xf32>
    %swap3A = arith.constant 0 : index
    %swap3A_24 = arith.constant 0 : index
    %swap3A_25 = vector.load %arg4[%swap3A, %swap3A_24] : memref<1280x128xf32, #tpu.memory_space<vmem>>, vector<1280x128xf32>
    tpu.vector_store %arg4[%swap3A, %swap3A_24], %mul3A_23 {strides = array<i32>} : memref<1280x128xf32, #tpu.memory_space<vmem>>, vector<1280x128xf32>,
    return
  }
}

</mosaic_0001>

<sc_bundles>
// kernel: kernel.12.cloned.1.call-start
scs
__scs_entry_jumppad:
0x0: {  	(pc) =	sbr.rel $0x88, $3  }
0x1: {  	(tag) =	ssettag $0x0;
	lr =	simm.s32 $0x1  }
0x2: {  	[smem:$0x3F9B] =	sst lr;
	_ =	strace $0xD0000000  }
0x3: {  	_ = 	snop  }
0x4: {  	_ = 	snop  }
0x5: {  	_ = 	snop  }
0x6: {  	_ = 	snop  }
0x7: {  	_ = 	snop  }
__scs_overlays_trampoline_lowered:
0x8: {  	[smem:$0x3FAA] =	sst s0  }
0x9: {  	[smem:$0x3FAB] =	sst s1  }
0xa: {  	[smem:$0x3FAC] =	sst s2  }
0xb: {  	[smem:$0x3FAD] =	sst s3  }
0xc: {  	[smem:$0x3FAE] =	sst s4  }
0xd: {  	[smem:$0x3FAF] =	sst s5  }
0xe: {  	[smem:$0x3FB0] =	sst s6  }
0xf: {  	[smem:$0x3FB1] =	sst s7  }
0x10: {  	[smem:$0x3FB2] =	sst s8  }
0x11: {  	[smem:$0x3FB3] =	sst s9;
	s0 =	simm.s32 @!p0 $0x0  }
0x12: {  	s1 =	sld [smem:$0x3F99];
	s0 =	simm.s32 @p0 $0x1  }
0x13: {  	[smem:$0x3FB4] =	sst s0;
	s0 =	simm.s32 @!p1 $0x0  }
0x14: {  	s2 =	sld [smem:$0x3F98];
	s0 =	simm.s32 @p1 $0x1  }
0x15: {  	[smem:$0x3FB5] =	sst s0;
	s0 =	simm.s32 @!p2 $0x0  }
0x16: {  	s3 =	sld [smem:$0x3FDB];
	s0 =	simm.s32 @p2 $0x1  }
0x17: {  	s4 =	simm.s32 $0x1BF5;
	[smem:$0x3FB7] =	sst s0  }
0x18: {  	s0 =	sld [smem:$0x3F9A];
	_ =	swait.ge [sflag:s4], $0x0  }
0x19: {  	s7 =	sld [smem:$0x3F9B]  }
0x1a: {  	s8 =	sadd.s32 $0xFFFFE003, lr  }
0x1b: {  	s9 =	sadd.s32 $0xFFFFFEF7, lr;
	s5 =	simm.s32 $0xFFFFFFFF;
	p2 =	slt.u32 s8, $0xFFFFF086  }
0x1c: {  	p1 =	slt.u32 s9, $0xF7A;
	s5 =	simm.s32 @!p2 $0x0  }
0x1d: {  	s5 =	simm.s32 @p1 $0x1;
	p0 =	seq.s32 s7, s2  }
0x1e: {  	s7 =	smul.u32 @!p0 $0xF7A, s2;
	p2 =	seq.s32 @!p0 s5, $0x0  }
0x1f: {  	s9 =	smul.u32 $0xF7A, s1;
	s8 =	simm.s32 @!p0 $0x1BF5;
	p2 =	por !p2, p0  }
0x20: {  	[sflag:s8] =	ssyncset.s32 @!p0 $0xFFFFF086;
	s6 =	sadd.s32 @!p0 s3, s7;
	s7 =	simm.s32 @!p0 $0x108  }
0x21: {  	s3 =	sadd.s32 s3, s9;
	s6 =	sadd.s32 @!p0 $0x88, s6;
	s7 =	simm.s32 @p2 $0x1082  }
0x22: {  	[simem:s7], [sflag:s8] =	dma.local @!p0 [hbm:s6], $0xF7A  }
0x23: {  	s9 =	sor.u32 $0xD0000000, s2;
	s6 =	simm.s32 $0x108;
	_ =	swait.ge @!p0 [sflag:s8], $0x0  }
0x24: {  	s3 =	sadd.s32 $0x88, s3;
	s6 =	simm.s32 @!p1 $0x1082;
	[sflag:s4] =	ssyncset.s32 $0xFFFFF086  }
0x25: {  	[simem:s6], [sflag:s4] =	dma.local [hbm:s3], $0xF7A  }
0x26: {  	[smem:$0x3F9B] =	sst s1;
	(tag) =	ssettag s2;
	_ =	strace s9  }
0x27: {  	s1 =	sld [smem:$0x3FAB]  }
0x28: {  	s2 =	sld [smem:$0x3FAC]  }
0x29: {  	s4 =	sld [smem:$0x3FAE]  }
0x2a: {  	p0 =	seq.s32 s5, $0x0;
	s5 =	sld [smem:$0x3FAF]  }
0x2b: {  	s6 =	sld [smem:$0x3FB0]  }
0x2c: {  	s7 =	sld [smem:$0x3FB1]  }
0x2d: {  	s3 =	simm.s32 $0x108;
	s8 =	sld [smem:$0x3FB2]  }
0x2e: {  	s3 =	simm.s32 @!p0 $0x1082;
	s9 =	sld [smem:$0x3FB3]  }
0x2f: {  	lr =	sadd.s32 s0, s3;
	s0 =	sld [smem:$0x3FAA]  }
0x30: {  	s3 =	sld [smem:$0x3FAD]  }
0x31: {  	[smem:$0x3FB6] =	sst s10  }
0x32: {  	s10 =	sld [smem:$0x3FB4];
	_ =	sdelay $0x3  }
0x33: {  	p0 =	seq.s32 s10, $0x1;
	s10 =	sld [smem:$0x3FB6];
	_ =	sdelay $0x3  }
0x34: {  	[smem:$0x3FB6] =	sst s10  }
0x35: {  	s10 =	sld [smem:$0x3FB5];
	_ =	sdelay $0x3  }
0x36: {  	p1 =	seq.s32 s10, $0x1;
	s10 =	sld [smem:$0x3FB6];
	_ =	sdelay $0x3  }
0x37: {  	[smem:$0x3FB6] =	sst s10  }
0x38: {  	s10 =	sld [smem:$0x3FB7]  }
0x39: {  	_ = 	snop;
	(pc) =	sbr.ind lr, $3  }
0x3a: {  	_ = 	snop  }
0x3b: {  	_ = 	snop  }
0x3c: {  	p2 =	seq.s32 s10, $0x1;
	s10 =	sld [smem:$0x3FB6]  }
0x3d: {  	_ =	shalt  }
0x3e: {  	_ =	shalt  }
0x3f: {  	_ =	shalt  }
0x40: {  	_ =	shalt  }
0x41: {  	_ =	shalt  }
0x42: {  	_ =	shalt  }
0x43: {  	_ =	shalt  }
0x44: {  	_ =	shalt  }
0x45: {  	_ =	shalt  }
0x46: {  	_ =	shalt  }
0x47: {  	_ =	shalt  }
0x48: {  	_ =	shalt  }
0x49: {  	_ =	shalt  }
0x4a: {  	_ =	shalt  }
0x4b: {  	_ =	shalt  }
0x4c: {  	_ =	shalt  }
0x4d: {  	_ =	shalt  }
0x4e: {  	_ =	shalt  }
0x4f: {  	_ =	shalt  }
0x50: {  	_ =	shalt  }
0x51: {  	_ =	shalt  }
0x52: {  	_ =	shalt  }
0x53: {  	_ =	shalt  }
0x54: {  	_ =	shalt  }
0x55: {  	_ =	shalt  }
0x56: {  	_ =	shalt  }
0x57: {  	_ =	shalt  }
0x58: {  	_ =	shalt  }
0x59: {  	_ =	shalt  }
0x5a: {  	_ =	shalt  }
0x5b: {  	_ =	shalt  }
0x5c: {  	_ =	shalt  }
0x5d: {  	_ =	shalt  }
0x5e: {  	_ =	shalt  }
0x5f: {  	_ =	shalt  }
0x60: {  	_ =	shalt  }
0x61: {  	_ =	shalt  }
0x62: {  	_ =	shalt  }
0x63: {  	_ =	shalt  }
0x64: {  	_ =	shalt  }
0x65: {  	_ =	shalt  }
0x66: {  	_ =	shalt  }
0x67: {  	_ =	shalt  }
0x68: {  	_ =	shalt  }
0x69: {  	_ =	shalt  }
0x6a: {  	_ =	shalt  }
0x6b: {  	_ =	shalt  }
0x6c: {  	_ =	shalt  }
0x6d: {  	_ =	shalt  }
0x6e: {  	_ =	shalt  }
0x6f: {  	_ =	shalt  }
0x70: {  	_ =	shalt  }
0x71: {  	_ =	shalt  }
0x72: {  	_ =	shalt  }
0x73: {  	_ =	shalt  }
0x74: {  	_ =	shalt  }
0x75: {  	_ =	shalt  }
0x76: {  	_ =	shalt  }
0x77: {  	_ =	shalt  }
0x78: {  	_ =	shalt  }
0x79: {  	_ =	shalt  }
0x7a: {  	_ =	shalt  }
0x7b: {  	_ =	shalt  }
0x7c: {  	_ =	shalt  }
0x7d: {  	_ =	shalt  }
0x7e: {  	_ =	shalt  }
0x7f: {  	_ =	shalt  }
0x80: {  	_ =	shalt  }
0x81: {  	_ =	shalt  }
0x82: {  	_ =	shalt  }
0x83: {  	_ =	shalt  }
0x84: {  	_ =	shalt  }
0x85: {  	_ =	shalt  }
0x86: {  	_ =	shalt  }
0x87: {  	_ =	shalt  }
.Lfunc_end0:
.L_simem_size_0:
called_computation.1_lowered:
.L_overlay_start_0:
0x88: {  	s2 =	sld [smem:$0x3FD9]  }
0x89: {  	s3 =	sld [smem:$0x3FFE];
	_ =	sdelay $0x1  }
0x8a: {  	s1 =	srdreg.scid  }
0x8b: {  	s0 =	sand.u32 $0x1, s1  }
0x8c: {  	s16 =	sshll.u32 s0, $0xA;
	s2 =	sadd.s32 s3, s2  }
0x8d: {  	s2 =	sadd.s32 s2, s16  }
0x8e: {  	[smem:$0x3FC2] =	sst s2  }
0x8f: {  	_ = 	snop  }
0x90: {  	(tm) =	ssettm $0x1  }
0x91: {  	s17 =	sld [smem:$0x3FFB];
	_ =	sdelay $0x3  }
0x92: {  	_ =	strace s17  }
0x93: {  	s2 =	sld [smem:$0x3FFC];
	_ =	sdelay $0x3  }
0x94: {  	_ =	strace s2  }
0x95: {  	s2 =	sld [smem:$0x3FFD];
	_ =	sdelay $0x3  }
0x96: {  	_ =	strace s2  }
0x97: {  	_ =	strace $0x8FFFFFFF  }
0x98: {  	s18 =	sld [smem:$0x3FDB];
	_ =	sdelay $0x1  }
0x99: {  	s19 =	simm.s32 $_scs_section_size  }
0x9a: {  	s4 =	simm.s32 $_size__tile_overlayer_lowered;
	s5 =	simm.s32 $_tile_overlayer_lowered  }
0x9b: {  	s22 =	simm.s32 $0x1BFF;
	s21 =	sshll.u32 s5, $0x1;
	s2 =	sadd.s32 s19, s18  }
0x9c: {  	s6 =	simm.s32 $0x0;
	s20 =	sshll.u32 s4, $0x1;
	s4 =	sadd.s32 s21, s2  }
0x9d: {  	[timem:s6], [sflag:s22] =	dma.local [hbm:s4], s20  }
0x9e: {  	_ =	swait.ge [sflag:s22], s20  }
0x9f: {  	s3 =	ssub.s32 $0x0, s20;
	[sflag:s22] =	ssyncset.done $0x0  }
0xa0: {  	[sflag:s22] =	ssyncadd.s32 s3;
	_ =	sdelay $0x1  }
0xa1: {  	s23 =	simm.s32 $0x1B8B  }
0xa2: {  	_ =	swait.ge [sflag:s23], $0x1  }
0xa3: {  	[sflag:s23] =	ssyncset.done $0x0  }
0xa4: {  	s25 =	simm.s32 $0x1B8E;
	s24 =	sld [smem:$0x3FFE];
	[sflag:s23] =	ssyncadd.s32 $0xFFFFFFFF  }
0xa5: {  	s26 =	simm.s32 $execute0_lowered;
	[smem:$0x3FD2] =	sst s25  }
0xa6: {  	s4 =	sshll.u32 s26, $0x1;
	_ =	strace $0x80000049;
	[dreg:$0x1] =	wrdreg $0xFFFFFFFF  }
0xa7: {  	s28 =	simm.s32 $_size_execute0_lowered;
	s2 =	sadd.s32 s2, s4;
	[dreg:$0x0] =	wrdreg $0x0  }
0xa8: {  	s4 =	sshll.u32 s28, $0x1;
	[dreg:$0x2] =	wrdreg s2  }
0xa9: {  	[dreg:$0x3] =	wrdreg s4  }
0xaa: {  	[dreg:$0x4] =	wrdreg $0xC0  }
0xab: {  	_ =	task [dreg:s6], $0x5FFFF  }
0xac: {  	[dreg:$0x1] =	wrdreg $0xFFFFFFFF  }
0xad: {  	[dreg:$0x0] =	wrdreg $0x60  }
0xae: {  	[dreg:$0x2] =	wrdreg s24  }
0xaf: {  	[dreg:$0x3] =	wrdreg $0xE7400  }
0xb0: {  	[dreg:$0x4] =	wrdreg $0xBF400  }
0xb1: {  	[dreg:$0x5] =	wrdreg $0x9  }
0xb2: {  	_ =	task.clear_ibuf [dreg:s6], $0x6FFFF;
	_ =	strace $0x90000049  }
0xb3: {  	s29 =	simm.s32 $0x9;
	_ =	strace $0x8000004B  }
0xb4: {  	_ =	swait.ge [sflag:s29], $0x1  }
0xb5: {  	[sflag:s29] =	ssyncadd.s32 $0xFFFFFFFF  }
0xb6: {  	_ =	strace $0x9000004B  }
0xb7: {  	_ =	sfence  }
0xb8: {  	s30 =	sld [smem:$0x0];
	_ =	sdelay $0x2  }
0xb9: {  	s31 =	sshll.u32 s1, $0xD;
	s1 =	sshrl.u32 s1, $0x2  }
0xba: {  	s3 =	sand.u32 $0x4000, s31;
	s1 =	sadd.s32 s1, s30  }
0xbb: {  	s0 =	sor.u32 s3, s0;
	s1 =	sshll.u32 s1, $0x11  }
0xbc: {  	s0 =	sor.u32 s1, s0  }
0xbd: {  	s0 =	sadd.s32 $0x8F2B, s0  }
0xbe: {  	[sflag:s0] =	ssyncadd.remote.s32 $0x1  }
0xbf: {  	_ =	sfence.sel $0xFFFF  }
0xc0: {  	[dreg:$0x0] =	wrdreg $0xFFFFFFFF;
	(pc) =	sbr.abs _section_cstart, $3  }
0xc1: {  	[dreg:$0x1] =	wrdreg $0xFFFFFFFF  }
0xc2: {  	_ =	task.clear_ibuf [dreg:s6], $0x2FFFF;
	_ =	strace $0x9FFFFFFF  }
0xc3: {  	(tm) =	ssettm $0x7FFFFFFF  }
tec
execute0_lowered:
.L_overlay_start_1:
0x0: {  	(tag) =	ssettag $0x1  }
0x1: {  	s0 =	rddreg [dreg:$0x0]  }
0x2: {  	s2 =	rddreg [dreg:$0x1]  }
0x3: {  	s1 =	srdreg.scid;
	s3 =	rddreg [dreg:$0x2]  }
0x4: {  	s6 =	stileid.u32;
	s4 =	simm.s32 $0x0;
	s12 =	simm.s32 $0x6F40  }
0x5: {  	s13 =	simm.s32 $0x9;
	s15 =	simm.s32 $0x9740;
	s16 =	simm.s32 $0x7D  }
0x6: {  	s17 =	simm.s32 $0x5000;
	s19 =	simm.s32 $0x57D0;
	s21 =	simm.s32 $0x5FA0  }
0x7: {  	s23 =	simm.s32 $0x6770;
	s24 =	simm.s32 $0x1;
	s28 =	simm.s32 $0x6  }
0x8: {  	s29 =	simm.s32 $0x3;
	s30 =	simm.s32 $0x7;
	s31 =	simm.s32 $0x4  }
0x9: {  	s20 =	simm.s32 $0x4F80;
	s22 =	simm.s32 $0x0;
	s1 =	sand.u32 $0x1, s1  }
0xa: {  	s9 =	smul.u32 $0x2800, s6;
	[smem:$0x7FF] =	sst s4;
	s5 =	sshll.u32 s1, $0x4  }
0xb: {  	s25 =	smul.u32 $0x28000, s1;
	_ =	strace $0x8000004A;
	s1 =	ssub.s32 $0x2, s1  }
0xc: {  	s5 =	sor.u32 s6, s5;
	s7 =	sshrl.u32 s9, $0x3;
	s26 =	sshrl.u32 s1, $0x1  }
0xd: {  	s5 =	smul.u32 $0x2800, s5;
	s7 =	sadd.s32 s7, s0;
	s6 =	sadd.s32 s9, s25  }
0xe: {  	s1 =	ssub.s32 s1, s26;
	s25 =	simm.s32 $0x5;
	s26 =	simm.s32 $0x2  }
0xf: {  	s6 =	sshrl.u32 s6, $0x3;
	s11 =	smax.u32 s1, $0x1;
	s5 =	sshrl.u32 s5, $0x3  }
0x10: {  	s8 =	sadd.s32 s5, s0;
	s0 =	sadd.s32 s6, s0;
	s5 =	sadd.s32 $0x16400, s7  }
0x11: {  	s6 =	sadd.s32 $0x2400, s8;
	s7 =	sadd.s32 $0xC400, s8;
	s8 =	sadd.s32 s9, s2  }
0x12: {  	v0 =	vimm.f32 $0.0e+00;
	s9 =	sadd.s32 s9, s3;
	s10 =	sadd.s32 $0x1B400, s0;
	s0 =	simm.s32 $0x8  }
.LBB2_1:
0x13: {  	[tilespmem:s12], [sflag:$0x9] =	stream.linear.gather [hbm4b:s5+s4], $0x2800, $0x38;
	[tilespmem:$0x10F40] =	vst v63  }
0x14: {  	_ =	swait.ge [sflag:s13], $0x2800  }
0x15: {  	[sflag:s13] =	ssyncset.done $0x0  }
0x16: {  	[sflag:s13] =	ssyncadd.s32 $0xFFFFD800  }
0x17: {  	[tilespmem:s4], [sflag:$0x9] =	stream.linear.gather [hbm4b:s6+s4], $0x2800, $0x38;
	[tilespmem:$0x10F40] =	vst v63  }
0x18: {  	_ =	swait.ge [sflag:s13], $0x2800  }
0x19: {  	[sflag:s13] =	ssyncset.done $0x0  }
0x1a: {  	s1 =	simm.s32 $0x2800;
	[sflag:s13] =	ssyncadd.s32 $0xFFFFD800  }
0x1b: {  	[tilespmem:s1], [sflag:$0x9] =	stream.linear.gather [hbm4b:s7+s4], $0x2800, $0x38;
	[tilespmem:$0x10F40] =	vst v63  }
0x1c: {  	_ =	swait.ge [sflag:s13], $0x2800  }
0x1d: {  	[sflag:s13] =	ssyncset.done $0x0  }
0x1e: {  	s1 =	simm.s32 $0x0;
	[sflag:s13] =	ssyncadd.s32 $0xFFFFD800  }
0x1f: {  	v4 =	vld [tilespmem:s1+$0x6FB0]  }
0x20: {  	v5 =	vld [tilespmem:s1+$0x6F40]  }
0x21: {  	v6 =	vld [tilespmem:s1+$0x6F50]  }
0x22: {  	v3 =	vld [tilespmem:s1+$0x6F60]  }
0x23: {  	v1 =	vld [tilespmem:s1+$0x6F70]  }
0x24: {  	v2 =	vld [tilespmem:s1+$0x6F80];
	[tilespmem:s1+$0x97B0] =	vst v4  }
0x25: {  	[tilespmem:s1+$0x9740] =	vst v5;
	v4 =	vld [tilespmem:s1+$0x6F90]  }
0x26: {  	s14 =	simm.s32 $0x80;
	s18 =	simm.s32 $0x400;
	[tilespmem:s1+$0x9750] =	vst v6;
	v5 =	vld [tilespmem:s1+$0x6FA0]  }
.LBB2_2:
0x27: {  	p0 =	sne.s32 s18, $0x9E00;
	v6 =	vld [tilespmem:s14+$0x6FB0];
	[tilespmem:s1+$0x9760] =	vst v3  }
0x28: {  	v7 =	vld [tilespmem:s14+$0x6F40];
	[tilespmem:s1+$0x9770] =	vst v1  }
0x29: {  	v8 =	vld [tilespmem:s14+$0x6F50];
	[tilespmem:s1+$0x9780] =	vst v2  }
.Ltmp0:
0x2a: {  	v3 =	vld [tilespmem:s14+$0x6F60];
	[tilespmem:s1+$0x9790] =	vst v4;
	(pc) =	sbr.rel @p0 .LBB2_2-.Ltmp0, $4  }
0x2b: {  	v1 =	vld [tilespmem:s14+$0x6F70];
	[tilespmem:s1+$0x97A0] =	vst v5;
	s1 =	smov.u32 s14  }
0x2c: {  	v2 =	vld [tilespmem:s1+$0x6F80];
	[tilespmem:s1+$0x97B0] =	vst v6  }
0x2d: {  	[tilespmem:s1+$0x9740] =	vst v7;
	v4 =	vld [tilespmem:s1+$0x6F90]  }
0x2e: {  	s14 =	sshra.s32 s18, $0x2;
	s18 =	sadd.s32 $0x200, s18;
	[tilespmem:s1+$0x9750] =	vst v8;
	v5 =	vld [tilespmem:s1+$0x6FA0]  }
0x2f: {  	v6 =	vld [tilespmem:s14+$0x6FB0];
	[tilespmem:s1+$0x9760] =	vst v3  }
0x30: {  	v3 =	vld [tilespmem:s14+$0x6F40];
	[tilespmem:s1+$0x9770] =	vst v1  }
0x31: {  	v1 =	vld [tilespmem:s14+$0x6F50];
	[tilespmem:s1+$0x9780] =	vst v2  }
0x32: {  	v2 =	vld [tilespmem:s14+$0x6F60];
	[tilespmem:s1+$0x9790] =	vst v4  }
0x33: {  	v4 =	vld [tilespmem:s14+$0x6F70];
	[tilespmem:s1+$0x97A0] =	vst v5  }
0x34: {  	v5 =	vld [tilespmem:s14+$0x6F80];
	[tilespmem:s14+$0x97B0] =	vst v6  }
0x35: {  	[tilespmem:s14+$0x9740] =	vst v3;
	v3 =	vld [tilespmem:s14+$0x6F90]  }
0x36: {  	[tilespmem:s14+$0x9750] =	vst v1;
	v1 =	vld [tilespmem:s14+$0x6FA0]  }
0x37: {  	[tilespmem:s14+$0x9760] =	vst v2  }
0x38: {  	[tilespmem:s14+$0x9770] =	vst v4  }
0x39: {  	[tilespmem:s14+$0x9780] =	vst v5  }
0x3a: {  	[tilespmem:s14+$0x9790] =	vst v3  }
0x3b: {  	[tilespmem:s14+$0x97A0] =	vst v1  }
0x3c: {  	[spmem:s8] =	stream.linear.scatter [tilespmem:s15], [sflag:$0x9], $0x2800, $0x38;
	[tilespmem:$0x10F40] =	vst v63  }
0x3d: {  	_ =	swait.ge [sflag:s13], $0x2800  }
0x3e: {  	[sflag:s13] =	ssyncset.done $0x0  }
0x3f: {  	s1 =	simm.s32 $0x40;
	s14 =	simm.s32 $0x0;
	[sflag:s13] =	ssyncadd.s32 $0xFFFFD800  }
.LBB2_4:
0x40: {  	p0 =	sne.s32 s1, $0x9FC0;
	[tilespmem:s14+$0x9740] =	vst v0;
	s14 =	smov.u32 s1;
	s1 =	sadd.s32 $0x40, s1  }
.Ltmp1:
0x41: {  	(pc) =	sbr.rel @p0 .LBB2_4-.Ltmp1, $2  }
0x42: {  	_ =	sdelay $0x2  }
0x43: {  	s14 =	sshra.s32 s14, $0x2  }
0x44: {  	[tilespmem:s14+$0x9740] =	vst v0  }
0x45: {  	[spmem:s9] =	stream.linear.scatter [tilespmem:s15], [sflag:$0x9], $0x2800, $0x38;
	[tilespmem:$0x10F40] =	vst v63  }
0x46: {  	_ =	swait.ge [sflag:s13], $0x2800  }
0x47: {  	[sflag:s13] =	ssyncset.done $0x0  }
0x48: {  	[sflag:s13] =	ssyncadd.s32 $0xFFFFD800  }
0x49: {  	s1 =	simm.s32 $0x0;
	[bflag:$0x0] =	sbarrier.arrive $0xFFFF  }
0x4a: {  	[tilespmem:s17], [sflag:$0x1] =	stream.indirect.gather [spmem:s2], $0x10, s1, s16, $0xb8;
	[tilespmem:$0x10F40] =	vst v63  }
0x4b: {  	s14 =	simm.s32 $0x80  }
0x4c: {  	[tilespmem:s19], [sflag:$0x2] =	stream.indirect.gather [spmem:s2], $0x10, s14, s16, $0xb8;
	[tilespmem:$0x10F40] =	vst v63  }
0x4d: {  	s18 =	simm.s32 $0x100  }
0x4e: {  	[tilespmem:s21], [sflag:$0x3] =	stream.indirect.gather [spmem:s2], $0x10, s18, s16, $0xb8;
	[tilespmem:$0x10F40] =	vst v63  }
0x4f: {  	s14 =	simm.s32 $0x180  }
0x50: {  	[tilespmem:s23], [sflag:$0x4] =	stream.indirect.gather [spmem:s2], $0x10, s14, s16, $0xb8;
	[tilespmem:$0x10F40] =	vst v63  }
0x51: {  	_ =	swait.ge [sflag:s24], $0x7D0  }
0x52: {  	[sflag:s24] =	ssyncset.done $0x0  }
0x53: {  	s18 =	simm.s32 $0x2800;
	[sflag:s24] =	ssyncadd.s32 $0xFFFFF830  }
0x54: {  	[spmem:s3] =	stream.indirect.scatter.add.f32 [tilespmem:s17], [sflag:$0x5], $0x10, s18, s16, $0xb8;
	[tilespmem:$0x10F40] =	vst v63  }
0x55: {  	_ =	swait.ge [sflag:s25], $0x7D0  }
0x56: {  	[sflag:s25] =	ssyncset.done $0x0  }
0x57: {  	s14 =	simm.s32 $0x200;
	[sflag:s25] =	ssyncadd.s32 $0xFFFFF830  }
0x58: {  	[tilespmem:s17], [sflag:$0x1] =	stream.indirect.gather [spmem:s2], $0x10, s14, s16, $0xb8;
	[tilespmem:$0x10F40] =	vst v63  }
0x59: {  	_ =	swait.ge [sflag:s26], $0x7D0  }
0x5a: {  	[sflag:s26] =	ssyncset.done $0x0  }
0x5b: {  	s18 =	simm.s32 $0x2880;
	[sflag:s26] =	ssyncadd.s32 $0xFFFFF830  }
0x5c: {  	[spmem:s3] =	stream.indirect.scatter.add.f32 [tilespmem:s19], [sflag:$0x6], $0x10, s18, s16, $0xb8;
	[tilespmem:$0x10F40] =	vst v63  }
0x5d: {  	_ =	swait.ge [sflag:s28], $0x7D0  }
0x5e: {  	[sflag:s28] =	ssyncset.done $0x0  }
0x5f: {  	s14 =	simm.s32 $0x280;
	[sflag:s28] =	ssyncadd.s32 $0xFFFFF830  }
0x60: {  	[tilespmem:s19], [sflag:$0x2] =	stream.indirect.gather [spmem:s2], $0x10, s14, s16, $0xb8;
	[tilespmem:$0x10F40] =	vst v63  }
0x61: {  	_ =	swait.ge [sflag:s29], $0x7D0  }
0x62: {  	[sflag:s29] =	ssyncset.done $0x0  }
0x63: {  	s18 =	simm.s32 $0x2900;
	[sflag:s29] =	ssyncadd.s32 $0xFFFFF830  }
0x64: {  	[spmem:s3] =	stream.indirect.scatter.add.f32 [tilespmem:s21], [sflag:$0x7], $0x10, s18, s16, $0xb8;
	[tilespmem:$0x10F40] =	vst v63  }
0x65: {  	_ =	swait.ge [sflag:s30], $0x7D0  }
0x66: {  	[sflag:s30] =	ssyncset.done $0x0  }
0x67: {  	s14 =	simm.s32 $0x300;
	[sflag:s30] =	ssyncadd.s32 $0xFFFFF830  }
0x68: {  	[tilespmem:s21], [sflag:$0x3] =	stream.indirect.gather [spmem:s2], $0x10, s14, s16, $0xb8;
	[tilespmem:$0x10F40] =	vst v63  }
0x69: {  	_ =	swait.ge [sflag:s31], $0x7D0  }
0x6a: {  	[sflag:s31] =	ssyncset.done $0x0  }
0x6b: {  	s18 =	simm.s32 $0x2980;
	[sflag:s31] =	ssyncadd.s32 $0xFFFFF830  }
0x6c: {  	[spmem:s3] =	stream.indirect.scatter.add.f32 [tilespmem:s23], [sflag:$0x8], $0x10, s18, s16, $0xb8;
	[tilespmem:$0x10F40] =	vst v63  }
0x6d: {  	_ =	swait.ge [sflag:s0], $0x7D0  }
0x6e: {  	[sflag:s0] =	ssyncset.done $0x0  }
0x6f: {  	s1 =	simm.s32 $0x800;
	s14 =	simm.s32 $0x380;
	[sflag:s0] =	ssyncadd.s32 $0xFFFFF830  }
.LBB2_6:
0x70: {  	[tilespmem:s23], [sflag:$0x4] =	stream.indirect.gather [spmem:s2], $0x10, s14, s16, $0xb8;
	[tilespmem:$0x10F40] =	vst v63  }
0x71: {  	s14 =	smov.u32 s1  }
0x72: {  	p0 =	sne.s32 s1, $0x9000;
	s1 =	sadd.s32 $0x800, s1;
	_ =	swait.ge [sflag:s24], $0x7D0  }
0x73: {  	s14 =	sshra.s32 s14, $0x2;
	[sflag:s24] =	ssyncset.done $0x0  }
0x74: {  	s18 =	sadd.s32 $0x2800, s14;
	[sflag:s24] =	ssyncadd.s32 $0xFFFFF830  }
0x75: {  	[spmem:s3] =	stream.indirect.scatter.add.f32 [tilespmem:s17], [sflag:$0x5], $0x10, s18, s16, $0xb8;
	[tilespmem:$0x10F40] =	vst v63  }
0x76: {  	_ =	swait.ge [sflag:s25], $0x7D0  }
0x77: {  	[sflag:s25] =	ssyncset.done $0x0  }
0x78: {  	s18 =	sadd.s32 $0x200, s14;
	[sflag:s25] =	ssyncadd.s32 $0xFFFFF830  }
0x79: {  	[tilespmem:s17], [sflag:$0x1] =	stream.indirect.gather [spmem:s2], $0x10, s18, s16, $0xb8;
	[tilespmem:$0x10F40] =	vst v63  }
0x7a: {  	_ =	swait.ge [sflag:s26], $0x7D0  }
0x7b: {  	[sflag:s26] =	ssyncset.done $0x0  }
0x7c: {  	s18 =	sadd.s32 $0x2880, s14;
	[sflag:s26] =	ssyncadd.s32 $0xFFFFF830  }
0x7d: {  	[spmem:s3] =	stream.indirect.scatter.add.f32 [tilespmem:s19], [sflag:$0x6], $0x10, s18, s16, $0xb8;
	[tilespmem:$0x10F40] =	vst v63  }
0x7e: {  	_ =	swait.ge [sflag:s28], $0x7D0  }
0x7f: {  	[sflag:s28] =	ssyncset.done $0x0  }
0x80: {  	s18 =	sadd.s32 $0x280, s14;
	[sflag:s28] =	ssyncadd.s32 $0xFFFFF830  }
0x81: {  	[tilespmem:s19], [sflag:$0x2] =	stream.indirect.gather [spmem:s2], $0x10, s18, s16, $0xb8;
	[tilespmem:$0x10F40] =	vst v63  }
0x82: {  	_ =	swait.ge [sflag:s29], $0x7D0  }
0x83: {  	[sflag:s29] =	ssyncset.done $0x0  }
0x84: {  	s18 =	sadd.s32 $0x2900, s14;
	[sflag:s29] =	ssyncadd.s32 $0xFFFFF830  }
0x85: {  	[spmem:s3] =	stream.indirect.scatter.add.f32 [tilespmem:s21], [sflag:$0x7], $0x10, s18, s16, $0xb8;
	[tilespmem:$0x10F40] =	vst v63  }
0x86: {  	_ =	swait.ge [sflag:s30], $0x7D0  }
0x87: {  	[sflag:s30] =	ssyncset.done $0x0  }
0x88: {  	s18 =	sadd.s32 $0x300, s14;
	[sflag:s30] =	ssyncadd.s32 $0xFFFFF830  }
0x89: {  	[tilespmem:s21], [sflag:$0x3] =	stream.indirect.gather [spmem:s2], $0x10, s18, s16, $0xb8;
	[tilespmem:$0x10F40] =	vst v63  }
0x8a: {  	_ =	swait.ge [sflag:s31], $0x7D0  }
0x8b: {  	[sflag:s31] =	ssyncset.done $0x0  }
.Ltmp2:
0x8c: {  	s18 =	sadd.s32 $0x2980, s14;
	[sflag:s31] =	ssyncadd.s32 $0xFFFFF830;
	(pc) =	sbr.rel @p0 .LBB2_6-.Ltmp2, $4  }
0x8d: {  	[spmem:s3] =	stream.indirect.scatter.add.f32 [tilespmem:s23], [sflag:$0x8], $0x10, s18, s16, $0xb8;
	[tilespmem:$0x10F40] =	vst v63  }
0x8e: {  	_ =	swait.ge [sflag:s0], $0x7D0  }
0x8f: {  	[sflag:s0] =	ssyncset.done $0x0  }
0x90: {  	s14 =	sadd.s32 $0x380, s14;
	[sflag:s0] =	ssyncadd.s32 $0xFFFFF830  }
0x91: {  	[tilespmem:s23], [sflag:$0x4] =	stream.indirect.gather [spmem:s2], $0x10, s14, s16, $0xb8;
	[tilespmem:$0x10F40] =	vst v63  }
0x92: {  	_ =	swait.ge [sflag:s24], $0x7D0  }
0x93: {  	[sflag:s24] =	ssyncset.done $0x0  }
0x94: {  	s1 =	simm.s32 $0x4E00;
	[sflag:s24] =	ssyncadd.s32 $0xFFFFF830  }
0x95: {  	[spmem:s3] =	stream.indirect.scatter.add.f32 [tilespmem:s17], [sflag:$0x5], $0x10, s1, s16, $0xb8;
	[tilespmem:$0x10F40] =	vst v63  }
0x96: {  	_ =	swait.ge [sflag:s25], $0x7D0  }
0x97: {  	[sflag:s25] =	ssyncset.done $0x0  }
0x98: {  	[sflag:s25] =	ssyncadd.s32 $0xFFFFF830  }
0x99: {  	_ =	swait.ge [sflag:s26], $0x7D0  }
0x9a: {  	[sflag:s26] =	ssyncset.done $0x0  }
0x9b: {  	s14 =	simm.s32 $0x4E80;
	[sflag:s26] =	ssyncadd.s32 $0xFFFFF830  }
0x9c: {  	[spmem:s3] =	stream.indirect.scatter.add.f32 [tilespmem:s19], [sflag:$0x6], $0x10, s14, s16, $0xb8;
	[tilespmem:$0x10F40] =	vst v63  }
0x9d: {  	_ =	swait.ge [sflag:s28], $0x7D0  }
0x9e: {  	[sflag:s28] =	ssyncset.done $0x0  }
0x9f: {  	[sflag:s28] =	ssyncadd.s32 $0xFFFFF830  }
0xa0: {  	_ =	swait.ge [sflag:s29], $0x7D0  }
0xa1: {  	[sflag:s29] =	ssyncset.done $0x0  }
0xa2: {  	s18 =	simm.s32 $0x4F00;
	[sflag:s29] =	ssyncadd.s32 $0xFFFFF830  }
0xa3: {  	[spmem:s3] =	stream.indirect.scatter.add.f32 [tilespmem:s21], [sflag:$0x7], $0x10, s18, s16, $0xb8;
	[tilespmem:$0x10F40] =	vst v63  }
0xa4: {  	_ =	swait.ge [sflag:s30], $0x7D0  }
0xa5: {  	[sflag:s30] =	ssyncset.done $0x0  }
0xa6: {  	[sflag:s30] =	ssyncadd.s32 $0xFFFFF830  }
0xa7: {  	_ =	swait.ge [sflag:s31], $0x7D0  }
0xa8: {  	[sflag:s31] =	ssyncset.done $0x0  }
0xa9: {  	[sflag:s31] =	ssyncadd.s32 $0xFFFFF830  }
0xaa: {  	[spmem:s3] =	stream.indirect.scatter.add.f32 [tilespmem:s23], [sflag:$0x8], $0x10, s20, s16, $0xb8;
	[tilespmem:$0x10F40] =	vst v63  }
0xab: {  	_ =	swait.ge [sflag:s0], $0x7D0  }
0xac: {  	[sflag:s0] =	ssyncset.done $0x0  }
0xad: {  	[sflag:s0] =	ssyncadd.s32 $0xFFFFF830  }
0xae: {  	[bflag:$0x0] =	sbarrier.arrive $0xFFFF  }
0xaf: {  	[tilespmem:s15], [sflag:$0x9] =	stream.linear.gather [spmem:s9], $0x2800, $0x38;
	[tilespmem:$0x10F40] =	vst v63  }
0xb0: {  	_ =	swait.ge [sflag:s13], $0x2800  }
0xb1: {  	[sflag:s13] =	ssyncset.done $0x0  }
0xb2: {  	s1 =	simm.s32 $0x0;
	[sflag:s13] =	ssyncadd.s32 $0xFFFFD800  }
0xb3: {  	v4 =	vld [tilespmem:s1+$0x97B0]  }
0xb4: {  	v5 =	vld [tilespmem:s1+$0x9740]  }
0xb5: {  	v6 =	vld [tilespmem:s1+$0x9750]  }
0xb6: {  	v3 =	vld [tilespmem:s1+$0x9760]  }
0xb7: {  	v1 =	vld [tilespmem:s1+$0x9770]  }
0xb8: {  	v2 =	vld [tilespmem:s1+$0x9780];
	[tilespmem:s1+$0x6FB0] =	vst v4  }
0xb9: {  	[tilespmem:s1+$0x6F40] =	vst v5;
	v4 =	vld [tilespmem:s1+$0x9790]  }
0xba: {  	s14 =	simm.s32 $0x80;
	s18 =	simm.s32 $0x400;
	[tilespmem:s1+$0x6F50] =	vst v6;
	v5 =	vld [tilespmem:s1+$0x97A0]  }
.LBB2_8:
0xbb: {  	p0 =	sne.s32 s18, $0x9E00;
	v6 =	vld [tilespmem:s14+$0x97B0];
	[tilespmem:s1+$0x6F60] =	vst v3  }
0xbc: {  	v7 =	vld [tilespmem:s14+$0x9740];
	[tilespmem:s1+$0x6F70] =	vst v1  }
0xbd: {  	v8 =	vld [tilespmem:s14+$0x9750];
	[tilespmem:s1+$0x6F80] =	vst v2  }
.Ltmp3:
0xbe: {  	v3 =	vld [tilespmem:s14+$0x9760];
	[tilespmem:s1+$0x6F90] =	vst v4;
	(pc) =	sbr.rel @p0 .LBB2_8-.Ltmp3, $4  }
0xbf: {  	v1 =	vld [tilespmem:s14+$0x9770];
	[tilespmem:s1+$0x6FA0] =	vst v5;
	s1 =	smov.u32 s14  }
0xc0: {  	v2 =	vld [tilespmem:s1+$0x9780];
	[tilespmem:s1+$0x6FB0] =	vst v6  }
0xc1: {  	[tilespmem:s1+$0x6F40] =	vst v7;
	v4 =	vld [tilespmem:s1+$0x9790]  }
0xc2: {  	s14 =	sshra.s32 s18, $0x2;
	s18 =	sadd.s32 $0x200, s18;
	[tilespmem:s1+$0x6F50] =	vst v8;
	v5 =	vld [tilespmem:s1+$0x97A0]  }
0xc3: {  	v6 =	vld [tilespmem:s14+$0x97B0];
	[tilespmem:s1+$0x6F60] =	vst v3  }
0xc4: {  	v3 =	vld [tilespmem:s14+$0x9740];
	[tilespmem:s1+$0x6F70] =	vst v1  }
0xc5: {  	v1 =	vld [tilespmem:s14+$0x9750];
	[tilespmem:s1+$0x6F80] =	vst v2  }
0xc6: {  	v2 =	vld [tilespmem:s14+$0x9760];
	[tilespmem:s1+$0x6F90] =	vst v4  }
0xc7: {  	v4 =	vld [tilespmem:s14+$0x9770];
	[tilespmem:s1+$0x6FA0] =	vst v5  }
0xc8: {  	v5 =	vld [tilespmem:s14+$0x9780];
	[tilespmem:s14+$0x6FB0] =	vst v6  }
0xc9: {  	[tilespmem:s14+$0x6F40] =	vst v3;
	v3 =	vld [tilespmem:s14+$0x9790]  }
0xca: {  	[tilespmem:s14+$0x6F50] =	vst v1;
	v1 =	vld [tilespmem:s14+$0x97A0]  }
0xcb: {  	[tilespmem:s14+$0x6F60] =	vst v2  }
0xcc: {  	[tilespmem:s14+$0x6F70] =	vst v4  }
0xcd: {  	s22 =	sadd.s32 $0x1, s22;
	[tilespmem:s14+$0x6F80] =	vst v5  }
0xce: {  	p0 =	sne.s32 s22, s11;
	[tilespmem:s14+$0x6F90] =	vst v3  }
.Ltmp4:
0xcf: {  	[tilespmem:s14+$0x6FA0] =	vst v1;
	(pc) =	sbr.rel @p0 .LBB2_1-.Ltmp4, $4  }
0xd0: {  	[hbm4b:s10+s4] =	stream.linear.scatter [tilespmem:s12], [sflag:$0x9], $0x2800, $0x38;
	[tilespmem:$0x10F40] =	vst v63  }
0xd1: {  	_ =	swait.ge [sflag:s13], $0x2800  }
0xd2: {  	[sflag:s13] =	ssyncset.done $0x0  }
0xd3: {  	[sflag:s13] =	ssyncadd.s32 $0xFFFFD800  }
0xd4: {  	_ =	sfence.sel $0x180000  }
0xd5: {  	[bflag:$0x0] =	sbarrier.arrive $0xFFFF  }
0xd6: {  	_ =	strace $0x9000004A  }
0xd7: {  	s0 =	stileid.u32;
	[bflag:$0x2] =	sbarrier.arrive $0xFFFF  }
0xd8: {  	p0 =	sne.s32 s0, $0x0;
	s0 =	rddreg [dreg:$0x3]  }
0xd9: {  	s0 =	sadd.s32 @!p0 $0x100000, s0  }
0xda: {  	[sflag:s0] =	ssyncadd.tile.s32 @!p0 $0x1;
	_ =	shalt  }
.Lfunc_end2:
_tile_overlayer_lowered:
.L_overlay_start_2:
0xdb: {  	(tag) =	ssettag $0x2  }
0xdc: {  	s0 =	rddreg [dreg:$0x0];
	s2 =	stileid.u32  }
0xdd: {  	s1 =	rddreg [dreg:$0x1];
	p0 =	sne.s32 s2, $0x0  }
0xde: {  	s3 =	rddreg [dreg:$0x2];
	[bflag:$0x3] =	sbarrier.arrive $0xFFFF;
	s2 =	simm.s32 @!p0 $0x1C09  }
0xdf: {  	[timem:s3], [sflag:s2] =	dma.local @!p0 [hbm:s0], s1  }
0xe0: {  	s0 =	simm.s32 @!p0 $0x9  }
0xe1: {  	_ =	swait.ge @!p0 [sflag:s0], s1  }
0xe2: {  	s1 =	ssub.s32 @!p0 $0x0, s1;
	[sflag:s0] =	ssyncset.done @!p0 $0x0  }
0xe3: {  	[sflag:s0] =	ssyncadd.s32 @!p0 s1  }
0xe4: {  	[bflag:$0x3] =	sbarrier.arrive $0xFFFF  }
0xe5: {  	_ =	shalt  }

// kernel: kernel.15.cloned.1.call-start
scs
__scs_entry_jumppad:
0x0: {  	(pc) =	sbr.rel $0x88, $3  }
0x1: {  	(tag) =	ssettag $0x0;
	lr =	simm.s32 $0x1  }
0x2: {  	[smem:$0x3F9B] =	sst lr;
	_ =	strace $0xD0000000  }
0x3: {  	_ = 	snop  }
0x4: {  	_ = 	snop  }
0x5: {  	_ = 	snop  }
0x6: {  	_ = 	snop  }
0x7: {  	_ = 	snop  }
__scs_overlays_trampoline_lowered:
0x8: {  	[smem:$0x3FAA] =	sst s0  }
0x9: {  	[smem:$0x3FAB] =	sst s1  }
0xa: {  	[smem:$0x3FAC] =	sst s2  }
0xb: {  	[smem:$0x3FAD] =	sst s3  }
0xc: {  	[smem:$0x3FAE] =	sst s4  }
0xd: {  	[smem:$0x3FAF] =	sst s5  }
0xe: {  	[smem:$0x3FB0] =	sst s6  }
0xf: {  	[smem:$0x3FB1] =	sst s7  }
0x10: {  	[smem:$0x3FB2] =	sst s8  }
0x11: {  	[smem:$0x3FB3] =	sst s9;
	s0 =	simm.s32 @!p0 $0x0  }
0x12: {  	s1 =	sld [smem:$0x3F99];
	s0 =	simm.s32 @p0 $0x1  }
0x13: {  	[smem:$0x3FB4] =	sst s0;
	s0 =	simm.s32 @!p1 $0x0  }
0x14: {  	s2 =	sld [smem:$0x3F98];
	s0 =	simm.s32 @p1 $0x1  }
0x15: {  	[smem:$0x3FB5] =	sst s0;
	s0 =	simm.s32 @!p2 $0x0  }
0x16: {  	s3 =	sld [smem:$0x3FDB];
	s0 =	simm.s32 @p2 $0x1  }
0x17: {  	s4 =	simm.s32 $0x1BF5;
	[smem:$0x3FB7] =	sst s0  }
0x18: {  	s0 =	sld [smem:$0x3F9A];
	_ =	swait.ge [sflag:s4], $0x0  }
0x19: {  	s7 =	sld [smem:$0x3F9B]  }
0x1a: {  	s8 =	sadd.s32 $0xFFFFE003, lr  }
0x1b: {  	s9 =	sadd.s32 $0xFFFFFEF7, lr;
	s5 =	simm.s32 $0xFFFFFFFF;
	p2 =	slt.u32 s8, $0xFFFFF086  }
0x1c: {  	p1 =	slt.u32 s9, $0xF7A;
	s5 =	simm.s32 @!p2 $0x0  }
0x1d: {  	s5 =	simm.s32 @p1 $0x1;
	p0 =	seq.s32 s7, s2  }
0x1e: {  	s7 =	smul.u32 @!p0 $0xF7A, s2;
	p2 =	seq.s32 @!p0 s5, $0x0  }
0x1f: {  	s9 =	smul.u32 $0xF7A, s1;
	s8 =	simm.s32 @!p0 $0x1BF5;
	p2 =	por !p2, p0  }
0x20: {  	[sflag:s8] =	ssyncset.s32 @!p0 $0xFFFFF086;
	s6 =	sadd.s32 @!p0 s3, s7;
	s7 =	simm.s32 @!p0 $0x108  }
0x21: {  	s3 =	sadd.s32 s3, s9;
	s6 =	sadd.s32 @!p0 $0x88, s6;
	s7 =	simm.s32 @p2 $0x1082  }
0x22: {  	[simem:s7], [sflag:s8] =	dma.local @!p0 [hbm:s6], $0xF7A  }
0x23: {  	s9 =	sor.u32 $0xD0000000, s2;
	s6 =	simm.s32 $0x108;
	_ =	swait.ge @!p0 [sflag:s8], $0x0  }
0x24: {  	s3 =	sadd.s32 $0x88, s3;
	s6 =	simm.s32 @!p1 $0x1082;
	[sflag:s4] =	ssyncset.s32 $0xFFFFF086  }
0x25: {  	[simem:s6], [sflag:s4] =	dma.local [hbm:s3], $0xF7A  }
0x26: {  	[smem:$0x3F9B] =	sst s1;
	(tag) =	ssettag s2;
	_ =	strace s9  }
0x27: {  	s1 =	sld [smem:$0x3FAB]  }
0x28: {  	s2 =	sld [smem:$0x3FAC]  }
0x29: {  	s4 =	sld [smem:$0x3FAE]  }
0x2a: {  	p0 =	seq.s32 s5, $0x0;
	s5 =	sld [smem:$0x3FAF]  }
0x2b: {  	s6 =	sld [smem:$0x3FB0]  }
0x2c: {  	s7 =	sld [smem:$0x3FB1]  }
0x2d: {  	s3 =	simm.s32 $0x108;
	s8 =	sld [smem:$0x3FB2]  }
0x2e: {  	s3 =	simm.s32 @!p0 $0x1082;
	s9 =	sld [smem:$0x3FB3]  }
0x2f: {  	lr =	sadd.s32 s0, s3;
	s0 =	sld [smem:$0x3FAA]  }
0x30: {  	s3 =	sld [smem:$0x3FAD]  }
0x31: {  	[smem:$0x3FB6] =	sst s10  }
0x32: {  	s10 =	sld [smem:$0x3FB4];
	_ =	sdelay $0x3  }
0x33: {  	p0 =	seq.s32 s10, $0x1;
	s10 =	sld [smem:$0x3FB6];
	_ =	sdelay $0x3  }
0x34: {  	[smem:$0x3FB6] =	sst s10  }
0x35: {  	s10 =	sld [smem:$0x3FB5];
	_ =	sdelay $0x3  }
0x36: {  	p1 =	seq.s32 s10, $0x1;
	s10 =	sld [smem:$0x3FB6];
	_ =	sdelay $0x3  }
0x37: {  	[smem:$0x3FB6] =	sst s10  }
0x38: {  	s10 =	sld [smem:$0x3FB7]  }
0x39: {  	_ = 	snop;
	(pc) =	sbr.ind lr, $3  }
0x3a: {  	_ = 	snop  }
0x3b: {  	_ = 	snop  }
0x3c: {  	p2 =	seq.s32 s10, $0x1;
	s10 =	sld [smem:$0x3FB6]  }
0x3d: {  	_ =	shalt  }
0x3e: {  	_ =	shalt  }
0x3f: {  	_ =	shalt  }
0x40: {  	_ =	shalt  }
0x41: {  	_ =	shalt  }
0x42: {  	_ =	shalt  }
0x43: {  	_ =	shalt  }
0x44: {  	_ =	shalt  }
0x45: {  	_ =	shalt  }
0x46: {  	_ =	shalt  }
0x47: {  	_ =	shalt  }
0x48: {  	_ =	shalt  }
0x49: {  	_ =	shalt  }
0x4a: {  	_ =	shalt  }
0x4b: {  	_ =	shalt  }
0x4c: {  	_ =	shalt  }
0x4d: {  	_ =	shalt  }
0x4e: {  	_ =	shalt  }
0x4f: {  	_ =	shalt  }
0x50: {  	_ =	shalt  }
0x51: {  	_ =	shalt  }
0x52: {  	_ =	shalt  }
0x53: {  	_ =	shalt  }
0x54: {  	_ =	shalt  }
0x55: {  	_ =	shalt  }
0x56: {  	_ =	shalt  }
0x57: {  	_ =	shalt  }
0x58: {  	_ =	shalt  }
0x59: {  	_ =	shalt  }
0x5a: {  	_ =	shalt  }
0x5b: {  	_ =	shalt  }
0x5c: {  	_ =	shalt  }
0x5d: {  	_ =	shalt  }
0x5e: {  	_ =	shalt  }
0x5f: {  	_ =	shalt  }
0x60: {  	_ =	shalt  }
0x61: {  	_ =	shalt  }
0x62: {  	_ =	shalt  }
0x63: {  	_ =	shalt  }
0x64: {  	_ =	shalt  }
0x65: {  	_ =	shalt  }
0x66: {  	_ =	shalt  }
0x67: {  	_ =	shalt  }
0x68: {  	_ =	shalt  }
0x69: {  	_ =	shalt  }
0x6a: {  	_ =	shalt  }
0x6b: {  	_ =	shalt  }
0x6c: {  	_ =	shalt  }
0x6d: {  	_ =	shalt  }
0x6e: {  	_ =	shalt  }
0x6f: {  	_ =	shalt  }
0x70: {  	_ =	shalt  }
0x71: {  	_ =	shalt  }
0x72: {  	_ =	shalt  }
0x73: {  	_ =	shalt  }
0x74: {  	_ =	shalt  }
0x75: {  	_ =	shalt  }
0x76: {  	_ =	shalt  }
0x77: {  	_ =	shalt  }
0x78: {  	_ =	shalt  }
0x79: {  	_ =	shalt  }
0x7a: {  	_ =	shalt  }
0x7b: {  	_ =	shalt  }
0x7c: {  	_ =	shalt  }
0x7d: {  	_ =	shalt  }
0x7e: {  	_ =	shalt  }
0x7f: {  	_ =	shalt  }
0x80: {  	_ =	shalt  }
0x81: {  	_ =	shalt  }
0x82: {  	_ =	shalt  }
0x83: {  	_ =	shalt  }
0x84: {  	_ =	shalt  }
0x85: {  	_ =	shalt  }
0x86: {  	_ =	shalt  }
0x87: {  	_ =	shalt  }
.Lfunc_end0:
.L_simem_size_0:
called_computation.2_lowered:
.L_overlay_start_0:
0x88: {  	s2 =	sld [smem:$0x3FD9]  }
0x89: {  	s3 =	sld [smem:$0x3FFE];
	_ =	sdelay $0x1  }
0x8a: {  	s1 =	srdreg.scid  }
0x8b: {  	s0 =	sand.u32 $0x1, s1  }
0x8c: {  	s16 =	sshll.u32 s0, $0xA;
	s2 =	sadd.s32 s3, s2  }
0x8d: {  	s2 =	sadd.s32 s2, s16  }
0x8e: {  	[smem:$0x3FC2] =	sst s2  }
0x8f: {  	_ = 	snop  }
0x90: {  	(tm) =	ssettm $0x1  }
0x91: {  	s17 =	sld [smem:$0x3FFB];
	_ =	sdelay $0x3  }
0x92: {  	_ =	strace s17  }
0x93: {  	s2 =	sld [smem:$0x3FFC];
	_ =	sdelay $0x3  }
0x94: {  	_ =	strace s2  }
0x95: {  	s2 =	sld [smem:$0x3FFD];
	_ =	sdelay $0x3  }
0x96: {  	_ =	strace s2  }
0x97: {  	_ =	strace $0x8FFFFFFF  }
0x98: {  	s18 =	sld [smem:$0x3FDB];
	_ =	sdelay $0x1  }
0x99: {  	s19 =	simm.s32 $_scs_section_size  }
0x9a: {  	s4 =	simm.s32 $_size__tile_overlayer_lowered;
	s5 =	simm.s32 $_tile_overlayer_lowered  }
0x9b: {  	s22 =	simm.s32 $0x1BFF;
	s21 =	sshll.u32 s5, $0x1;
	s2 =	sadd.s32 s19, s18  }
0x9c: {  	s6 =	simm.s32 $0x0;
	s20 =	sshll.u32 s4, $0x1;
	s4 =	sadd.s32 s21, s2  }
0x9d: {  	[timem:s6], [sflag:s22] =	dma.local [hbm:s4], s20  }
0x9e: {  	_ =	swait.ge [sflag:s22], s20  }
0x9f: {  	s3 =	ssub.s32 $0x0, s20;
	[sflag:s22] =	ssyncset.done $0x0  }
0xa0: {  	[sflag:s22] =	ssyncadd.s32 s3;
	_ =	sdelay $0x1  }
0xa1: {  	s23 =	simm.s32 $0x1B8B  }
0xa2: {  	_ =	swait.ge [sflag:s23], $0x1  }
0xa3: {  	[sflag:s23] =	ssyncset.done $0x0  }
0xa4: {  	s25 =	simm.s32 $0x1B8E;
	s24 =	sld [smem:$0x3FFE];
	[sflag:s23] =	ssyncadd.s32 $0xFFFFFFFF  }
0xa5: {  	s26 =	simm.s32 $execute0_lowered;
	[smem:$0x3FD2] =	sst s25  }
0xa6: {  	s4 =	sshll.u32 s26, $0x1;
	_ =	strace $0x8000004C;
	[dreg:$0x1] =	wrdreg $0xFFFFFFFF  }
0xa7: {  	s28 =	simm.s32 $_size_execute0_lowered;
	s2 =	sadd.s32 s2, s4;
	[dreg:$0x0] =	wrdreg $0x0  }
0xa8: {  	s4 =	sshll.u32 s28, $0x1;
	[dreg:$0x2] =	wrdreg s2  }
0xa9: {  	[dreg:$0x3] =	wrdreg s4  }
0xaa: {  	[dreg:$0x4] =	wrdreg $0xC0  }
0xab: {  	_ =	task [dreg:s6], $0x5FFFF  }
0xac: {  	[dreg:$0x1] =	wrdreg $0xFFFFFFFF  }
0xad: {  	[dreg:$0x0] =	wrdreg $0x60  }
0xae: {  	[dreg:$0x2] =	wrdreg s24  }
0xaf: {  	[dreg:$0x3] =	wrdreg $0xE7400  }
0xb0: {  	[dreg:$0x4] =	wrdreg $0xBF400  }
0xb1: {  	[dreg:$0x5] =	wrdreg $0x9  }
0xb2: {  	_ =	task.clear_ibuf [dreg:s6], $0x6FFFF;
	_ =	strace $0x9000004C  }
0xb3: {  	s29 =	simm.s32 $0x9;
	_ =	strace $0x8000004E  }
0xb4: {  	_ =	swait.ge [sflag:s29], $0x1  }
0xb5: {  	[sflag:s29] =	ssyncadd.s32 $0xFFFFFFFF  }
0xb6: {  	_ =	strace $0x9000004E  }
0xb7: {  	_ =	sfence  }
0xb8: {  	s30 =	sld [smem:$0x0];
	_ =	sdelay $0x2  }
0xb9: {  	s31 =	sshll.u32 s1, $0xD;
	s1 =	sshrl.u32 s1, $0x2  }
0xba: {  	s3 =	sand.u32 $0x4000, s31;
	s1 =	sadd.s32 s1, s30  }
0xbb: {  	s0 =	sor.u32 s3, s0;
	s1 =	sshll.u32 s1, $0x11  }
0xbc: {  	s0 =	sor.u32 s1, s0  }
0xbd: {  	s0 =	sadd.s32 $0x8F2B, s0  }
0xbe: {  	[sflag:s0] =	ssyncadd.remote.s32 $0x1  }
0xbf: {  	_ =	sfence.sel $0xFFFF  }
0xc0: {  	[dreg:$0x0] =	wrdreg $0xFFFFFFFF;
	(pc) =	sbr.abs _section_cstart, $3  }
0xc1: {  	[dreg:$0x1] =	wrdreg $0xFFFFFFFF  }
0xc2: {  	_ =	task.clear_ibuf [dreg:s6], $0x2FFFF;
	_ =	strace $0x9FFFFFFF  }
0xc3: {  	(tm) =	ssettm $0x7FFFFFFF  }
tec
execute0_lowered:
.L_overlay_start_1:
0x0: {  	(tag) =	ssettag $0x1  }
0x1: {  	s0 =	rddreg [dreg:$0x0]  }
0x2: {  	s2 =	rddreg [dreg:$0x1]  }
0x3: {  	s1 =	srdreg.scid;
	s3 =	rddreg [dreg:$0x2]  }
0x4: {  	s6 =	stileid.u32;
	s4 =	simm.s32 $0x0;
	s12 =	simm.s32 $0x6F40  }
0x5: {  	s13 =	simm.s32 $0x9;
	s15 =	simm.s32 $0x9740;
	s16 =	simm.s32 $0x7D  }
0x6: {  	s17 =	simm.s32 $0x5000;
	s19 =	simm.s32 $0x57D0;
	s21 =	simm.s32 $0x5FA0  }
0x7: {  	s23 =	simm.s32 $0x6770;
	s24 =	simm.s32 $0x1;
	s28 =	simm.s32 $0x6  }
0x8: {  	s29 =	simm.s32 $0x3;
	s30 =	simm.s32 $0x7;
	s31 =	simm.s32 $0x4  }
0x9: {  	s20 =	simm.s32 $0x4F80;
	s22 =	simm.s32 $0x0;
	s1 =	sand.u32 $0x1, s1  }
0xa: {  	s9 =	smul.u32 $0x2800, s6;
	[smem:$0x7FF] =	sst s4;
	s5 =	sshll.u32 s1, $0x4  }
0xb: {  	s25 =	smul.u32 $0x28000, s1;
	_ =	strace $0x8000004D;
	s1 =	ssub.s32 $0x2, s1  }
0xc: {  	s5 =	sor.u32 s6, s5;
	s7 =	sshrl.u32 s9, $0x3;
	s26 =	sshrl.u32 s1, $0x1  }
0xd: {  	s5 =	smul.u32 $0x2800, s5;
	s7 =	sadd.s32 s7, s0;
	s6 =	sadd.s32 s9, s25  }
0xe: {  	s1 =	ssub.s32 s1, s26;
	s25 =	simm.s32 $0x5;
	s26 =	simm.s32 $0x2  }
0xf: {  	s6 =	sshrl.u32 s6, $0x3;
	s11 =	smax.u32 s1, $0x1;
	s5 =	sshrl.u32 s5, $0x3  }
0x10: {  	s8 =	sadd.s32 s5, s0;
	s0 =	sadd.s32 s6, s0;
	s5 =	sadd.s32 $0x16400, s7  }
0x11: {  	s6 =	sadd.s32 $0x2400, s8;
	s7 =	sadd.s32 $0xC400, s8;
	s8 =	sadd.s32 s9, s2  }
0x12: {  	v0 =	vimm.f32 $0.0e+00;
	s9 =	sadd.s32 s9, s3;
	s10 =	sadd.s32 $0x1B400, s0;
	s0 =	simm.s32 $0x8  }
.LBB2_1:
0x13: {  	[tilespmem:s12], [sflag:$0x9] =	stream.linear.gather [hbm4b:s5+s4], $0x2800, $0x38;
	[tilespmem:$0x10F40] =	vst v63  }
0x14: {  	_ =	swait.ge [sflag:s13], $0x2800  }
0x15: {  	[sflag:s13] =	ssyncset.done $0x0  }
0x16: {  	[sflag:s13] =	ssyncadd.s32 $0xFFFFD800  }
0x17: {  	[tilespmem:s4], [sflag:$0x9] =	stream.linear.gather [hbm4b:s6+s4], $0x2800, $0x38;
	[tilespmem:$0x10F40] =	vst v63  }
0x18: {  	_ =	swait.ge [sflag:s13], $0x2800  }
0x19: {  	[sflag:s13] =	ssyncset.done $0x0  }
0x1a: {  	s1 =	simm.s32 $0x2800;
	[sflag:s13] =	ssyncadd.s32 $0xFFFFD800  }
0x1b: {  	[tilespmem:s1], [sflag:$0x9] =	stream.linear.gather [hbm4b:s7+s4], $0x2800, $0x38;
	[tilespmem:$0x10F40] =	vst v63  }
0x1c: {  	_ =	swait.ge [sflag:s13], $0x2800  }
0x1d: {  	[sflag:s13] =	ssyncset.done $0x0  }
0x1e: {  	s1 =	simm.s32 $0x0;
	[sflag:s13] =	ssyncadd.s32 $0xFFFFD800  }
0x1f: {  	v4 =	vld [tilespmem:s1+$0x6FB0]  }
0x20: {  	v5 =	vld [tilespmem:s1+$0x6F40]  }
0x21: {  	v6 =	vld [tilespmem:s1+$0x6F50]  }
0x22: {  	v3 =	vld [tilespmem:s1+$0x6F60]  }
0x23: {  	v1 =	vld [tilespmem:s1+$0x6F70]  }
0x24: {  	v2 =	vld [tilespmem:s1+$0x6F80];
	[tilespmem:s1+$0x97B0] =	vst v4  }
0x25: {  	[tilespmem:s1+$0x9740] =	vst v5;
	v4 =	vld [tilespmem:s1+$0x6F90]  }
0x26: {  	s14 =	simm.s32 $0x80;
	s18 =	simm.s32 $0x400;
	[tilespmem:s1+$0x9750] =	vst v6;
	v5 =	vld [tilespmem:s1+$0x6FA0]  }
.LBB2_2:
0x27: {  	p0 =	sne.s32 s18, $0x9E00;
	v6 =	vld [tilespmem:s14+$0x6FB0];
	[tilespmem:s1+$0x9760] =	vst v3  }
0x28: {  	v7 =	vld [tilespmem:s14+$0x6F40];
	[tilespmem:s1+$0x9770] =	vst v1  }
0x29: {  	v8 =	vld [tilespmem:s14+$0x6F50];
	[tilespmem:s1+$0x9780] =	vst v2  }
.Ltmp0:
0x2a: {  	v3 =	vld [tilespmem:s14+$0x6F60];
	[tilespmem:s1+$0x9790] =	vst v4;
	(pc) =	sbr.rel @p0 .LBB2_2-.Ltmp0, $4  }
0x2b: {  	v1 =	vld [tilespmem:s14+$0x6F70];
	[tilespmem:s1+$0x97A0] =	vst v5;
	s1 =	smov.u32 s14  }
0x2c: {  	v2 =	vld [tilespmem:s1+$0x6F80];
	[tilespmem:s1+$0x97B0] =	vst v6  }
0x2d: {  	[tilespmem:s1+$0x9740] =	vst v7;
	v4 =	vld [tilespmem:s1+$0x6F90]  }
0x2e: {  	s14 =	sshra.s32 s18, $0x2;
	s18 =	sadd.s32 $0x200, s18;
	[tilespmem:s1+$0x9750] =	vst v8;
	v5 =	vld [tilespmem:s1+$0x6FA0]  }
0x2f: {  	v6 =	vld [tilespmem:s14+$0x6FB0];
	[tilespmem:s1+$0x9760] =	vst v3  }
0x30: {  	v3 =	vld [tilespmem:s14+$0x6F40];
	[tilespmem:s1+$0x9770] =	vst v1  }
0x31: {  	v1 =	vld [tilespmem:s14+$0x6F50];
	[tilespmem:s1+$0x9780] =	vst v2  }
0x32: {  	v2 =	vld [tilespmem:s14+$0x6F60];
	[tilespmem:s1+$0x9790] =	vst v4  }
0x33: {  	v4 =	vld [tilespmem:s14+$0x6F70];
	[tilespmem:s1+$0x97A0] =	vst v5  }
0x34: {  	v5 =	vld [tilespmem:s14+$0x6F80];
	[tilespmem:s14+$0x97B0] =	vst v6  }
0x35: {  	[tilespmem:s14+$0x9740] =	vst v3;
	v3 =	vld [tilespmem:s14+$0x6F90]  }
0x36: {  	[tilespmem:s14+$0x9750] =	vst v1;
	v1 =	vld [tilespmem:s14+$0x6FA0]  }
0x37: {  	[tilespmem:s14+$0x9760] =	vst v2  }
0x38: {  	[tilespmem:s14+$0x9770] =	vst v4  }
0x39: {  	[tilespmem:s14+$0x9780] =	vst v5  }
0x3a: {  	[tilespmem:s14+$0x9790] =	vst v3  }
0x3b: {  	[tilespmem:s14+$0x97A0] =	vst v1  }
0x3c: {  	[spmem:s8] =	stream.linear.scatter [tilespmem:s15], [sflag:$0x9], $0x2800, $0x38;
	[tilespmem:$0x10F40] =	vst v63  }
0x3d: {  	_ =	swait.ge [sflag:s13], $0x2800  }
0x3e: {  	[sflag:s13] =	ssyncset.done $0x0  }
0x3f: {  	s1 =	simm.s32 $0x40;
	s14 =	simm.s32 $0x0;
	[sflag:s13] =	ssyncadd.s32 $0xFFFFD800  }
.LBB2_4:
0x40: {  	p0 =	sne.s32 s1, $0x9FC0;
	[tilespmem:s14+$0x9740] =	vst v0;
	s14 =	smov.u32 s1;
	s1 =	sadd.s32 $0x40, s1  }
.Ltmp1:
0x41: {  	(pc) =	sbr.rel @p0 .LBB2_4-.Ltmp1, $2  }
0x42: {  	_ =	sdelay $0x2  }
0x43: {  	s14 =	sshra.s32 s14, $0x2  }
0x44: {  	[tilespmem:s14+$0x9740] =	vst v0  }
0x45: {  	[spmem:s9] =	stream.linear.scatter [tilespmem:s15], [sflag:$0x9], $0x2800, $0x38;
	[tilespmem:$0x10F40] =	vst v63  }
0x46: {  	_ =	swait.ge [sflag:s13], $0x2800  }
0x47: {  	[sflag:s13] =	ssyncset.done $0x0  }
0x48: {  	[sflag:s13] =	ssyncadd.s32 $0xFFFFD800  }
0x49: {  	s1 =	simm.s32 $0x0;
	[bflag:$0x0] =	sbarrier.arrive $0xFFFF  }
0x4a: {  	[tilespmem:s17], [sflag:$0x1] =	stream.indirect.gather [spmem:s2], $0x10, s1, s16, $0xb8;
	[tilespmem:$0x10F40] =	vst v63  }
0x4b: {  	s14 =	simm.s32 $0x80  }
0x4c: {  	[tilespmem:s19], [sflag:$0x2] =	stream.indirect.gather [spmem:s2], $0x10, s14, s16, $0xb8;
	[tilespmem:$0x10F40] =	vst v63  }
0x4d: {  	s18 =	simm.s32 $0x100  }
0x4e: {  	[tilespmem:s21], [sflag:$0x3] =	stream.indirect.gather [spmem:s2], $0x10, s18, s16, $0xb8;
	[tilespmem:$0x10F40] =	vst v63  }
0x4f: {  	s14 =	simm.s32 $0x180  }
0x50: {  	[tilespmem:s23], [sflag:$0x4] =	stream.indirect.gather [spmem:s2], $0x10, s14, s16, $0xb8;
	[tilespmem:$0x10F40] =	vst v63  }
0x51: {  	_ =	swait.ge [sflag:s24], $0x7D0  }
0x52: {  	[sflag:s24] =	ssyncset.done $0x0  }
0x53: {  	s18 =	simm.s32 $0x2800;
	[sflag:s24] =	ssyncadd.s32 $0xFFFFF830  }
0x54: {  	[spmem:s3] =	stream.indirect.scatter.add.f32 [tilespmem:s17], [sflag:$0x5], $0x10, s18, s16, $0xb8;
	[tilespmem:$0x10F40] =	vst v63  }
0x55: {  	_ =	swait.ge [sflag:s25], $0x7D0  }
0x56: {  	[sflag:s25] =	ssyncset.done $0x0  }
0x57: {  	s14 =	simm.s32 $0x200;
	[sflag:s25] =	ssyncadd.s32 $0xFFFFF830  }
0x58: {  	[tilespmem:s17], [sflag:$0x1] =	stream.indirect.gather [spmem:s2], $0x10, s14, s16, $0xb8;
	[tilespmem:$0x10F40] =	vst v63  }
0x59: {  	_ =	swait.ge [sflag:s26], $0x7D0  }
0x5a: {  	[sflag:s26] =	ssyncset.done $0x0  }
0x5b: {  	s18 =	simm.s32 $0x2880;
	[sflag:s26] =	ssyncadd.s32 $0xFFFFF830  }
0x5c: {  	[spmem:s3] =	stream.indirect.scatter.add.f32 [tilespmem:s19], [sflag:$0x6], $0x10, s18, s16, $0xb8;
	[tilespmem:$0x10F40] =	vst v63  }
0x5d: {  	_ =	swait.ge [sflag:s28], $0x7D0  }
0x5e: {  	[sflag:s28] =	ssyncset.done $0x0  }
0x5f: {  	s14 =	simm.s32 $0x280;
	[sflag:s28] =	ssyncadd.s32 $0xFFFFF830  }
0x60: {  	[tilespmem:s19], [sflag:$0x2] =	stream.indirect.gather [spmem:s2], $0x10, s14, s16, $0xb8;
	[tilespmem:$0x10F40] =	vst v63  }
0x61: {  	_ =	swait.ge [sflag:s29], $0x7D0  }
0x62: {  	[sflag:s29] =	ssyncset.done $0x0  }
0x63: {  	s18 =	simm.s32 $0x2900;
	[sflag:s29] =	ssyncadd.s32 $0xFFFFF830  }
0x64: {  	[spmem:s3] =	stream.indirect.scatter.add.f32 [tilespmem:s21], [sflag:$0x7], $0x10, s18, s16, $0xb8;
	[tilespmem:$0x10F40] =	vst v63  }
0x65: {  	_ =	swait.ge [sflag:s30], $0x7D0  }
0x66: {  	[sflag:s30] =	ssyncset.done $0x0  }
0x67: {  	s14 =	simm.s32 $0x300;
	[sflag:s30] =	ssyncadd.s32 $0xFFFFF830  }
0x68: {  	[tilespmem:s21], [sflag:$0x3] =	stream.indirect.gather [spmem:s2], $0x10, s14, s16, $0xb8;
	[tilespmem:$0x10F40] =	vst v63  }
0x69: {  	_ =	swait.ge [sflag:s31], $0x7D0  }
0x6a: {  	[sflag:s31] =	ssyncset.done $0x0  }
0x6b: {  	s18 =	simm.s32 $0x2980;
	[sflag:s31] =	ssyncadd.s32 $0xFFFFF830  }
0x6c: {  	[spmem:s3] =	stream.indirect.scatter.add.f32 [tilespmem:s23], [sflag:$0x8], $0x10, s18, s16, $0xb8;
	[tilespmem:$0x10F40] =	vst v63  }
0x6d: {  	_ =	swait.ge [sflag:s0], $0x7D0  }
0x6e: {  	[sflag:s0] =	ssyncset.done $0x0  }
0x6f: {  	s1 =	simm.s32 $0x800;
	s14 =	simm.s32 $0x380;
	[sflag:s0] =	ssyncadd.s32 $0xFFFFF830  }
.LBB2_6:
0x70: {  	[tilespmem:s23], [sflag:$0x4] =	stream.indirect.gather [spmem:s2], $0x10, s14, s16, $0xb8;
	[tilespmem:$0x10F40] =	vst v63  }
0x71: {  	s14 =	smov.u32 s1  }
0x72: {  	p0 =	sne.s32 s1, $0x9000;
	s1 =	sadd.s32 $0x800, s1;
	_ =	swait.ge [sflag:s24], $0x7D0  }
0x73: {  	s14 =	sshra.s32 s14, $0x2;
	[sflag:s24] =	ssyncset.done $0x0  }
0x74: {  	s18 =	sadd.s32 $0x2800, s14;
	[sflag:s24] =	ssyncadd.s32 $0xFFFFF830  }
0x75: {  	[spmem:s3] =	stream.indirect.scatter.add.f32 [tilespmem:s17], [sflag:$0x5], $0x10, s18, s16, $0xb8;
	[tilespmem:$0x10F40] =	vst v63  }
0x76: {  	_ =	swait.ge [sflag:s25], $0x7D0  }
0x77: {  	[sflag:s25] =	ssyncset.done $0x0  }
0x78: {  	s18 =	sadd.s32 $0x200, s14;
	[sflag:s25] =	ssyncadd.s32 $0xFFFFF830  }
0x79: {  	[tilespmem:s17], [sflag:$0x1] =	stream.indirect.gather [spmem:s2], $0x10, s18, s16, $0xb8;
	[tilespmem:$0x10F40] =	vst v63  }
0x7a: {  	_ =	swait.ge [sflag:s26], $0x7D0  }
0x7b: {  	[sflag:s26] =	ssyncset.done $0x0  }
0x7c: {  	s18 =	sadd.s32 $0x2880, s14;
	[sflag:s26] =	ssyncadd.s32 $0xFFFFF830  }
0x7d: {  	[spmem:s3] =	stream.indirect.scatter.add.f32 [tilespmem:s19], [sflag:$0x6], $0x10, s18, s16, $0xb8;
	[tilespmem:$0x10F40] =	vst v63  }
0x7e: {  	_ =	swait.ge [sflag:s28], $0x7D0  }
0x7f: {  	[sflag:s28] =	ssyncset.done $0x0  }
0x80: {  	s18 =	sadd.s32 $0x280, s14;
	[sflag:s28] =	ssyncadd.s32 $0xFFFFF830  }
0x81: {  	[tilespmem:s19], [sflag:$0x2] =	stream.indirect.gather [spmem:s2], $0x10, s18, s16, $0xb8;
	[tilespmem:$0x10F40] =	vst v63  }
0x82: {  	_ =	swait.ge [sflag:s29], $0x7D0  }
0x83: {  	[sflag:s29] =	ssyncset.done $0x0  }
0x84: {  	s18 =	sadd.s32 $0x2900, s14;
	[sflag:s29] =	ssyncadd.s32 $0xFFFFF830  }
0x85: {  	[spmem:s3] =	stream.indirect.scatter.add.f32 [tilespmem:s21], [sflag:$0x7], $0x10, s18, s16, $0xb8;
	[tilespmem:$0x10F40] =	vst v63  }
0x86: {  	_ =	swait.ge [sflag:s30], $0x7D0  }
0x87: {  	[sflag:s30] =	ssyncset.done $0x0  }
0x88: {  	s18 =	sadd.s32 $0x300, s14;
	[sflag:s30] =	ssyncadd.s32 $0xFFFFF830  }
0x89: {  	[tilespmem:s21], [sflag:$0x3] =	stream.indirect.gather [spmem:s2], $0x10, s18, s16, $0xb8;
	[tilespmem:$0x10F40] =	vst v63  }
0x8a: {  	_ =	swait.ge [sflag:s31], $0x7D0  }
0x8b: {  	[sflag:s31] =	ssyncset.done $0x0  }
.Ltmp2:
0x8c: {  	s18 =	sadd.s32 $0x2980, s14;
	[sflag:s31] =	ssyncadd.s32 $0xFFFFF830;
	(pc) =	sbr.rel @p0 .LBB2_6-.Ltmp2, $4  }
0x8d: {  	[spmem:s3] =	stream.indirect.scatter.add.f32 [tilespmem:s23], [sflag:$0x8], $0x10, s18, s16, $0xb8;
	[tilespmem:$0x10F40] =	vst v63  }
0x8e: {  	_ =	swait.ge [sflag:s0], $0x7D0  }
0x8f: {  	[sflag:s0] =	ssyncset.done $0x0  }
0x90: {  	s14 =	sadd.s32 $0x380, s14;
	[sflag:s0] =	ssyncadd.s32 $0xFFFFF830  }
0x91: {  	[tilespmem:s23], [sflag:$0x4] =	stream.indirect.gather [spmem:s2], $0x10, s14, s16, $0xb8;
	[tilespmem:$0x10F40] =	vst v63  }
0x92: {  	_ =	swait.ge [sflag:s24], $0x7D0  }
0x93: {  	[sflag:s24] =	ssyncset.done $0x0  }
0x94: {  	s1 =	simm.s32 $0x4E00;
	[sflag:s24] =	ssyncadd.s32 $0xFFFFF830  }
0x95: {  	[spmem:s3] =	stream.indirect.scatter.add.f32 [tilespmem:s17], [sflag:$0x5], $0x10, s1, s16, $0xb8;
	[tilespmem:$0x10F40] =	vst v63  }
0x96: {  	_ =	swait.ge [sflag:s25], $0x7D0  }
0x97: {  	[sflag:s25] =	ssyncset.done $0x0  }
0x98: {  	[sflag:s25] =	ssyncadd.s32 $0xFFFFF830  }
0x99: {  	_ =	swait.ge [sflag:s26], $0x7D0  }
0x9a: {  	[sflag:s26] =	ssyncset.done $0x0  }
0x9b: {  	s14 =	simm.s32 $0x4E80;
	[sflag:s26] =	ssyncadd.s32 $0xFFFFF830  }
0x9c: {  	[spmem:s3] =	stream.indirect.scatter.add.f32 [tilespmem:s19], [sflag:$0x6], $0x10, s14, s16, $0xb8;
	[tilespmem:$0x10F40] =	vst v63  }
0x9d: {  	_ =	swait.ge [sflag:s28], $0x7D0  }
0x9e: {  	[sflag:s28] =	ssyncset.done $0x0  }
0x9f: {  	[sflag:s28] =	ssyncadd.s32 $0xFFFFF830  }
0xa0: {  	_ =	swait.ge [sflag:s29], $0x7D0  }
0xa1: {  	[sflag:s29] =	ssyncset.done $0x0  }
0xa2: {  	s18 =	simm.s32 $0x4F00;
	[sflag:s29] =	ssyncadd.s32 $0xFFFFF830  }
0xa3: {  	[spmem:s3] =	stream.indirect.scatter.add.f32 [tilespmem:s21], [sflag:$0x7], $0x10, s18, s16, $0xb8;
	[tilespmem:$0x10F40] =	vst v63  }
0xa4: {  	_ =	swait.ge [sflag:s30], $0x7D0  }
0xa5: {  	[sflag:s30] =	ssyncset.done $0x0  }
0xa6: {  	[sflag:s30] =	ssyncadd.s32 $0xFFFFF830  }
0xa7: {  	_ =	swait.ge [sflag:s31], $0x7D0  }
0xa8: {  	[sflag:s31] =	ssyncset.done $0x0  }
0xa9: {  	[sflag:s31] =	ssyncadd.s32 $0xFFFFF830  }
0xaa: {  	[spmem:s3] =	stream.indirect.scatter.add.f32 [tilespmem:s23], [sflag:$0x8], $0x10, s20, s16, $0xb8;
	[tilespmem:$0x10F40] =	vst v63  }
0xab: {  	_ =	swait.ge [sflag:s0], $0x7D0  }
0xac: {  	[sflag:s0] =	ssyncset.done $0x0  }
0xad: {  	[sflag:s0] =	ssyncadd.s32 $0xFFFFF830  }
0xae: {  	[bflag:$0x0] =	sbarrier.arrive $0xFFFF  }
0xaf: {  	[tilespmem:s15], [sflag:$0x9] =	stream.linear.gather [spmem:s9], $0x2800, $0x38;
	[tilespmem:$0x10F40] =	vst v63  }
0xb0: {  	_ =	swait.ge [sflag:s13], $0x2800  }
0xb1: {  	[sflag:s13] =	ssyncset.done $0x0  }
0xb2: {  	s1 =	simm.s32 $0x0;
	[sflag:s13] =	ssyncadd.s32 $0xFFFFD800  }
0xb3: {  	v4 =	vld [tilespmem:s1+$0x97B0]  }
0xb4: {  	v5 =	vld [tilespmem:s1+$0x9740]  }
0xb5: {  	v6 =	vld [tilespmem:s1+$0x9750]  }
0xb6: {  	v3 =	vld [tilespmem:s1+$0x9760]  }
0xb7: {  	v1 =	vld [tilespmem:s1+$0x9770]  }
0xb8: {  	v2 =	vld [tilespmem:s1+$0x9780];
	[tilespmem:s1+$0x6FB0] =	vst v4  }
0xb9: {  	[tilespmem:s1+$0x6F40] =	vst v5;
	v4 =	vld [tilespmem:s1+$0x9790]  }
0xba: {  	s14 =	simm.s32 $0x80;
	s18 =	simm.s32 $0x400;
	[tilespmem:s1+$0x6F50] =	vst v6;
	v5 =	vld [tilespmem:s1+$0x97A0]  }
.LBB2_8:
0xbb: {  	p0 =	sne.s32 s18, $0x9E00;
	v6 =	vld [tilespmem:s14+$0x97B0];
	[tilespmem:s1+$0x6F60] =	vst v3  }
0xbc: {  	v7 =	vld [tilespmem:s14+$0x9740];
	[tilespmem:s1+$0x6F70] =	vst v1  }
0xbd: {  	v8 =	vld [tilespmem:s14+$0x9750];
	[tilespmem:s1+$0x6F80] =	vst v2  }
.Ltmp3:
0xbe: {  	v3 =	vld [tilespmem:s14+$0x9760];
	[tilespmem:s1+$0x6F90] =	vst v4;
	(pc) =	sbr.rel @p0 .LBB2_8-.Ltmp3, $4  }
0xbf: {  	v1 =	vld [tilespmem:s14+$0x9770];
	[tilespmem:s1+$0x6FA0] =	vst v5;
	s1 =	smov.u32 s14  }
0xc0: {  	v2 =	vld [tilespmem:s1+$0x9780];
	[tilespmem:s1+$0x6FB0] =	vst v6  }
0xc1: {  	[tilespmem:s1+$0x6F40] =	vst v7;
	v4 =	vld [tilespmem:s1+$0x9790]  }
0xc2: {  	s14 =	sshra.s32 s18, $0x2;
	s18 =	sadd.s32 $0x200, s18;
	[tilespmem:s1+$0x6F50] =	vst v8;
	v5 =	vld [tilespmem:s1+$0x97A0]  }
0xc3: {  	v6 =	vld [tilespmem:s14+$0x97B0];
	[tilespmem:s1+$0x6F60] =	vst v3  }
0xc4: {  	v3 =	vld [tilespmem:s14+$0x9740];
	[tilespmem:s1+$0x6F70] =	vst v1  }
0xc5: {  	v1 =	vld [tilespmem:s14+$0x9750];
	[tilespmem:s1+$0x6F80] =	vst v2  }
0xc6: {  	v2 =	vld [tilespmem:s14+$0x9760];
	[tilespmem:s1+$0x6F90] =	vst v4  }
0xc7: {  	v4 =	vld [tilespmem:s14+$0x9770];
	[tilespmem:s1+$0x6FA0] =	vst v5  }
0xc8: {  	v5 =	vld [tilespmem:s14+$0x9780];
	[tilespmem:s14+$0x6FB0] =	vst v6  }
0xc9: {  	[tilespmem:s14+$0x6F40] =	vst v3;
	v3 =	vld [tilespmem:s14+$0x9790]  }
0xca: {  	[tilespmem:s14+$0x6F50] =	vst v1;
	v1 =	vld [tilespmem:s14+$0x97A0]  }
0xcb: {  	[tilespmem:s14+$0x6F60] =	vst v2  }
0xcc: {  	[tilespmem:s14+$0x6F70] =	vst v4  }
0xcd: {  	s22 =	sadd.s32 $0x1, s22;
	[tilespmem:s14+$0x6F80] =	vst v5  }
0xce: {  	p0 =	sne.s32 s22, s11;
	[tilespmem:s14+$0x6F90] =	vst v3  }
.Ltmp4:
0xcf: {  	[tilespmem:s14+$0x6FA0] =	vst v1;
	(pc) =	sbr.rel @p0 .LBB2_1-.Ltmp4, $4  }
0xd0: {  	[hbm4b:s10+s4] =	stream.linear.scatter [tilespmem:s12], [sflag:$0x9], $0x2800, $0x38;
	[tilespmem:$0x10F40] =	vst v63  }
0xd1: {  	_ =	swait.ge [sflag:s13], $0x2800  }
0xd2: {  	[sflag:s13] =	ssyncset.done $0x0  }
0xd3: {  	[sflag:s13] =	ssyncadd.s32 $0xFFFFD800  }
0xd4: {  	_ =	sfence.sel $0x180000  }
0xd5: {  	[bflag:$0x0] =	sbarrier.arrive $0xFFFF  }
0xd6: {  	_ =	strace $0x9000004D  }
0xd7: {  	s0 =	stileid.u32;
	[bflag:$0x2] =	sbarrier.arrive $0xFFFF  }
0xd8: {  	p0 =	sne.s32 s0, $0x0;
	s0 =	rddreg [dreg:$0x3]  }
0xd9: {  	s0 =	sadd.s32 @!p0 $0x100000, s0  }
0xda: {  	[sflag:s0] =	ssyncadd.tile.s32 @!p0 $0x1;
	_ =	shalt  }
.Lfunc_end2:
_tile_overlayer_lowered:
.L_overlay_start_2:
0xdb: {  	(tag) =	ssettag $0x2  }
0xdc: {  	s0 =	rddreg [dreg:$0x0];
	s2 =	stileid.u32  }
0xdd: {  	s1 =	rddreg [dreg:$0x1];
	p0 =	sne.s32 s2, $0x0  }
0xde: {  	s3 =	rddreg [dreg:$0x2];
	[bflag:$0x3] =	sbarrier.arrive $0xFFFF;
	s2 =	simm.s32 @!p0 $0x1C09  }
0xdf: {  	[timem:s3], [sflag:s2] =	dma.local @!p0 [hbm:s0], s1  }
0xe0: {  	s0 =	simm.s32 @!p0 $0x9  }
0xe1: {  	_ =	swait.ge @!p0 [sflag:s0], s1  }
0xe2: {  	s1 =	ssub.s32 @!p0 $0x0, s1;
	[sflag:s0] =	ssyncset.done @!p0 $0x0  }
0xe3: {  	[sflag:s0] =	ssyncadd.s32 @!p0 s1  }
0xe4: {  	[bflag:$0x3] =	sbarrier.arrive $0xFFFF  }
0xe5: {  	_ =	shalt  }

// kernel: kernel.9.cloned.1.call-start
scs
__scs_entry_jumppad:
0x0: {  	(pc) =	sbr.rel $0x88, $3  }
0x1: {  	(tag) =	ssettag $0x0;
	lr =	simm.s32 $0x1  }
0x2: {  	[smem:$0x3F9B] =	sst lr;
	_ =	strace $0xD0000000  }
0x3: {  	_ = 	snop  }
0x4: {  	_ = 	snop  }
0x5: {  	_ = 	snop  }
0x6: {  	_ = 	snop  }
0x7: {  	_ = 	snop  }
__scs_overlays_trampoline_lowered:
0x8: {  	[smem:$0x3FAA] =	sst s0  }
0x9: {  	[smem:$0x3FAB] =	sst s1  }
0xa: {  	[smem:$0x3FAC] =	sst s2  }
0xb: {  	[smem:$0x3FAD] =	sst s3  }
0xc: {  	[smem:$0x3FAE] =	sst s4  }
0xd: {  	[smem:$0x3FAF] =	sst s5  }
0xe: {  	[smem:$0x3FB0] =	sst s6  }
0xf: {  	[smem:$0x3FB1] =	sst s7  }
0x10: {  	[smem:$0x3FB2] =	sst s8  }
0x11: {  	[smem:$0x3FB3] =	sst s9;
	s0 =	simm.s32 @!p0 $0x0  }
0x12: {  	s1 =	sld [smem:$0x3F99];
	s0 =	simm.s32 @p0 $0x1  }
0x13: {  	[smem:$0x3FB4] =	sst s0;
	s0 =	simm.s32 @!p1 $0x0  }
0x14: {  	s2 =	sld [smem:$0x3F98];
	s0 =	simm.s32 @p1 $0x1  }
0x15: {  	[smem:$0x3FB5] =	sst s0;
	s0 =	simm.s32 @!p2 $0x0  }
0x16: {  	s3 =	sld [smem:$0x3FDB];
	s0 =	simm.s32 @p2 $0x1  }
0x17: {  	s4 =	simm.s32 $0x1BF5;
	[smem:$0x3FB7] =	sst s0  }
0x18: {  	s0 =	sld [smem:$0x3F9A];
	_ =	swait.ge [sflag:s4], $0x0  }
0x19: {  	s7 =	sld [smem:$0x3F9B]  }
0x1a: {  	s8 =	sadd.s32 $0xFFFFE003, lr  }
0x1b: {  	s9 =	sadd.s32 $0xFFFFFEF7, lr;
	s5 =	simm.s32 $0xFFFFFFFF;
	p2 =	slt.u32 s8, $0xFFFFF086  }
0x1c: {  	p1 =	slt.u32 s9, $0xF7A;
	s5 =	simm.s32 @!p2 $0x0  }
0x1d: {  	s5 =	simm.s32 @p1 $0x1;
	p0 =	seq.s32 s7, s2  }
0x1e: {  	s7 =	smul.u32 @!p0 $0xF7A, s2;
	p2 =	seq.s32 @!p0 s5, $0x0  }
0x1f: {  	s9 =	smul.u32 $0xF7A, s1;
	s8 =	simm.s32 @!p0 $0x1BF5;
	p2 =	por !p2, p0  }
0x20: {  	[sflag:s8] =	ssyncset.s32 @!p0 $0xFFFFF086;
	s6 =	sadd.s32 @!p0 s3, s7;
	s7 =	simm.s32 @!p0 $0x108  }
0x21: {  	s3 =	sadd.s32 s3, s9;
	s6 =	sadd.s32 @!p0 $0x88, s6;
	s7 =	simm.s32 @p2 $0x1082  }
0x22: {  	[simem:s7], [sflag:s8] =	dma.local @!p0 [hbm:s6], $0xF7A  }
0x23: {  	s9 =	sor.u32 $0xD0000000, s2;
	s6 =	simm.s32 $0x108;
	_ =	swait.ge @!p0 [sflag:s8], $0x0  }
0x24: {  	s3 =	sadd.s32 $0x88, s3;
	s6 =	simm.s32 @!p1 $0x1082;
	[sflag:s4] =	ssyncset.s32 $0xFFFFF086  }
0x25: {  	[simem:s6], [sflag:s4] =	dma.local [hbm:s3], $0xF7A  }
0x26: {  	[smem:$0x3F9B] =	sst s1;
	(tag) =	ssettag s2;
	_ =	strace s9  }
0x27: {  	s1 =	sld [smem:$0x3FAB]  }
0x28: {  	s2 =	sld [smem:$0x3FAC]  }
0x29: {  	s4 =	sld [smem:$0x3FAE]  }
0x2a: {  	p0 =	seq.s32 s5, $0x0;
	s5 =	sld [smem:$0x3FAF]  }
0x2b: {  	s6 =	sld [smem:$0x3FB0]  }
0x2c: {  	s7 =	sld [smem:$0x3FB1]  }
0x2d: {  	s3 =	simm.s32 $0x108;
	s8 =	sld [smem:$0x3FB2]  }
0x2e: {  	s3 =	simm.s32 @!p0 $0x1082;
	s9 =	sld [smem:$0x3FB3]  }
0x2f: {  	lr =	sadd.s32 s0, s3;
	s0 =	sld [smem:$0x3FAA]  }
0x30: {  	s3 =	sld [smem:$0x3FAD]  }
0x31: {  	[smem:$0x3FB6] =	sst s10  }
0x32: {  	s10 =	sld [smem:$0x3FB4];
	_ =	sdelay $0x3  }
0x33: {  	p0 =	seq.s32 s10, $0x1;
	s10 =	sld [smem:$0x3FB6];
	_ =	sdelay $0x3  }
0x34: {  	[smem:$0x3FB6] =	sst s10  }
0x35: {  	s10 =	sld [smem:$0x3FB5];
	_ =	sdelay $0x3  }
0x36: {  	p1 =	seq.s32 s10, $0x1;
	s10 =	sld [smem:$0x3FB6];
	_ =	sdelay $0x3  }
0x37: {  	[smem:$0x3FB6] =	sst s10  }
0x38: {  	s10 =	sld [smem:$0x3FB7]  }
0x39: {  	_ = 	snop;
	(pc) =	sbr.ind lr, $3  }
0x3a: {  	_ = 	snop  }
0x3b: {  	_ = 	snop  }
0x3c: {  	p2 =	seq.s32 s10, $0x1;
	s10 =	sld [smem:$0x3FB6]  }
0x3d: {  	_ =	shalt  }
0x3e: {  	_ =	shalt  }
0x3f: {  	_ =	shalt  }
0x40: {  	_ =	shalt  }
0x41: {  	_ =	shalt  }
0x42: {  	_ =	shalt  }
0x43: {  	_ =	shalt  }
0x44: {  	_ =	shalt  }
0x45: {  	_ =	shalt  }
0x46: {  	_ =	shalt  }
0x47: {  	_ =	shalt  }
0x48: {  	_ =	shalt  }
0x49: {  	_ =	shalt  }
0x4a: {  	_ =	shalt  }
0x4b: {  	_ =	shalt  }
0x4c: {  	_ =	shalt  }
0x4d: {  	_ =	shalt  }
0x4e: {  	_ =	shalt  }
0x4f: {  	_ =	shalt  }
0x50: {  	_ =	shalt  }
0x51: {  	_ =	shalt  }
0x52: {  	_ =	shalt  }
0x53: {  	_ =	shalt  }
0x54: {  	_ =	shalt  }
0x55: {  	_ =	shalt  }
0x56: {  	_ =	shalt  }
0x57: {  	_ =	shalt  }
0x58: {  	_ =	shalt  }
0x59: {  	_ =	shalt  }
0x5a: {  	_ =	shalt  }
0x5b: {  	_ =	shalt  }
0x5c: {  	_ =	shalt  }
0x5d: {  	_ =	shalt  }
0x5e: {  	_ =	shalt  }
0x5f: {  	_ =	shalt  }
0x60: {  	_ =	shalt  }
0x61: {  	_ =	shalt  }
0x62: {  	_ =	shalt  }
0x63: {  	_ =	shalt  }
0x64: {  	_ =	shalt  }
0x65: {  	_ =	shalt  }
0x66: {  	_ =	shalt  }
0x67: {  	_ =	shalt  }
0x68: {  	_ =	shalt  }
0x69: {  	_ =	shalt  }
0x6a: {  	_ =	shalt  }
0x6b: {  	_ =	shalt  }
0x6c: {  	_ =	shalt  }
0x6d: {  	_ =	shalt  }
0x6e: {  	_ =	shalt  }
0x6f: {  	_ =	shalt  }
0x70: {  	_ =	shalt  }
0x71: {  	_ =	shalt  }
0x72: {  	_ =	shalt  }
0x73: {  	_ =	shalt  }
0x74: {  	_ =	shalt  }
0x75: {  	_ =	shalt  }
0x76: {  	_ =	shalt  }
0x77: {  	_ =	shalt  }
0x78: {  	_ =	shalt  }
0x79: {  	_ =	shalt  }
0x7a: {  	_ =	shalt  }
0x7b: {  	_ =	shalt  }
0x7c: {  	_ =	shalt  }
0x7d: {  	_ =	shalt  }
0x7e: {  	_ =	shalt  }
0x7f: {  	_ =	shalt  }
0x80: {  	_ =	shalt  }
0x81: {  	_ =	shalt  }
0x82: {  	_ =	shalt  }
0x83: {  	_ =	shalt  }
0x84: {  	_ =	shalt  }
0x85: {  	_ =	shalt  }
0x86: {  	_ =	shalt  }
0x87: {  	_ =	shalt  }
.Lfunc_end0:
.L_simem_size_0:
called_computation_lowered:
.L_overlay_start_0:
0x88: {  	s2 =	sld [smem:$0x3FD9]  }
0x89: {  	s3 =	sld [smem:$0x3FFE];
	_ =	sdelay $0x1  }
0x8a: {  	s1 =	srdreg.scid  }
0x8b: {  	s0 =	sand.u32 $0x1, s1  }
0x8c: {  	s16 =	sshll.u32 s0, $0xA;
	s2 =	sadd.s32 s3, s2  }
0x8d: {  	s2 =	sadd.s32 s2, s16  }
0x8e: {  	[smem:$0x3FC2] =	sst s2  }
0x8f: {  	_ = 	snop  }
0x90: {  	(tm) =	ssettm $0x1  }
0x91: {  	s17 =	sld [smem:$0x3FFB];
	_ =	sdelay $0x3  }
0x92: {  	_ =	strace s17  }
0x93: {  	s2 =	sld [smem:$0x3FFC];
	_ =	sdelay $0x3  }
0x94: {  	_ =	strace s2  }
0x95: {  	s2 =	sld [smem:$0x3FFD];
	_ =	sdelay $0x3  }
0x96: {  	_ =	strace s2  }
0x97: {  	_ =	strace $0x8FFFFFFF  }
0x98: {  	s18 =	sld [smem:$0x3FDB];
	_ =	sdelay $0x1  }
0x99: {  	s19 =	simm.s32 $_scs_section_size  }
0x9a: {  	s4 =	simm.s32 $_size__tile_overlayer_lowered;
	s5 =	simm.s32 $_tile_overlayer_lowered  }
0x9b: {  	s22 =	simm.s32 $0x1BFF;
	s21 =	sshll.u32 s5, $0x1;
	s2 =	sadd.s32 s19, s18  }
0x9c: {  	s6 =	simm.s32 $0x0;
	s20 =	sshll.u32 s4, $0x1;
	s4 =	sadd.s32 s21, s2  }
0x9d: {  	[timem:s6], [sflag:s22] =	dma.local [hbm:s4], s20  }
0x9e: {  	_ =	swait.ge [sflag:s22], s20  }
0x9f: {  	s3 =	ssub.s32 $0x0, s20;
	[sflag:s22] =	ssyncset.done $0x0  }
0xa0: {  	[sflag:s22] =	ssyncadd.s32 s3;
	_ =	sdelay $0x1  }
0xa1: {  	s23 =	simm.s32 $0x1B8B  }
0xa2: {  	_ =	swait.ge [sflag:s23], $0x1  }
0xa3: {  	[sflag:s23] =	ssyncset.done $0x0  }
0xa4: {  	s25 =	simm.s32 $0x1B8E;
	s24 =	sld [smem:$0x3FFE];
	[sflag:s23] =	ssyncadd.s32 $0xFFFFFFFF  }
0xa5: {  	s26 =	simm.s32 $execute0_lowered;
	[smem:$0x3FD2] =	sst s25  }
0xa6: {  	s4 =	sshll.u32 s26, $0x1;
	_ =	strace $0x80000046;
	[dreg:$0x1] =	wrdreg $0xFFFFFFFF  }
0xa7: {  	s28 =	simm.s32 $_size_execute0_lowered;
	s2 =	sadd.s32 s2, s4;
	[dreg:$0x0] =	wrdreg $0x0  }
0xa8: {  	s4 =	sshll.u32 s28, $0x1;
	[dreg:$0x2] =	wrdreg s2  }
0xa9: {  	[dreg:$0x3] =	wrdreg s4  }
0xaa: {  	[dreg:$0x4] =	wrdreg $0xC0  }
0xab: {  	_ =	task [dreg:s6], $0x5FFFF  }
0xac: {  	[dreg:$0x1] =	wrdreg $0xFFFFFFFF  }
0xad: {  	[dreg:$0x0] =	wrdreg $0x60  }
0xae: {  	[dreg:$0x2] =	wrdreg s24  }
0xaf: {  	[dreg:$0x3] =	wrdreg $0x53000  }
0xb0: {  	[dreg:$0x4] =	wrdreg $0x9  }
0xb1: {  	_ =	task.clear_ibuf [dreg:s6], $0x5FFFF;
	_ =	strace $0x90000046  }
0xb2: {  	s29 =	simm.s32 $0x9;
	_ =	strace $0x80000048  }
0xb3: {  	_ =	swait.ge [sflag:s29], $0x1  }
0xb4: {  	[sflag:s29] =	ssyncadd.s32 $0xFFFFFFFF  }
0xb5: {  	_ =	strace $0x90000048  }
0xb6: {  	_ =	sfence  }
0xb7: {  	s30 =	sld [smem:$0x0];
	_ =	sdelay $0x2  }
0xb8: {  	s31 =	sshll.u32 s1, $0xD;
	s1 =	sshrl.u32 s1, $0x2  }
0xb9: {  	s3 =	sand.u32 $0x4000, s31;
	s1 =	sadd.s32 s1, s30  }
0xba: {  	s0 =	sor.u32 s3, s0;
	s1 =	sshll.u32 s1, $0x11  }
0xbb: {  	s0 =	sor.u32 s1, s0  }
0xbc: {  	s0 =	sadd.s32 $0x8F2B, s0  }
0xbd: {  	[sflag:s0] =	ssyncadd.remote.s32 $0x1  }
0xbe: {  	_ =	sfence.sel $0xFFFF  }
0xbf: {  	[dreg:$0x0] =	wrdreg $0xFFFFFFFF;
	(pc) =	sbr.abs _section_cstart, $3  }
0xc0: {  	[dreg:$0x1] =	wrdreg $0xFFFFFFFF  }
0xc1: {  	_ =	task.clear_ibuf [dreg:s6], $0x2FFFF;
	_ =	strace $0x9FFFFFFF  }
0xc2: {  	(tm) =	ssettm $0x7FFFFFFF  }
0xc3: {  	_ =	shalt  }
tec
execute0_lowered:
.L_overlay_start_1:
0x0: {  	(tag) =	ssettag $0x1  }
0x1: {  	s4 =	rddreg [dreg:$0x0]  }
0x2: {  	s2 =	rddreg [dreg:$0x1]  }
0x3: {  	s0 =	srdreg.scid;
	s1 =	rddreg [dreg:$0x2];
	s3 =	simm.s32 $0x0  }
0x4: {  	s10 =	simm.s32 $0x7D;
	s11 =	simm.s32 $0x2800;
	s5 =	sand.u32 $0x1, s0  }
0x5: {  	s12 =	simm.s32 $0x1;
	s0 =	stileid.u32;
	s6 =	smul.u32 $0x28000, s5  }
0x6: {  	s13 =	simm.s32 $0x2B00;
	s7 =	smul.u32 $0x2800, s0;
	s8 =	sshll.u32 s5, $0x4  }
0x7: {  	s14 =	simm.s32 $0x0;
	s31 =	smul.u32 $0xA00, s0;
	s8 =	sor.u32 s0, s8  }
0x8: {  	[smem:$0x7FF] =	sst s3;
	s5 =	ssub.s32 $0x2, s5;
	s30 =	smul.u32 $0x2800, s8  }
0x9: {  	_ =	strace $0x80000047;
	s9 =	sshrl.u32 s5, $0x1;
	s6 =	sadd.s32 s7, s6  }
0xa: {  	s8 =	sshrl.u32 s31, $0x2;
	s6 =	sshrl.u32 s6, $0x3;
	s7 =	sshrl.u32 s30, $0x3  }
0xb: {  	s9 =	ssub.s32 s5, s9;
	s6 =	sadd.s32 s6, s4;
	s7 =	sadd.s32 s4, s7  }
0xc: {  	s4 =	sadd.s32 s8, s2;
	s6 =	sadd.s32 $0x16400, s6;
	s8 =	simm.s32 $0x2880  }
0xd: {  	v0 =	vimm.f32 $0.0e+00;
	v1 =	vimm.f32 $1.000000000e+00;
	s5 =	sadd.s32 $0xC400, s7;
	s7 =	smax.u32 s9, $0x1;
	s9 =	simm.s32 $0x2  }
.LBB2_1:
0xe: {  	[tilespmem:$0x2880] =	vst v0  }
0xf: {  	[tilespmem:$0x2890] =	vst v0  }
0x10: {  	[tilespmem:$0x28A0] =	vst v0  }
0x11: {  	[tilespmem:$0x28B0] =	vst v0  }
0x12: {  	[tilespmem:$0x28C0] =	vst v0  }
0x13: {  	[tilespmem:$0x28D0] =	vst v0  }
0x14: {  	[tilespmem:$0x28E0] =	vst v0  }
0x15: {  	[tilespmem:$0x28F0] =	vst v0  }
0x16: {  	[tilespmem:$0x2900] =	vst v0  }
0x17: {  	[tilespmem:$0x2910] =	vst v0  }
0x18: {  	[tilespmem:$0x2920] =	vst v0  }
0x19: {  	[tilespmem:$0x2930] =	vst v0  }
0x1a: {  	[tilespmem:$0x2940] =	vst v0  }
0x1b: {  	[tilespmem:$0x2950] =	vst v0  }
0x1c: {  	[tilespmem:$0x2960] =	vst v0  }
0x1d: {  	[tilespmem:$0x2970] =	vst v0  }
0x1e: {  	[tilespmem:$0x2980] =	vst v0  }
0x1f: {  	[tilespmem:$0x2990] =	vst v0  }
0x20: {  	[tilespmem:$0x29A0] =	vst v0  }
0x21: {  	[tilespmem:$0x29B0] =	vst v0  }
0x22: {  	[tilespmem:$0x29C0] =	vst v0  }
0x23: {  	[tilespmem:$0x29D0] =	vst v0  }
0x24: {  	[tilespmem:$0x29E0] =	vst v0  }
0x25: {  	[tilespmem:$0x29F0] =	vst v0  }
0x26: {  	[tilespmem:$0x2A00] =	vst v0  }
0x27: {  	[tilespmem:$0x2A10] =	vst v0  }
0x28: {  	[tilespmem:$0x2A20] =	vst v0  }
0x29: {  	[tilespmem:$0x2A30] =	vst v0  }
0x2a: {  	[tilespmem:$0x2A40] =	vst v0  }
0x2b: {  	[tilespmem:$0x2A50] =	vst v0  }
0x2c: {  	[tilespmem:$0x2A60] =	vst v0  }
0x2d: {  	[tilespmem:$0x2A70] =	vst v0  }
0x2e: {  	[tilespmem:$0x2A80] =	vst v0  }
0x2f: {  	[tilespmem:$0x2A90] =	vst v0  }
0x30: {  	[tilespmem:$0x2AA0] =	vst v0  }
0x31: {  	[tilespmem:$0x2AB0] =	vst v0  }
0x32: {  	[tilespmem:$0x2AC0] =	vst v0  }
0x33: {  	[tilespmem:$0x2AD0] =	vst v0  }
0x34: {  	[tilespmem:$0x2AE0] =	vst v0  }
0x35: {  	[tilespmem:$0x2AF0] =	vst v0  }
0x36: {  	[tilespmem:$0x2800] =	vst v1  }
0x37: {  	[tilespmem:$0x2810] =	vst v1  }
0x38: {  	[tilespmem:$0x2820] =	vst v1  }
0x39: {  	[tilespmem:$0x2830] =	vst v1  }
0x3a: {  	[tilespmem:$0x2840] =	vst v1  }
0x3b: {  	[tilespmem:$0x2850] =	vst v1  }
0x3c: {  	[tilespmem:$0x2860] =	vst v1  }
0x3d: {  	[tilespmem:$0x286D] =	vst v1  }
0x3e: {  	[spmem:s4] =	stream.linear.scatter [tilespmem:s8], [sflag:$0x2], $0x280, $0x38;
	[tilespmem:$0x5580] =	vst v63  }
0x3f: {  	_ =	swait.ge [sflag:s9], $0x280  }
0x40: {  	[sflag:s9] =	ssyncset.done $0x0  }
0x41: {  	[sflag:s9] =	ssyncadd.s32 $0xFFFFFD80  }
0x42: {  	[tilespmem:s3], [sflag:$0x2] =	stream.linear.gather [hbm4b:s5+s3], $0x2800, $0x38;
	[tilespmem:$0x5580] =	vst v63  }
0x43: {  	_ =	swait.ge [sflag:s9], $0x2800  }
0x44: {  	[sflag:s9] =	ssyncset.done $0x0  }
0x45: {  	[sflag:s9] =	ssyncadd.s32 $0xFFFFD800  }
0x46: {  	s15 =	simm.s32 $0x0;
	[bflag:$0x0] =	sbarrier.arrive $0xFFFF  }
0x47: {  	[spmem:s2] =	stream.indirect.scatter.add.f32 [tilespmem:s11], [sflag:$0x1], $0x1, s15, s10, $0xb8;
	[tilespmem:$0x5580] =	vst v63  }
0x48: {  	s24 =	simm.s32 $0x80  }
0x49: {  	[spmem:s2] =	stream.indirect.scatter.add.f32 [tilespmem:s11], [sflag:$0x1], $0x1, s24, s10, $0xb8;
	[tilespmem:$0x5580] =	vst v63  }
0x4a: {  	s25 =	simm.s32 $0x100  }
0x4b: {  	[spmem:s2] =	stream.indirect.scatter.add.f32 [tilespmem:s11], [sflag:$0x1], $0x1, s25, s10, $0xb8;
	[tilespmem:$0x5580] =	vst v63  }
0x4c: {  	s26 =	simm.s32 $0x180  }
0x4d: {  	[spmem:s2] =	stream.indirect.scatter.add.f32 [tilespmem:s11], [sflag:$0x1], $0x1, s26, s10, $0xb8;
	[tilespmem:$0x5580] =	vst v63  }
0x4e: {  	s28 =	simm.s32 $0x200  }
0x4f: {  	[spmem:s2] =	stream.indirect.scatter.add.f32 [tilespmem:s11], [sflag:$0x1], $0x1, s28, s10, $0xb8;
	[tilespmem:$0x5580] =	vst v63  }
0x50: {  	s29 =	simm.s32 $0x280  }
0x51: {  	[spmem:s2] =	stream.indirect.scatter.add.f32 [tilespmem:s11], [sflag:$0x1], $0x1, s29, s10, $0xb8;
	[tilespmem:$0x5580] =	vst v63  }
0x52: {  	s30 =	simm.s32 $0x300  }
0x53: {  	[spmem:s2] =	stream.indirect.scatter.add.f32 [tilespmem:s11], [sflag:$0x1], $0x1, s30, s10, $0xb8;
	[tilespmem:$0x5580] =	vst v63  }
0x54: {  	s31 =	simm.s32 $0x380  }
0x55: {  	[spmem:s2] =	stream.indirect.scatter.add.f32 [tilespmem:s11], [sflag:$0x1], $0x1, s31, s10, $0xb8;
	[tilespmem:$0x5580] =	vst v63  }
0x56: {  	_ =	swait.ge [sflag:s12], $0x7D  }
0x57: {  	[sflag:s12] =	ssyncset.done $0x0  }
0x58: {  	[sflag:s12] =	ssyncadd.s32 $0xFFFFFF83  }
0x59: {  	_ =	swait.ge [sflag:s12], $0x7D  }
0x5a: {  	[sflag:s12] =	ssyncset.done $0x0  }
0x5b: {  	[sflag:s12] =	ssyncadd.s32 $0xFFFFFF83  }
0x5c: {  	_ =	swait.ge [sflag:s12], $0x7D  }
0x5d: {  	[sflag:s12] =	ssyncset.done $0x0  }
0x5e: {  	[sflag:s12] =	ssyncadd.s32 $0xFFFFFF83  }
0x5f: {  	_ =	swait.ge [sflag:s12], $0x7D  }
0x60: {  	[sflag:s12] =	ssyncset.done $0x0  }
0x61: {  	[sflag:s12] =	ssyncadd.s32 $0xFFFFFF83  }
0x62: {  	_ =	swait.ge [sflag:s12], $0x7D  }
0x63: {  	[sflag:s12] =	ssyncset.done $0x0  }
0x64: {  	[sflag:s12] =	ssyncadd.s32 $0xFFFFFF83  }
0x65: {  	_ =	swait.ge [sflag:s12], $0x7D  }
0x66: {  	[sflag:s12] =	ssyncset.done $0x0  }
0x67: {  	[sflag:s12] =	ssyncadd.s32 $0xFFFFFF83  }
0x68: {  	_ =	swait.ge [sflag:s12], $0x7D  }
0x69: {  	[sflag:s12] =	ssyncset.done $0x0  }
0x6a: {  	[sflag:s12] =	ssyncadd.s32 $0xFFFFFF83  }
0x6b: {  	_ =	swait.ge [sflag:s12], $0x7D  }
0x6c: {  	s17 =	simm.s32 $0x2000;
	s15 =	simm.s32 $0x1000;
	[sflag:s12] =	ssyncset.done $0x0  }
.LBB2_2:
0x6d: {  	s18 =	sshra.s32 s15, $0x2  }
0x6e: {  	[sflag:s12] =	ssyncadd.s32 $0xFFFFFF83;
	s15 =	smov.u32 s17;
	s16 =	sadd.s32 $0x1000, s17  }
0x6f: {  	[spmem:s2] =	stream.indirect.scatter.add.f32 [tilespmem:s11], [sflag:$0x1], $0x1, s18, s10, $0xb8;
	[tilespmem:$0x5580] =	vst v63  }
0x70: {  	p0 =	sne.s32 s17, $0x9000;
	s17 =	sadd.s32 $0x80, s18  }
0x71: {  	[spmem:s2] =	stream.indirect.scatter.add.f32 [tilespmem:s11], [sflag:$0x1], $0x1, s17, s10, $0xb8;
	[tilespmem:$0x5580] =	vst v63  }
0x72: {  	s17 =	sadd.s32 $0x100, s18  }
0x73: {  	[spmem:s2] =	stream.indirect.scatter.add.f32 [tilespmem:s11], [sflag:$0x1], $0x1, s17, s10, $0xb8;
	[tilespmem:$0x5580] =	vst v63  }
0x74: {  	s17 =	sadd.s32 $0x180, s18  }
0x75: {  	[spmem:s2] =	stream.indirect.scatter.add.f32 [tilespmem:s11], [sflag:$0x1], $0x1, s17, s10, $0xb8;
	[tilespmem:$0x5580] =	vst v63  }
0x76: {  	s17 =	sadd.s32 $0x200, s18  }
0x77: {  	[spmem:s2] =	stream.indirect.scatter.add.f32 [tilespmem:s11], [sflag:$0x1], $0x1, s17, s10, $0xb8;
	[tilespmem:$0x5580] =	vst v63  }
0x78: {  	s17 =	sadd.s32 $0x280, s18  }
0x79: {  	[spmem:s2] =	stream.indirect.scatter.add.f32 [tilespmem:s11], [sflag:$0x1], $0x1, s17, s10, $0xb8;
	[tilespmem:$0x5580] =	vst v63  }
0x7a: {  	s17 =	sadd.s32 $0x300, s18  }
0x7b: {  	[spmem:s2] =	stream.indirect.scatter.add.f32 [tilespmem:s11], [sflag:$0x1], $0x1, s17, s10, $0xb8;
	[tilespmem:$0x5580] =	vst v63  }
0x7c: {  	s17 =	sadd.s32 $0x380, s18  }
0x7d: {  	[spmem:s2] =	stream.indirect.scatter.add.f32 [tilespmem:s11], [sflag:$0x1], $0x1, s17, s10, $0xb8;
	[tilespmem:$0x5580] =	vst v63  }
0x7e: {  	_ =	swait.ge [sflag:s12], $0x7D  }
0x7f: {  	[sflag:s12] =	ssyncset.done $0x0  }
0x80: {  	[sflag:s12] =	ssyncadd.s32 $0xFFFFFF83  }
0x81: {  	_ =	swait.ge [sflag:s12], $0x7D  }
0x82: {  	[sflag:s12] =	ssyncset.done $0x0  }
0x83: {  	[sflag:s12] =	ssyncadd.s32 $0xFFFFFF83  }
0x84: {  	_ =	swait.ge [sflag:s12], $0x7D  }
0x85: {  	[sflag:s12] =	ssyncset.done $0x0  }
0x86: {  	[sflag:s12] =	ssyncadd.s32 $0xFFFFFF83  }
0x87: {  	_ =	swait.ge [sflag:s12], $0x7D  }
0x88: {  	[sflag:s12] =	ssyncset.done $0x0  }
0x89: {  	[sflag:s12] =	ssyncadd.s32 $0xFFFFFF83  }
0x8a: {  	_ =	swait.ge [sflag:s12], $0x7D  }
0x8b: {  	[sflag:s12] =	ssyncset.done $0x0  }
0x8c: {  	[sflag:s12] =	ssyncadd.s32 $0xFFFFFF83  }
0x8d: {  	_ =	swait.ge [sflag:s12], $0x7D  }
0x8e: {  	[sflag:s12] =	ssyncset.done $0x0  }
0x8f: {  	[sflag:s12] =	ssyncadd.s32 $0xFFFFFF83  }
.Ltmp0:
0x90: {  	_ =	swait.ge [sflag:s12], $0x7D;
	(pc) =	sbr.rel @p0 .LBB2_2-.Ltmp0, $4  }
0x91: {  	[sflag:s12] =	ssyncset.done $0x0  }
0x92: {  	[sflag:s12] =	ssyncadd.s32 $0xFFFFFF83  }
0x93: {  	_ =	swait.ge [sflag:s12], $0x7D  }
0x94: {  	s17 =	smov.u32 s16;
	[sflag:s12] =	ssyncset.done $0x0  }
0x95: {  	s15 =	sshra.s32 s15, $0x2;
	[sflag:s12] =	ssyncadd.s32 $0xFFFFFF83  }
0x96: {  	[spmem:s2] =	stream.indirect.scatter.add.f32 [tilespmem:s11], [sflag:$0x1], $0x1, s15, s10, $0xb8;
	[tilespmem:$0x5580] =	vst v63  }
0x97: {  	s16 =	sadd.s32 $0x80, s15  }
0x98: {  	[spmem:s2] =	stream.indirect.scatter.add.f32 [tilespmem:s11], [sflag:$0x1], $0x1, s16, s10, $0xb8;
	[tilespmem:$0x5580] =	vst v63  }
0x99: {  	s25 =	sadd.s32 $0x100, s15  }
0x9a: {  	[spmem:s2] =	stream.indirect.scatter.add.f32 [tilespmem:s11], [sflag:$0x1], $0x1, s25, s10, $0xb8;
	[tilespmem:$0x5580] =	vst v63  }
0x9b: {  	s26 =	sadd.s32 $0x180, s15  }
0x9c: {  	[spmem:s2] =	stream.indirect.scatter.add.f32 [tilespmem:s11], [sflag:$0x1], $0x1, s26, s10, $0xb8;
	[tilespmem:$0x5580] =	vst v63  }
0x9d: {  	s28 =	sadd.s32 $0x200, s15  }
0x9e: {  	[spmem:s2] =	stream.indirect.scatter.add.f32 [tilespmem:s11], [sflag:$0x1], $0x1, s28, s10, $0xb8;
	[tilespmem:$0x5580] =	vst v63  }
0x9f: {  	s29 =	sadd.s32 $0x280, s15  }
0xa0: {  	[spmem:s2] =	stream.indirect.scatter.add.f32 [tilespmem:s11], [sflag:$0x1], $0x1, s29, s10, $0xb8;
	[tilespmem:$0x5580] =	vst v63  }
0xa1: {  	s30 =	sadd.s32 $0x300, s15  }
0xa2: {  	[spmem:s2] =	stream.indirect.scatter.add.f32 [tilespmem:s11], [sflag:$0x1], $0x1, s30, s10, $0xb8;
	[tilespmem:$0x5580] =	vst v63  }
0xa3: {  	s15 =	sadd.s32 $0x380, s15  }
0xa4: {  	[spmem:s2] =	stream.indirect.scatter.add.f32 [tilespmem:s11], [sflag:$0x1], $0x1, s15, s10, $0xb8;
	[tilespmem:$0x5580] =	vst v63  }
0xa5: {  	_ =	swait.ge [sflag:s12], $0x7D  }
0xa6: {  	[sflag:s12] =	ssyncset.done $0x0  }
0xa7: {  	[sflag:s12] =	ssyncadd.s32 $0xFFFFFF83  }
0xa8: {  	_ =	swait.ge [sflag:s12], $0x7D  }
0xa9: {  	[sflag:s12] =	ssyncset.done $0x0  }
0xaa: {  	[sflag:s12] =	ssyncadd.s32 $0xFFFFFF83  }
0xab: {  	_ =	swait.ge [sflag:s12], $0x7D  }
0xac: {  	[sflag:s12] =	ssyncset.done $0x0  }
0xad: {  	[sflag:s12] =	ssyncadd.s32 $0xFFFFFF83  }
0xae: {  	_ =	swait.ge [sflag:s12], $0x7D  }
0xaf: {  	[sflag:s12] =	ssyncset.done $0x0  }
0xb0: {  	[sflag:s12] =	ssyncadd.s32 $0xFFFFFF83  }
0xb1: {  	_ =	swait.ge [sflag:s12], $0x7D  }
0xb2: {  	[sflag:s12] =	ssyncset.done $0x0  }
0xb3: {  	[sflag:s12] =	ssyncadd.s32 $0xFFFFFF83  }
0xb4: {  	_ =	swait.ge [sflag:s12], $0x7D  }
0xb5: {  	[sflag:s12] =	ssyncset.done $0x0  }
0xb6: {  	[sflag:s12] =	ssyncadd.s32 $0xFFFFFF83  }
0xb7: {  	_ =	swait.ge [sflag:s12], $0x7D  }
0xb8: {  	[sflag:s12] =	ssyncset.done $0x0  }
0xb9: {  	[sflag:s12] =	ssyncadd.s32 $0xFFFFFF83  }
0xba: {  	_ =	swait.ge [sflag:s12], $0x7D  }
0xbb: {  	[sflag:s12] =	ssyncset.done $0x0  }
0xbc: {  	[sflag:s12] =	ssyncadd.s32 $0xFFFFFF83  }
0xbd: {  	[bflag:$0x0] =	sbarrier.arrive $0xFFFF  }
0xbe: {  	[tilespmem:s8], [sflag:$0x2] =	stream.linear.gather [spmem:s4], $0x280, $0x38;
	[tilespmem:$0x5580] =	vst v63  }
0xbf: {  	_ =	swait.ge [sflag:s9], $0x280  }
0xc0: {  	[sflag:s9] =	ssyncset.done $0x0  }
0xc1: {  	s31 =	simm.s32 $0x0;
	[sflag:s9] =	ssyncadd.s32 $0xFFFFFD80  }
0xc2: {  	v2 =	vld [tilespmem:s31+$0x2880];
	_ =	sdelay $0x4  }
0xc3: {  	v2 =	vadd.f32 $0.0e+00, v2;
	_ =	sdelay $0x1  }
0xc4: {  	v3 =	vbroadcast v2, $0x0  }
0xc5: {  	s15 =	simm.s32 $0x2B80;
	v4 =	vbroadcast v2, $0x1  }
0xc6: {  	v5 =	vbroadcast v2, $0x2;
	[tilespmem:s15+$0xFFFFFF80] =	vst v3  }
0xc7: {  	v56 =	vbroadcast v2, $0x4;
	[tilespmem:s15+$0xFFFFFF90] =	vst v4  }
0xc8: {  	v57 =	vbroadcast v2, $0x5;
	[tilespmem:s15+$0xFFFFFFA0] =	vst v5  }
0xc9: {  	v58 =	vbroadcast v2, $0x7;
	[tilespmem:s15+$0xFFFFFFC0] =	vst v56  }
0xca: {  	v59 =	vbroadcast v2, $0x8;
	[tilespmem:s15+$0xFFFFFFD0] =	vst v57  }
0xcb: {  	v60 =	vbroadcast v2, $0xA;
	[tilespmem:s15+$0xFFFFFFF0] =	vst v58  }
0xcc: {  	v3 =	vbroadcast v2, $0x3;
	[tilespmem:s15+$0x0] =	vst v59  }
0xcd: {  	v61 =	vbroadcast v2, $0xB;
	[tilespmem:s15+$0x20] =	vst v60  }
0xce: {  	[tilespmem:s15+$0xFFFFFFB0] =	vst v3;
	v3 =	vbroadcast v2, $0x6  }
0xcf: {  	v62 =	vbroadcast v2, $0xD;
	[tilespmem:s15+$0x30] =	vst v61  }
0xd0: {  	[tilespmem:s15+$0xFFFFFFE0] =	vst v3;
	v3 =	vbroadcast v2, $0x9  }
0xd1: {  	v63 =	vbroadcast v2, $0xE;
	[tilespmem:s15+$0x50] =	vst v62  }
0xd2: {  	[tilespmem:s15+$0x10] =	vst v3;
	v3 =	vbroadcast v2, $0xC  }
0xd3: {  	[tilespmem:s15+$0x60] =	vst v63;
	v2 =	vbroadcast v2, $0xF  }
0xd4: {  	[tilespmem:s15+$0x40] =	vst v3  }
0xd5: {  	s17 =	simm.s32 $0x10;
	s16 =	simm.s32 $0x80;
	[tilespmem:s15+$0x70] =	vst v2  }
.LBB2_4:
0xd6: {  	p0 =	sne.s32 s16, $0x9C0;
	v2 =	vld [tilespmem:s17+$0x2880];
	_ =	sdelay $0x4  }
0xd7: {  	v2 =	vadd.f32 $0.0e+00, v2;
	_ =	sdelay $0x1  }
0xd8: {  	v3 =	vbroadcast v2, $0x0;
	v4 =	vbroadcast v2, $0x1  }
0xd9: {  	s15 =	sadd.s32 $0x100, s15;
	v5 =	vbroadcast v2, $0x2;
	v6 =	vbroadcast v2, $0x3  }
0xda: {  	v7 =	vbroadcast v2, $0x5;
	[tilespmem:s15+$0xFFFFFF80] =	vst v3;
	v3 =	vbroadcast v2, $0x4  }
0xdb: {  	v8 =	vbroadcast v2, $0x7;
	[tilespmem:s15+$0xFFFFFF90] =	vst v4;
	v4 =	vbroadcast v2, $0x6  }
0xdc: {  	v9 =	vbroadcast v2, $0x9;
	[tilespmem:s15+$0xFFFFFFA0] =	vst v5;
	v5 =	vbroadcast v2, $0x8  }
0xdd: {  	v10 =	vbroadcast v2, $0xB;
	[tilespmem:s15+$0xFFFFFFB0] =	vst v6;
	v6 =	vbroadcast v2, $0xA  }
0xde: {  	v11 =	vbroadcast v2, $0xD;
	[tilespmem:s15+$0xFFFFFFC0] =	vst v3;
	v3 =	vbroadcast v2, $0xC  }
0xdf: {  	[tilespmem:s15+$0xFFFFFFD0] =	vst v7;
	v7 =	vbroadcast v2, $0xE;
	v2 =	vbroadcast v2, $0xF  }
0xe0: {  	[tilespmem:s15+$0xFFFFFFE0] =	vst v4  }
0xe1: {  	[tilespmem:s15+$0xFFFFFFF0] =	vst v8  }
0xe2: {  	[tilespmem:s15+$0x0] =	vst v5  }
0xe3: {  	[tilespmem:s15+$0x10] =	vst v9  }
0xe4: {  	[tilespmem:s15+$0x20] =	vst v6  }
.Ltmp1:
0xe5: {  	[tilespmem:s15+$0x30] =	vst v10;
	(pc) =	sbr.rel @p0 .LBB2_4-.Ltmp1, $4  }
0xe6: {  	[tilespmem:s15+$0x40] =	vst v3  }
0xe7: {  	[tilespmem:s15+$0x50] =	vst v11  }
0xe8: {  	[tilespmem:s15+$0x60] =	vst v7  }
0xe9: {  	s17 =	sshra.s32 s16, $0x2;
	s16 =	sadd.s32 $0x40, s16;
	[tilespmem:s15+$0x70] =	vst v2  }
0xea: {  	v2 =	vld [tilespmem:s17+$0x2880];
	_ =	sdelay $0x4  }
0xeb: {  	v2 =	vadd.f32 $0.0e+00, v2;
	_ =	sdelay $0x1  }
0xec: {  	v3 =	vbroadcast v2, $0x0  }
0xed: {  	s15 =	sadd.s32 $0x100, s15;
	v4 =	vbroadcast v2, $0x1  }
0xee: {  	v5 =	vbroadcast v2, $0x2;
	[tilespmem:s15+$0xFFFFFF80] =	vst v3  }
0xef: {  	v56 =	vbroadcast v2, $0x4;
	[tilespmem:s15+$0xFFFFFF90] =	vst v4  }
0xf0: {  	v57 =	vbroadcast v2, $0x5;
	[tilespmem:s15+$0xFFFFFFA0] =	vst v5  }
0xf1: {  	v58 =	vbroadcast v2, $0x7;
	[tilespmem:s15+$0xFFFFFFC0] =	vst v56  }
0xf2: {  	v59 =	vbroadcast v2, $0x8;
	[tilespmem:s15+$0xFFFFFFD0] =	vst v57  }
0xf3: {  	v60 =	vbroadcast v2, $0xA;
	[tilespmem:s15+$0xFFFFFFF0] =	vst v58  }
0xf4: {  	v3 =	vbroadcast v2, $0x3;
	[tilespmem:s15+$0x0] =	vst v59  }
0xf5: {  	v61 =	vbroadcast v2, $0xB;
	[tilespmem:s15+$0x20] =	vst v60  }
0xf6: {  	[tilespmem:s15+$0xFFFFFFB0] =	vst v3;
	v3 =	vbroadcast v2, $0x6  }
0xf7: {  	v62 =	vbroadcast v2, $0xD;
	[tilespmem:s15+$0x30] =	vst v61  }
0xf8: {  	[tilespmem:s15+$0xFFFFFFE0] =	vst v3;
	v3 =	vbroadcast v2, $0x9  }
0xf9: {  	v63 =	vbroadcast v2, $0xE;
	[tilespmem:s15+$0x50] =	vst v62  }
0xfa: {  	[tilespmem:s15+$0x10] =	vst v3;
	v3 =	vbroadcast v2, $0xC  }
0xfb: {  	s14 =	sadd.s32 $0x1, s14;
	[tilespmem:s15+$0x60] =	vst v63;
	v2 =	vbroadcast v2, $0xF  }
0xfc: {  	p0 =	sne.s32 s14, s7;
	[tilespmem:s15+$0x40] =	vst v3  }
.Ltmp2:
0xfd: {  	[tilespmem:s15+$0x70] =	vst v2;
	(pc) =	sbr.rel @p0 .LBB2_1-.Ltmp2, $4  }
0xfe: {  	[hbm4b:s6+s3] =	stream.linear.scatter [tilespmem:s13], [sflag:$0x2], $0x2800, $0x38;
	[tilespmem:$0x5580] =	vst v63  }
0xff: {  	_ =	swait.ge [sflag:s9], $0x2800  }
0x100: {  	[sflag:s9] =	ssyncset.done $0x0  }
0x101: {  	[sflag:s9] =	ssyncadd.s32 $0xFFFFD800  }
0x102: {  	_ =	sfence.sel $0x180000  }
0x103: {  	[bflag:$0x0] =	sbarrier.arrive $0xFFFF  }
0x104: {  	p0 =	sne.s32 s0, $0x0;
	_ =	strace $0x90000047  }
0x105: {  	s0 =	sadd.s32 @!p0 $0x100000, s1;
	[bflag:$0x2] =	sbarrier.arrive $0xFFFF  }
0x106: {  	[sflag:s0] =	ssyncadd.tile.s32 @!p0 $0x1;
	_ =	shalt  }
.Lfunc_end2:
_tile_overlayer_lowered:
.L_overlay_start_2:
0x107: {  	(tag) =	ssettag $0x2  }
0x108: {  	s0 =	rddreg [dreg:$0x0];
	s2 =	stileid.u32  }
0x109: {  	s1 =	rddreg [dreg:$0x1];
	p0 =	sne.s32 s2, $0x0  }
0x10a: {  	s3 =	rddreg [dreg:$0x2];
	[bflag:$0x3] =	sbarrier.arrive $0xFFFF;
	s2 =	simm.s32 @!p0 $0x1C02  }
0x10b: {  	[timem:s3], [sflag:s2] =	dma.local @!p0 [hbm:s0], s1  }
0x10c: {  	s0 =	simm.s32 @!p0 $0x2  }
0x10d: {  	_ =	swait.ge @!p0 [sflag:s0], s1  }
0x10e: {  	s1 =	ssub.s32 @!p0 $0x0, s1;
	[sflag:s0] =	ssyncset.done @!p0 $0x0  }
0x10f: {  	[sflag:s0] =	ssyncadd.s32 @!p0 s1  }
0x110: {  	[bflag:$0x3] =	sbarrier.arrive $0xFFFF  }
0x111: {  	_ =	shalt  }

</sc_bundles>
